<compile_context>
chip_gen: v7x
topology: tpu7x:2x2x1
jax: 0.10.2.dev20260603
libtpu: 0.0.44.dev20260713+nightly
codegen_flags: <defaults>
</compile_context>

<pallas_src>
import functools
import jax
import jax.numpy as jnp
from jax import lax
from jax.experimental import pallas as pl
from jax.experimental.pallas import tpu as pltpu
from jax.experimental.pallas import tpu_sc as plsc

ROWS, COLS = 320000, 128
NC, NS = 2, 16
NW = NC * NS
RPW = ROWS // NW
CH = 400
NCHUNK = RPW // CH
NG = COLS // 16


def _sc_body(m_hbm, out_hbm, buf0, buf1, accv, gbuf, shared, sem0, sem1):
    cid = lax.axis_index("c")
    sid = lax.axis_index("s")
    wid = sid * NC + cid
    base = wid * RPW

    bufs = (buf0, buf1)
    sems = (sem0, sem1)

    accs = tuple(jnp.full((16,), -jnp.inf, jnp.float32) for _ in range(NG))

    def row_body(buf):
        def body(r, accs):
            return tuple(
                jnp.maximum(accs[g], buf[r, pl.ds(g * 16, 16)]) for g in range(NG)
            )
        return body

    cp = pltpu.async_copy(m_hbm.at[pl.ds(base, CH), :], buf0, sem0)
    for k in range(NCHUNK):
        cur = bufs[k % 2]
        nxt_cp = None
        if k + 1 < NCHUNK:
            nxt = bufs[(k + 1) % 2]
            nxt_cp = pltpu.async_copy(
                m_hbm.at[pl.ds(base + (k + 1) * CH, CH), :], nxt, sems[(k + 1) % 2]
            )
        cp.wait()
        accs = lax.fori_loop(0, CH, row_body(cur), accs)
        cp = nxt_cp

    for g in range(NG):
        accv[pl.ds(g * 16, 16)] = accs[g]
    pltpu.sync_copy(accv, shared.at[sid])
    plsc.subcore_barrier()

    @pl.when(sid == 0)
    def _():
        pltpu.sync_copy(shared, gbuf)
        red = tuple(gbuf[0, pl.ds(g * 16, 16)] for g in range(NG))
        for s in range(1, NS):
            red = tuple(
                jnp.maximum(red[g], gbuf[s, pl.ds(g * 16, 16)]) for g in range(NG)
            )
        for g in range(NG):
            accv[pl.ds(g * 16, 16)] = red[g]
        pltpu.sync_copy(accv, out_hbm.at[cid])


def _combine_body(p_ref, o_ref):
    o_ref[...] = jnp.max(p_ref[...], axis=0, keepdims=True)


def kernel(M):
    mesh = plsc.VectorSubcoreMesh(core_axis_name="c", subcore_axis_name="s")
    sc_call = pl.kernel(
        _sc_body,
        mesh=mesh,
        out_type=jax.ShapeDtypeStruct((NC, COLS), jnp.float32),
        scratch_types=[
            pltpu.VMEM((CH, COLS), jnp.float32),
            pltpu.VMEM((CH, COLS), jnp.float32),
            pltpu.VMEM((COLS,), jnp.float32),
            pltpu.VMEM((NS, COLS), jnp.float32),
            pltpu.VMEM_SHARED((NS, COLS), jnp.float32),
            pltpu.SemaphoreType.DMA,
            pltpu.SemaphoreType.DMA,
        ],
    )
    partials = sc_call(M)
    out = pl.pallas_call(
        _combine_body,
        out_shape=jax.ShapeDtypeStruct((1, COLS), jnp.float32),
    )(partials)
    return out[0]

# --- scband reference (transcript-rebuilt; emitter-appended) ---
"""Pipeline reference for scband-message-max-agg-81819126988936 (READ-ONLY COPY).

The authoritative reference and input builder live on the scoring server;
editing this copy changes nothing except your own understanding.
"""

import jax, jax.numpy as jnp
import numpy as np

def setup_inputs(seed: int = 0) -> dict:
    key = jax.random.key(seed)
    M = jax.random.normal(key, (320000, 128), dtype=jnp.float32)
    return {"M": M}

def reference(M):
    # torch.max(M, 0)[0] -> max over dim 0, values only
    c = jnp.max(M, axis=0)
    return c

if __name__ == "__main__":
    import jax
    _d = setup_inputs()
    print(jax.jit(kernel)(*tuple(_d.values())))

</pallas_src>

<mosaic_0001>
#map = affine_map<(d0, d1) -> (0, 0)>
module attributes {stable_mosaic.version = 14 : i64} {
  func.func @_sc_body(%arg0: i32, %arg1: i32, %arg2: memref<320000x128xf32, #tpu.memory_space<hbm>>, %arg3: memref<2x128xf32, #tpu.memory_space<hbm>>, %arg4: memref<400x128xf32, #tpu.memory_space<vmem>>, %arg5: memref<400x128xf32, #tpu.memory_space<vmem>>, %arg6: memref<128xf32, #tpu.memory_space<vmem>>, %arg7: memref<16x128xf32, #tpu.memory_space<vmem>>, %arg8: memref<16x128xf32, #tpu.memory_space<vmem_shared>>, %arg9: memref<!tpu.dma_semaphore, #tpu.memory_space<semaphore_mem>>, %arg10: memref<!tpu.dma_semaphore, #tpu.memory_space<semaphore_mem>>) attributes {dimension_semantics = [#tpu.dimension_semantics<core_parallel>, #tpu.dimension_semantics<subcore_parallel>], iteration_bounds = array<i64: 2, 16>, scalar_prefetch = 0 : i64, scratch_operands = 7 : i64, tpu.core_type = #tpu.core_type<sc_vector_subcore>, window_params = [{transform_indices = #map}, {transform_indices = #map}]} {
    %mul3A = arith.constant 2 : i32
    %mul3A_0 = arith.muli %arg1, %mul3A : i32
    %add3A = arith.addi %mul3A_0, %arg0 : i32
    %mul3A_1 = arith.constant 10000 : i32
    %mul3A_2 = arith.muli %add3A, %mul3A_1 : i32
    %broadcast_in_dim3A = arith.constant 0xFF800000 : f32
    %broadcast_in_dim3A_3 = vector.broadcast %broadcast_in_dim3A : f32 to vector<16xf32>
    %broadcast_in_dim3A_4 = arith.constant 0xFF800000 : f32
    %broadcast_in_dim3A_5 = vector.broadcast %broadcast_in_dim3A_4 : f32 to vector<16xf32>
    %broadcast_in_dim3A_6 = arith.constant 0xFF800000 : f32
    %broadcast_in_dim3A_7 = vector.broadcast %broadcast_in_dim3A_6 : f32 to vector<16xf32>
    %broadcast_in_dim3A_8 = arith.constant 0xFF800000 : f32
    %broadcast_in_dim3A_9 = vector.broadcast %broadcast_in_dim3A_8 : f32 to vector<16xf32>
    %broadcast_in_dim3A_10 = arith.constant 0xFF800000 : f32
    %broadcast_in_dim3A_11 = vector.broadcast %broadcast_in_dim3A_10 : f32 to vector<16xf32>
    %broadcast_in_dim3A_12 = arith.constant 0xFF800000 : f32
    %broadcast_in_dim3A_13 = vector.broadcast %broadcast_in_dim3A_12 : f32 to vector<16xf32>
    %broadcast_in_dim3A_14 = arith.constant 0xFF800000 : f32
    %broadcast_in_dim3A_15 = vector.broadcast %broadcast_in_dim3A_14 : f32 to vector<16xf32>
    %broadcast_in_dim3A_16 = arith.constant 0xFF800000 : f32
    %broadcast_in_dim3A_17 = vector.broadcast %broadcast_in_dim3A_16 : f32 to vector<16xf32>
    %dma_start3A = arith.constant 0 : i32
    %dma_start3A_18 = tpu.memref_slice %arg2[%mul3A_2, %dma_start3A] : memref<320000x128xf32, #tpu.memory_space<hbm>> -> memref<400x128xf32, #tpu.memory_space<hbm>>
    %dma_start3A_19 = arith.constant 0 : i32
    %dma_start3A_20 = tpu.memref_slice %arg2[%mul3A_2, %dma_start3A_19] : memref<320000x128xf32, #tpu.memory_space<hbm>> -> memref<400x128xf32, #tpu.memory_space<hbm>>
    tpu.enqueue_dma source(%dma_start3A_20 : memref<400x128xf32, #tpu.memory_space<hbm>>) target(%arg4 : memref<400x128xf32, #tpu.memory_space<vmem>>) target_semaphore(%arg9 : memref<!tpu.dma_semaphore, #tpu.memory_space<semaphore_mem>>)
    %add3A_21 = arith.constant 400 : i32
    %add3A_22 = arith.addi %mul3A_2, %add3A_21 : i32
    %dma_start3A_23 = arith.constant 0 : i32
    %dma_start3A_24 = tpu.memref_slice %arg2[%add3A_22, %dma_start3A_23] : memref<320000x128xf32, #tpu.memory_space<hbm>> -> memref<400x128xf32, #tpu.memory_space<hbm>>
    %dma_start3A_25 = arith.constant 0 : i32
    %dma_start3A_26 = tpu.memref_slice %arg2[%add3A_22, %dma_start3A_25] : memref<320000x128xf32, #tpu.memory_space<hbm>> -> memref<400x128xf32, #tpu.memory_space<hbm>>
    tpu.enqueue_dma source(%dma_start3A_26 : memref<400x128xf32, #tpu.memory_space<hbm>>) target(%arg5 : memref<400x128xf32, #tpu.memory_space<vmem>>) target_semaphore(%arg10 : memref<!tpu.dma_semaphore, #tpu.memory_space<semaphore_mem>>)
    %dma_wait3A = arith.constant 0 : i32
    %dma_wait3A_27 = tpu.memref_slice %arg2[%mul3A_2, %dma_wait3A] : memref<320000x128xf32, #tpu.memory_space<hbm>> -> memref<400x128xf32, #tpu.memory_space<hbm>>
    %dma_wait3A_28 = arith.constant 0 : i32
    %dma_wait3A_29 = tpu.memref_slice %arg2[%mul3A_2, %dma_wait3A_28] : memref<320000x128xf32, #tpu.memory_space<hbm>> -> memref<400x128xf32, #tpu.memory_space<hbm>>
    tpu.wait_dma2 semaphore(%arg9 : memref<!tpu.dma_semaphore, #tpu.memory_space<semaphore_mem>>) src(%dma_wait3A_29 : memref<400x128xf32, #tpu.memory_space<hbm>>) dst(%arg4 : memref<400x128xf32, #tpu.memory_space<vmem>>)
    %scan3A = arith.constant 0 : i32
    %scan3A_30 = arith.constant 400 : i32
    %scan3A_31 = arith.addi %scan3A, %scan3A_30 : i32
    %scan3A_32 = arith.constant 1 : i32
    %scan3A_33:8 = scf.for %scan3A_446 = %scan3A to %scan3A_31 step %scan3A_32 iter_args(%scan3A_447 = %broadcast_in_dim3A_3, %scan3A_448 = %broadcast_in_dim3A_5, %scan3A_449 = %broadcast_in_dim3A_7, %scan3A_450 = %broadcast_in_dim3A_9, %scan3A_451 = %broadcast_in_dim3A_11, %scan3A_452 = %broadcast_in_dim3A_13, %scan3A_453 = %broadcast_in_dim3A_15, %scan3A_454 = %broadcast_in_dim3A_17) -> (vector<16xf32>, vector<16xf32>, vector<16xf32>, vector<16xf32>, vector<16xf32>, vector<16xf32>, vector<16xf32>, vector<16xf32>)  : i32 {
      %get3A = arith.index_cast %scan3A_446 : i32 to index
      %get3A_455 = arith.constant 0 : index
      %get3A_456 = tpu.vector_load %arg4[%get3A, %get3A_455] {strides = array<i32>} : memref<400x128xf32, #tpu.memory_space<vmem>>, vector<1x16xf32>,
      %get3A_457 = vector.shape_cast %get3A_456 : vector<1x16xf32> to vector<16xf32>
      %max3A = arith.maximumf %scan3A_447, %get3A_457 : vector<16xf32>
      %get3A_458 = arith.index_cast %scan3A_446 : i32 to index
      %get3A_459 = arith.constant 16 : index
      %get3A_460 = tpu.vector_load %arg4[%get3A_458, %get3A_459] {strides = array<i32>} : memref<400x128xf32, #tpu.memory_space<vmem>>, vector<1x16xf32>,
      %get3A_461 = vector.shape_cast %get3A_460 : vector<1x16xf32> to vector<16xf32>
      %max3A_462 = arith.maximumf %scan3A_448, %get3A_461 : vector<16xf32>
      %get3A_463 = arith.index_cast %scan3A_446 : i32 to index
      %get3A_464 = arith.constant 32 : index
      %get3A_465 = tpu.vector_load %arg4[%get3A_463, %get3A_464] {strides = array<i32>} : memref<400x128xf32, #tpu.memory_space<vmem>>, vector<1x16xf32>,
      %get3A_466 = vector.shape_cast %get3A_465 : vector<1x16xf32> to vector<16xf32>
      %max3A_467 = arith.maximumf %scan3A_449, %get3A_466 : vector<16xf32>
      %get3A_468 = arith.index_cast %scan3A_446 : i32 to index
      %get3A_469 = arith.constant 48 : index
      %get3A_470 = tpu.vector_load %arg4[%get3A_468, %get3A_469] {strides = array<i32>} : memref<400x128xf32, #tpu.memory_space<vmem>>, vector<1x16xf32>,
      %get3A_471 = vector.shape_cast %get3A_470 : vector<1x16xf32> to vector<16xf32>
      %max3A_472 = arith.maximumf %scan3A_450, %get3A_471 : vector<16xf32>
      %get3A_473 = arith.index_cast %scan3A_446 : i32 to index
      %get3A_474 = arith.constant 64 : index
      %get3A_475 = tpu.vector_load %arg4[%get3A_473, %get3A_474] {strides = array<i32>} : memref<400x128xf32, #tpu.memory_space<vmem>>, vector<1x16xf32>,
      %get3A_476 = vector.shape_cast %get3A_475 : vector<1x16xf32> to vector<16xf32>
      %max3A_477 = arith.maximumf %scan3A_451, %get3A_476 : vector<16xf32>
      %get3A_478 = arith.index_cast %scan3A_446 : i32 to index
      %get3A_479 = arith.constant 80 : index
      %get3A_480 = tpu.vector_load %arg4[%get3A_478, %get3A_479] {strides = array<i32>} : memref<400x128xf32, #tpu.memory_space<vmem>>, vector<1x16xf32>,
      %get3A_481 = vector.shape_cast %get3A_480 : vector<1x16xf32> to vector<16xf32>
      %max3A_482 = arith.maximumf %scan3A_452, %get3A_481 : vector<16xf32>
      %get3A_483 = arith.index_cast %scan3A_446 : i32 to index
      %get3A_484 = arith.constant 96 : index
      %get3A_485 = tpu.vector_load %arg4[%get3A_483, %get3A_484] {strides = array<i32>} : memref<400x128xf32, #tpu.memory_space<vmem>>, vector<1x16xf32>,
      %get3A_486 = vector.shape_cast %get3A_485 : vector<1x16xf32> to vector<16xf32>
      %max3A_487 = arith.maximumf %scan3A_453, %get3A_486 : vector<16xf32>
      %get3A_488 = arith.index_cast %scan3A_446 : i32 to index
      %get3A_489 = arith.constant 112 : index
      %get3A_490 = tpu.vector_load %arg4[%get3A_488, %get3A_489] {strides = array<i32>} : memref<400x128xf32, #tpu.memory_space<vmem>>, vector<1x16xf32>,
      %get3A_491 = vector.shape_cast %get3A_490 : vector<1x16xf32> to vector<16xf32>
      %max3A_492 = arith.maximumf %scan3A_454, %get3A_491 : vector<16xf32>
      scf.yield %max3A, %max3A_462, %max3A_467, %max3A_472, %max3A_477, %max3A_482, %max3A_487, %max3A_492 : vector<16xf32>, vector<16xf32>, vector<16xf32>, vector<16xf32>, vector<16xf32>, vector<16xf32>, vector<16xf32>, vector<16xf32>
    }
    %scan3A_34 = arith.constant 400 : i32
    %add3A_35 = arith.constant 800 : i32
    %add3A_36 = arith.addi %mul3A_2, %add3A_35 : i32
    %dma_start3A_37 = arith.constant 0 : i32
    %dma_start3A_38 = tpu.memref_slice %arg2[%add3A_36, %dma_start3A_37] : memref<320000x128xf32, #tpu.memory_space<hbm>> -> memref<400x128xf32, #tpu.memory_space<hbm>>
    %dma_start3A_39 = arith.constant 0 : i32
    %dma_start3A_40 = tpu.memref_slice %arg2[%add3A_36, %dma_start3A_39] : memref<320000x128xf32, #tpu.memory_space<hbm>> -> memref<400x128xf32, #tpu.memory_space<hbm>>
    tpu.enqueue_dma source(%dma_start3A_40 : memref<400x128xf32, #tpu.memory_space<hbm>>) target(%arg4 : memref<400x128xf32, #tpu.memory_space<vmem>>) target_semaphore(%arg9 : memref<!tpu.dma_semaphore, #tpu.memory_space<semaphore_mem>>)
    %dma_wait3A_41 = arith.constant 0 : i32
    %dma_wait3A_42 = tpu.memref_slice %arg2[%add3A_22, %dma_wait3A_41] : memref<320000x128xf32, #tpu.memory_space<hbm>> -> memref<400x128xf32, #tpu.memory_space<hbm>>
    %dma_wait3A_43 = arith.constant 0 : i32
    %dma_wait3A_44 = tpu.memref_slice %arg2[%add3A_22, %dma_wait3A_43] : memref<320000x128xf32, #tpu.memory_space<hbm>> -> memref<400x128xf32, #tpu.memory_space<hbm>>
    tpu.wait_dma2 semaphore(%arg10 : memref<!tpu.dma_semaphore, #tpu.memory_space<semaphore_mem>>) src(%dma_wait3A_44 : memref<400x128xf32, #tpu.memory_space<hbm>>) dst(%arg5 : memref<400x128xf32, #tpu.memory_space<vmem>>)
    %scan3A_45 = arith.constant 0 : i32
    %scan3A_46 = arith.constant 400 : i32
    %scan3A_47 = arith.addi %scan3A_45, %scan3A_46 : i32
    %scan3A_48 = arith.constant 1 : i32
    %scan3A_49:8 = scf.for %scan3A_446 = %scan3A_45 to %scan3A_47 step %scan3A_48 iter_args(%scan3A_447 = %scan3A_33#0, %scan3A_448 = %scan3A_33#1, %scan3A_449 = %scan3A_33#2, %scan3A_450 = %scan3A_33#3, %scan3A_451 = %scan3A_33#4, %scan3A_452 = %scan3A_33#5, %scan3A_453 = %scan3A_33#6, %scan3A_454 = %scan3A_33#7) -> (vector<16xf32>, vector<16xf32>, vector<16xf32>, vector<16xf32>, vector<16xf32>, vector<16xf32>, vector<16xf32>, vector<16xf32>)  : i32 {
      %get3A = arith.index_cast %scan3A_446 : i32 to index
      %get3A_455 = arith.constant 0 : index
      %get3A_456 = tpu.vector_load %arg5[%get3A, %get3A_455] {strides = array<i32>} : memref<400x128xf32, #tpu.memory_space<vmem>>, vector<1x16xf32>,
      %get3A_457 = vector.shape_cast %get3A_456 : vector<1x16xf32> to vector<16xf32>
      %max3A = arith.maximumf %scan3A_447, %get3A_457 : vector<16xf32>
      %get3A_458 = arith.index_cast %scan3A_446 : i32 to index
      %get3A_459 = arith.constant 16 : index
      %get3A_460 = tpu.vector_load %arg5[%get3A_458, %get3A_459] {strides = array<i32>} : memref<400x128xf32, #tpu.memory_space<vmem>>, vector<1x16xf32>,
      %get3A_461 = vector.shape_cast %get3A_460 : vector<1x16xf32> to vector<16xf32>
      %max3A_462 = arith.maximumf %scan3A_448, %get3A_461 : vector<16xf32>
      %get3A_463 = arith.index_cast %scan3A_446 : i32 to index
      %get3A_464 = arith.constant 32 : index
      %get3A_465 = tpu.vector_load %arg5[%get3A_463, %get3A_464] {strides = array<i32>} : memref<400x128xf32, #tpu.memory_space<vmem>>, vector<1x16xf32>,
      %get3A_466 = vector.shape_cast %get3A_465 : vector<1x16xf32> to vector<16xf32>
      %max3A_467 = arith.maximumf %scan3A_449, %get3A_466 : vector<16xf32>
      %get3A_468 = arith.index_cast %scan3A_446 : i32 to index
      %get3A_469 = arith.constant 48 : index
      %get3A_470 = tpu.vector_load %arg5[%get3A_468, %get3A_469] {strides = array<i32>} : memref<400x128xf32, #tpu.memory_space<vmem>>, vector<1x16xf32>,
      %get3A_471 = vector.shape_cast %get3A_470 : vector<1x16xf32> to vector<16xf32>
      %max3A_472 = arith.maximumf %scan3A_450, %get3A_471 : vector<16xf32>
      %get3A_473 = arith.index_cast %scan3A_446 : i32 to index
      %get3A_474 = arith.constant 64 : index
      %get3A_475 = tpu.vector_load %arg5[%get3A_473, %get3A_474] {strides = array<i32>} : memref<400x128xf32, #tpu.memory_space<vmem>>, vector<1x16xf32>,
      %get3A_476 = vector.shape_cast %get3A_475 : vector<1x16xf32> to vector<16xf32>
      %max3A_477 = arith.maximumf %scan3A_451, %get3A_476 : vector<16xf32>
      %get3A_478 = arith.index_cast %scan3A_446 : i32 to index
      %get3A_479 = arith.constant 80 : index
      %get3A_480 = tpu.vector_load %arg5[%get3A_478, %get3A_479] {strides = array<i32>} : memref<400x128xf32, #tpu.memory_space<vmem>>, vector<1x16xf32>,
      %get3A_481 = vector.shape_cast %get3A_480 : vector<1x16xf32> to vector<16xf32>
      %max3A_482 = arith.maximumf %scan3A_452, %get3A_481 : vector<16xf32>
      %get3A_483 = arith.index_cast %scan3A_446 : i32 to index
      %get3A_484 = arith.constant 96 : index
      %get3A_485 = tpu.vector_load %arg5[%get3A_483, %get3A_484] {strides = array<i32>} : memref<400x128xf32, #tpu.memory_space<vmem>>, vector<1x16xf32>,
      %get3A_486 = vector.shape_cast %get3A_485 : vector<1x16xf32> to vector<16xf32>
      %max3A_487 = arith.maximumf %scan3A_453, %get3A_486 : vector<16xf32>
      %get3A_488 = arith.index_cast %scan3A_446 : i32 to index
      %get3A_489 = arith.constant 112 : index
      %get3A_490 = tpu.vector_load %arg5[%get3A_488, %get3A_489] {strides = array<i32>} : memref<400x128xf32, #tpu.memory_space<vmem>>, vector<1x16xf32>,
      %get3A_491 = vector.shape_cast %get3A_490 : vector<1x16xf32> to vector<16xf32>
      %max3A_492 = arith.maximumf %scan3A_454, %get3A_491 : vector<16xf32>
      scf.yield %max3A, %max3A_462, %max3A_467, %max3A_472, %max3A_477, %max3A_482, %max3A_487, %max3A_492 : vector<16xf32>, vector<16xf32>, vector<16xf32>, vector<16xf32>, vector<16xf32>, vector<16xf32>, vector<16xf32>, vector<16xf32>
    }
    %scan3A_50 = arith.constant 400 : i32
    %add3A_51 = arith.constant 1200 : i32
    %add3A_52 = arith.addi %mul3A_2, %add3A_51 : i32
    %dma_start3A_53 = arith.constant 0 : i32
    %dma_start3A_54 = tpu.memref_slice %arg2[%add3A_52, %dma_start3A_53] : memref<320000x128xf32, #tpu.memory_space<hbm>> -> memref<400x128xf32, #tpu.memory_space<hbm>>
    %dma_start3A_55 = arith.constant 0 : i32
    %dma_start3A_56 = tpu.memref_slice %arg2[%add3A_52, %dma_start3A_55] : memref<320000x128xf32, #tpu.memory_space<hbm>> -> memref<400x128xf32, #tpu.memory_space<hbm>>
    tpu.enqueue_dma source(%dma_start3A_56 : memref<400x128xf32, #tpu.memory_space<hbm>>) target(%arg5 : memref<400x128xf32, #tpu.memory_space<vmem>>) target_semaphore(%arg10 : memref<!tpu.dma_semaphore, #tpu.memory_space<semaphore_mem>>)
    %dma_wait3A_57 = arith.constant 0 : i32
    %dma_wait3A_58 = tpu.memref_slice %arg2[%add3A_36, %dma_wait3A_57] : memref<320000x128xf32, #tpu.memory_space<hbm>> -> memref<400x128xf32, #tpu.memory_space<hbm>>
    %dma_wait3A_59 = arith.constant 0 : i32
    %dma_wait3A_60 = tpu.memref_slice %arg2[%add3A_36, %dma_wait3A_59] : memref<320000x128xf32, #tpu.memory_space<hbm>> -> memref<400x128xf32, #tpu.memory_space<hbm>>
    tpu.wait_dma2 semaphore(%arg9 : memref<!tpu.dma_semaphore, #tpu.memory_space<semaphore_mem>>) src(%dma_wait3A_60 : memref<400x128xf32, #tpu.memory_space<hbm>>) dst(%arg4 : memref<400x128xf32, #tpu.memory_space<vmem>>)
    %scan3A_61 = arith.constant 0 : i32
    %scan3A_62 = arith.constant 400 : i32
    %scan3A_63 = arith.addi %scan3A_61, %scan3A_62 : i32
    %scan3A_64 = arith.constant 1 : i32
    %scan3A_65:8 = scf.for %scan3A_446 = %scan3A_61 to %scan3A_63 step %scan3A_64 iter_args(%scan3A_447 = %scan3A_49#0, %scan3A_448 = %scan3A_49#1, %scan3A_449 = %scan3A_49#2, %scan3A_450 = %scan3A_49#3, %scan3A_451 = %scan3A_49#4, %scan3A_452 = %scan3A_49#5, %scan3A_453 = %scan3A_49#6, %scan3A_454 = %scan3A_49#7) -> (vector<16xf32>, vector<16xf32>, vector<16xf32>, vector<16xf32>, vector<16xf32>, vector<16xf32>, vector<16xf32>, vector<16xf32>)  : i32 {
      %get3A = arith.index_cast %scan3A_446 : i32 to index
      %get3A_455 = arith.constant 0 : index
      %get3A_456 = tpu.vector_load %arg4[%get3A, %get3A_455] {strides = array<i32>} : memref<400x128xf32, #tpu.memory_space<vmem>>, vector<1x16xf32>,
      %get3A_457 = vector.shape_cast %get3A_456 : vector<1x16xf32> to vector<16xf32>
      %max3A = arith.maximumf %scan3A_447, %get3A_457 : vector<16xf32>
      %get3A_458 = arith.index_cast %scan3A_446 : i32 to index
      %get3A_459 = arith.constant 16 : index
      %get3A_460 = tpu.vector_load %arg4[%get3A_458, %get3A_459] {strides = array<i32>} : memref<400x128xf32, #tpu.memory_space<vmem>>, vector<1x16xf32>,
      %get3A_461 = vector.shape_cast %get3A_460 : vector<1x16xf32> to vector<16xf32>
      %max3A_462 = arith.maximumf %scan3A_448, %get3A_461 : vector<16xf32>
      %get3A_463 = arith.index_cast %scan3A_446 : i32 to index
      %get3A_464 = arith.constant 32 : index
      %get3A_465 = tpu.vector_load %arg4[%get3A_463, %get3A_464] {strides = array<i32>} : memref<400x128xf32, #tpu.memory_space<vmem>>, vector<1x16xf32>,
      %get3A_466 = vector.shape_cast %get3A_465 : vector<1x16xf32> to vector<16xf32>
      %max3A_467 = arith.maximumf %scan3A_449, %get3A_466 : vector<16xf32>
      %get3A_468 = arith.index_cast %scan3A_446 : i32 to index
      %get3A_469 = arith.constant 48 : index
      %get3A_470 = tpu.vector_load %arg4[%get3A_468, %get3A_469] {strides = array<i32>} : memref<400x128xf32, #tpu.memory_space<vmem>>, vector<1x16xf32>,
      %get3A_471 = vector.shape_cast %get3A_470 : vector<1x16xf32> to vector<16xf32>
      %max3A_472 = arith.maximumf %scan3A_450, %get3A_471 : vector<16xf32>
      %get3A_473 = arith.index_cast %scan3A_446 : i32 to index
      %get3A_474 = arith.constant 64 : index
      %get3A_475 = tpu.vector_load %arg4[%get3A_473, %get3A_474] {strides = array<i32>} : memref<400x128xf32, #tpu.memory_space<vmem>>, vector<1x16xf32>,
      %get3A_476 = vector.shape_cast %get3A_475 : vector<1x16xf32> to vector<16xf32>
      %max3A_477 = arith.maximumf %scan3A_451, %get3A_476 : vector<16xf32>
      %get3A_478 = arith.index_cast %scan3A_446 : i32 to index
      %get3A_479 = arith.constant 80 : index
      %get3A_480 = tpu.vector_load %arg4[%get3A_478, %get3A_479] {strides = array<i32>} : memref<400x128xf32, #tpu.memory_space<vmem>>, vector<1x16xf32>,
      %get3A_481 = vector.shape_cast %get3A_480 : vector<1x16xf32> to vector<16xf32>
      %max3A_482 = arith.maximumf %scan3A_452, %get3A_481 : vector<16xf32>
      %get3A_483 = arith.index_cast %scan3A_446 : i32 to index
      %get3A_484 = arith.constant 96 : index
      %get3A_485 = tpu.vector_load %arg4[%get3A_483, %get3A_484] {strides = array<i32>} : memref<400x128xf32, #tpu.memory_space<vmem>>, vector<1x16xf32>,
      %get3A_486 = vector.shape_cast %get3A_485 : vector<1x16xf32> to vector<16xf32>
      %max3A_487 = arith.maximumf %scan3A_453, %get3A_486 : vector<16xf32>
      %get3A_488 = arith.index_cast %scan3A_446 : i32 to index
      %get3A_489 = arith.constant 112 : index
      %get3A_490 = tpu.vector_load %arg4[%get3A_488, %get3A_489] {strides = array<i32>} : memref<400x128xf32, #tpu.memory_space<vmem>>, vector<1x16xf32>,
      %get3A_491 = vector.shape_cast %get3A_490 : vector<1x16xf32> to vector<16xf32>
      %max3A_492 = arith.maximumf %scan3A_454, %get3A_491 : vector<16xf32>
      scf.yield %max3A, %max3A_462, %max3A_467, %max3A_472, %max3A_477, %max3A_482, %max3A_487, %max3A_492 : vector<16xf32>, vector<16xf32>, vector<16xf32>, vector<16xf32>, vector<16xf32>, vector<16xf32>, vector<16xf32>, vector<16xf32>
    }
    %scan3A_66 = arith.constant 400 : i32
    %add3A_67 = arith.constant 1600 : i32
    %add3A_68 = arith.addi %mul3A_2, %add3A_67 : i32
    %dma_start3A_69 = arith.constant 0 : i32
    %dma_start3A_70 = tpu.memref_slice %arg2[%add3A_68, %dma_start3A_69] : memref<320000x128xf32, #tpu.memory_space<hbm>> -> memref<400x128xf32, #tpu.memory_space<hbm>>
    %dma_start3A_71 = arith.constant 0 : i32
    %dma_start3A_72 = tpu.memref_slice %arg2[%add3A_68, %dma_start3A_71] : memref<320000x128xf32, #tpu.memory_space<hbm>> -> memref<400x128xf32, #tpu.memory_space<hbm>>
    tpu.enqueue_dma source(%dma_start3A_72 : memref<400x128xf32, #tpu.memory_space<hbm>>) target(%arg4 : memref<400x128xf32, #tpu.memory_space<vmem>>) target_semaphore(%arg9 : memref<!tpu.dma_semaphore, #tpu.memory_space<semaphore_mem>>)
    %dma_wait3A_73 = arith.constant 0 : i32
    %dma_wait3A_74 = tpu.memref_slice %arg2[%add3A_52, %dma_wait3A_73] : memref<320000x128xf32, #tpu.memory_space<hbm>> -> memref<400x128xf32, #tpu.memory_space<hbm>>
    %dma_wait3A_75 = arith.constant 0 : i32
    %dma_wait3A_76 = tpu.memref_slice %arg2[%add3A_52, %dma_wait3A_75] : memref<320000x128xf32, #tpu.memory_space<hbm>> -> memref<400x128xf32, #tpu.memory_space<hbm>>
    tpu.wait_dma2 semaphore(%arg10 : memref<!tpu.dma_semaphore, #tpu.memory_space<semaphore_mem>>) src(%dma_wait3A_76 : memref<400x128xf32, #tpu.memory_space<hbm>>) dst(%arg5 : memref<400x128xf32, #tpu.memory_space<vmem>>)
    %scan3A_77 = arith.constant 0 : i32
    %scan3A_78 = arith.constant 400 : i32
    %scan3A_79 = arith.addi %scan3A_77, %scan3A_78 : i32
    %scan3A_80 = arith.constant 1 : i32
    %scan3A_81:8 = scf.for %scan3A_446 = %scan3A_77 to %scan3A_79 step %scan3A_80 iter_args(%scan3A_447 = %scan3A_65#0, %scan3A_448 = %scan3A_65#1, %scan3A_449 = %scan3A_65#2, %scan3A_450 = %scan3A_65#3, %scan3A_451 = %scan3A_65#4, %scan3A_452 = %scan3A_65#5, %scan3A_453 = %scan3A_65#6, %scan3A_454 = %scan3A_65#7) -> (vector<16xf32>, vector<16xf32>, vector<16xf32>, vector<16xf32>, vector<16xf32>, vector<16xf32>, vector<16xf32>, vector<16xf32>)  : i32 {
      %get3A = arith.index_cast %scan3A_446 : i32 to index
      %get3A_455 = arith.constant 0 : index
      %get3A_456 = tpu.vector_load %arg5[%get3A, %get3A_455] {strides = array<i32>} : memref<400x128xf32, #tpu.memory_space<vmem>>, vector<1x16xf32>,
      %get3A_457 = vector.shape_cast %get3A_456 : vector<1x16xf32> to vector<16xf32>
      %max3A = arith.maximumf %scan3A_447, %get3A_457 : vector<16xf32>
      %get3A_458 = arith.index_cast %scan3A_446 : i32 to index
      %get3A_459 = arith.constant 16 : index
      %get3A_460 = tpu.vector_load %arg5[%get3A_458, %get3A_459] {strides = array<i32>} : memref<400x128xf32, #tpu.memory_space<vmem>>, vector<1x16xf32>,
      %get3A_461 = vector.shape_cast %get3A_460 : vector<1x16xf32> to vector<16xf32>
      %max3A_462 = arith.maximumf %scan3A_448, %get3A_461 : vector<16xf32>
      %get3A_463 = arith.index_cast %scan3A_446 : i32 to index
      %get3A_464 = arith.constant 32 : index
      %get3A_465 = tpu.vector_load %arg5[%get3A_463, %get3A_464] {strides = array<i32>} : memref<400x128xf32, #tpu.memory_space<vmem>>, vector<1x16xf32>,
      %get3A_466 = vector.shape_cast %get3A_465 : vector<1x16xf32> to vector<16xf32>
      %max3A_467 = arith.maximumf %scan3A_449, %get3A_466 : vector<16xf32>
      %get3A_468 = arith.index_cast %scan3A_446 : i32 to index
      %get3A_469 = arith.constant 48 : index
      %get3A_470 = tpu.vector_load %arg5[%get3A_468, %get3A_469] {strides = array<i32>} : memref<400x128xf32, #tpu.memory_space<vmem>>, vector<1x16xf32>,
      %get3A_471 = vector.shape_cast %get3A_470 : vector<1x16xf32> to vector<16xf32>
      %max3A_472 = arith.maximumf %scan3A_450, %get3A_471 : vector<16xf32>
      %get3A_473 = arith.index_cast %scan3A_446 : i32 to index
      %get3A_474 = arith.constant 64 : index
      %get3A_475 = tpu.vector_load %arg5[%get3A_473, %get3A_474] {strides = array<i32>} : memref<400x128xf32, #tpu.memory_space<vmem>>, vector<1x16xf32>,
      %get3A_476 = vector.shape_cast %get3A_475 : vector<1x16xf32> to vector<16xf32>
      %max3A_477 = arith.maximumf %scan3A_451, %get3A_476 : vector<16xf32>
      %get3A_478 = arith.index_cast %scan3A_446 : i32 to index
      %get3A_479 = arith.constant 80 : index
      %get3A_480 = tpu.vector_load %arg5[%get3A_478, %get3A_479] {strides = array<i32>} : memref<400x128xf32, #tpu.memory_space<vmem>>, vector<1x16xf32>,
      %get3A_481 = vector.shape_cast %get3A_480 : vector<1x16xf32> to vector<16xf32>
      %max3A_482 = arith.maximumf %scan3A_452, %get3A_481 : vector<16xf32>
      %get3A_483 = arith.index_cast %scan3A_446 : i32 to index
      %get3A_484 = arith.constant 96 : index
      %get3A_485 = tpu.vector_load %arg5[%get3A_483, %get3A_484] {strides = array<i32>} : memref<400x128xf32, #tpu.memory_space<vmem>>, vector<1x16xf32>,
      %get3A_486 = vector.shape_cast %get3A_485 : vector<1x16xf32> to vector<16xf32>
      %max3A_487 = arith.maximumf %scan3A_453, %get3A_486 : vector<16xf32>
      %get3A_488 = arith.index_cast %scan3A_446 : i32 to index
      %get3A_489 = arith.constant 112 : index
      %get3A_490 = tpu.vector_load %arg5[%get3A_488, %get3A_489] {strides = array<i32>} : memref<400x128xf32, #tpu.memory_space<vmem>>, vector<1x16xf32>,
      %get3A_491 = vector.shape_cast %get3A_490 : vector<1x16xf32> to vector<16xf32>
      %max3A_492 = arith.maximumf %scan3A_454, %get3A_491 : vector<16xf32>
      scf.yield %max3A, %max3A_462, %max3A_467, %max3A_472, %max3A_477, %max3A_482, %max3A_487, %max3A_492 : vector<16xf32>, vector<16xf32>, vector<16xf32>, vector<16xf32>, vector<16xf32>, vector<16xf32>, vector<16xf32>, vector<16xf32>
    }
    %scan3A_82 = arith.constant 400 : i32
    %add3A_83 = arith.constant 2000 : i32
    %add3A_84 = arith.addi %mul3A_2, %add3A_83 : i32
    %dma_start3A_85 = arith.constant 0 : i32
    %dma_start3A_86 = tpu.memref_slice %arg2[%add3A_84, %dma_start3A_85] : memref<320000x128xf32, #tpu.memory_space<hbm>> -> memref<400x128xf32, #tpu.memory_space<hbm>>
    %dma_start3A_87 = arith.constant 0 : i32
    %dma_start3A_88 = tpu.memref_slice %arg2[%add3A_84, %dma_start3A_87] : memref<320000x128xf32, #tpu.memory_space<hbm>> -> memref<400x128xf32, #tpu.memory_space<hbm>>
    tpu.enqueue_dma source(%dma_start3A_88 : memref<400x128xf32, #tpu.memory_space<hbm>>) target(%arg5 : memref<400x128xf32, #tpu.memory_space<vmem>>) target_semaphore(%arg10 : memref<!tpu.dma_semaphore, #tpu.memory_space<semaphore_mem>>)
    %dma_wait3A_89 = arith.constant 0 : i32
    %dma_wait3A_90 = tpu.memref_slice %arg2[%add3A_68, %dma_wait3A_89] : memref<320000x128xf32, #tpu.memory_space<hbm>> -> memref<400x128xf32, #tpu.memory_space<hbm>>
    %dma_wait3A_91 = arith.constant 0 : i32
    %dma_wait3A_92 = tpu.memref_slice %arg2[%add3A_68, %dma_wait3A_91] : memref<320000x128xf32, #tpu.memory_space<hbm>> -> memref<400x128xf32, #tpu.memory_space<hbm>>
    tpu.wait_dma2 semaphore(%arg9 : memref<!tpu.dma_semaphore, #tpu.memory_space<semaphore_mem>>) src(%dma_wait3A_92 : memref<400x128xf32, #tpu.memory_space<hbm>>) dst(%arg4 : memref<400x128xf32, #tpu.memory_space<vmem>>)
    %scan3A_93 = arith.constant 0 : i32
    %scan3A_94 = arith.constant 400 : i32
    %scan3A_95 = arith.addi %scan3A_93, %scan3A_94 : i32
    %scan3A_96 = arith.constant 1 : i32
    %scan3A_97:8 = scf.for %scan3A_446 = %scan3A_93 to %scan3A_95 step %scan3A_96 iter_args(%scan3A_447 = %scan3A_81#0, %scan3A_448 = %scan3A_81#1, %scan3A_449 = %scan3A_81#2, %scan3A_450 = %scan3A_81#3, %scan3A_451 = %scan3A_81#4, %scan3A_452 = %scan3A_81#5, %scan3A_453 = %scan3A_81#6, %scan3A_454 = %scan3A_81#7) -> (vector<16xf32>, vector<16xf32>, vector<16xf32>, vector<16xf32>, vector<16xf32>, vector<16xf32>, vector<16xf32>, vector<16xf32>)  : i32 {
      %get3A = arith.index_cast %scan3A_446 : i32 to index
      %get3A_455 = arith.constant 0 : index
      %get3A_456 = tpu.vector_load %arg4[%get3A, %get3A_455] {strides = array<i32>} : memref<400x128xf32, #tpu.memory_space<vmem>>, vector<1x16xf32>,
      %get3A_457 = vector.shape_cast %get3A_456 : vector<1x16xf32> to vector<16xf32>
      %max3A = arith.maximumf %scan3A_447, %get3A_457 : vector<16xf32>
      %get3A_458 = arith.index_cast %scan3A_446 : i32 to index
      %get3A_459 = arith.constant 16 : index
      %get3A_460 = tpu.vector_load %arg4[%get3A_458, %get3A_459] {strides = array<i32>} : memref<400x128xf32, #tpu.memory_space<vmem>>, vector<1x16xf32>,
      %get3A_461 = vector.shape_cast %get3A_460 : vector<1x16xf32> to vector<16xf32>
      %max3A_462 = arith.maximumf %scan3A_448, %get3A_461 : vector<16xf32>
      %get3A_463 = arith.index_cast %scan3A_446 : i32 to index
      %get3A_464 = arith.constant 32 : index
      %get3A_465 = tpu.vector_load %arg4[%get3A_463, %get3A_464] {strides = array<i32>} : memref<400x128xf32, #tpu.memory_space<vmem>>, vector<1x16xf32>,
      %get3A_466 = vector.shape_cast %get3A_465 : vector<1x16xf32> to vector<16xf32>
      %max3A_467 = arith.maximumf %scan3A_449, %get3A_466 : vector<16xf32>
      %get3A_468 = arith.index_cast %scan3A_446 : i32 to index
      %get3A_469 = arith.constant 48 : index
      %get3A_470 = tpu.vector_load %arg4[%get3A_468, %get3A_469] {strides = array<i32>} : memref<400x128xf32, #tpu.memory_space<vmem>>, vector<1x16xf32>,
      %get3A_471 = vector.shape_cast %get3A_470 : vector<1x16xf32> to vector<16xf32>
      %max3A_472 = arith.maximumf %scan3A_450, %get3A_471 : vector<16xf32>
      %get3A_473 = arith.index_cast %scan3A_446 : i32 to index
      %get3A_474 = arith.constant 64 : index
      %get3A_475 = tpu.vector_load %arg4[%get3A_473, %get3A_474] {strides = array<i32>} : memref<400x128xf32, #tpu.memory_space<vmem>>, vector<1x16xf32>,
      %get3A_476 = vector.shape_cast %get3A_475 : vector<1x16xf32> to vector<16xf32>
      %max3A_477 = arith.maximumf %scan3A_451, %get3A_476 : vector<16xf32>
      %get3A_478 = arith.index_cast %scan3A_446 : i32 to index
      %get3A_479 = arith.constant 80 : index
      %get3A_480 = tpu.vector_load %arg4[%get3A_478, %get3A_479] {strides = array<i32>} : memref<400x128xf32, #tpu.memory_space<vmem>>, vector<1x16xf32>,
      %get3A_481 = vector.shape_cast %get3A_480 : vector<1x16xf32> to vector<16xf32>
      %max3A_482 = arith.maximumf %scan3A_452, %get3A_481 : vector<16xf32>
      %get3A_483 = arith.index_cast %scan3A_446 : i32 to index
      %get3A_484 = arith.constant 96 : index
      %get3A_485 = tpu.vector_load %arg4[%get3A_483, %get3A_484] {strides = array<i32>} : memref<400x128xf32, #tpu.memory_space<vmem>>, vector<1x16xf32>,
      %get3A_486 = vector.shape_cast %get3A_485 : vector<1x16xf32> to vector<16xf32>
      %max3A_487 = arith.maximumf %scan3A_453, %get3A_486 : vector<16xf32>
      %get3A_488 = arith.index_cast %scan3A_446 : i32 to index
      %get3A_489 = arith.constant 112 : index
      %get3A_490 = tpu.vector_load %arg4[%get3A_488, %get3A_489] {strides = array<i32>} : memref<400x128xf32, #tpu.memory_space<vmem>>, vector<1x16xf32>,
      %get3A_491 = vector.shape_cast %get3A_490 : vector<1x16xf32> to vector<16xf32>
      %max3A_492 = arith.maximumf %scan3A_454, %get3A_491 : vector<16xf32>
      scf.yield %max3A, %max3A_462, %max3A_467, %max3A_472, %max3A_477, %max3A_482, %max3A_487, %max3A_492 : vector<16xf32>, vector<16xf32>, vector<16xf32>, vector<16xf32>, vector<16xf32>, vector<16xf32>, vector<16xf32>, vector<16xf32>
    }
    %scan3A_98 = arith.constant 400 : i32
    %add3A_99 = arith.constant 2400 : i32
    %add3A_100 = arith.addi %mul3A_2, %add3A_99 : i32
    %dma_start3A_101 = arith.constant 0 : i32
    %dma_start3A_102 = tpu.memref_slice %arg2[%add3A_100, %dma_start3A_101] : memref<320000x128xf32, #tpu.memory_space<hbm>> -> memref<400x128xf32, #tpu.memory_space<hbm>>
    %dma_start3A_103 = arith.constant 0 : i32
    %dma_start3A_104 = tpu.memref_slice %arg2[%add3A_100, %dma_start3A_103] : memref<320000x128xf32, #tpu.memory_space<hbm>> -> memref<400x128xf32, #tpu.memory_space<hbm>>
    tpu.enqueue_dma source(%dma_start3A_104 : memref<400x128xf32, #tpu.memory_space<hbm>>) target(%arg4 : memref<400x128xf32, #tpu.memory_space<vmem>>) target_semaphore(%arg9 : memref<!tpu.dma_semaphore, #tpu.memory_space<semaphore_mem>>)
    %dma_wait3A_105 = arith.constant 0 : i32
    %dma_wait3A_106 = tpu.memref_slice %arg2[%add3A_84, %dma_wait3A_105] : memref<320000x128xf32, #tpu.memory_space<hbm>> -> memref<400x128xf32, #tpu.memory_space<hbm>>
    %dma_wait3A_107 = arith.constant 0 : i32
    %dma_wait3A_108 = tpu.memref_slice %arg2[%add3A_84, %dma_wait3A_107] : memref<320000x128xf32, #tpu.memory_space<hbm>> -> memref<400x128xf32, #tpu.memory_space<hbm>>
    tpu.wait_dma2 semaphore(%arg10 : memref<!tpu.dma_semaphore, #tpu.memory_space<semaphore_mem>>) src(%dma_wait3A_108 : memref<400x128xf32, #tpu.memory_space<hbm>>) dst(%arg5 : memref<400x128xf32, #tpu.memory_space<vmem>>)
    %scan3A_109 = arith.constant 0 : i32
    %scan3A_110 = arith.constant 400 : i32
    %scan3A_111 = arith.addi %scan3A_109, %scan3A_110 : i32
    %scan3A_112 = arith.constant 1 : i32
    %scan3A_113:8 = scf.for %scan3A_446 = %scan3A_109 to %scan3A_111 step %scan3A_112 iter_args(%scan3A_447 = %scan3A_97#0, %scan3A_448 = %scan3A_97#1, %scan3A_449 = %scan3A_97#2, %scan3A_450 = %scan3A_97#3, %scan3A_451 = %scan3A_97#4, %scan3A_452 = %scan3A_97#5, %scan3A_453 = %scan3A_97#6, %scan3A_454 = %scan3A_97#7) -> (vector<16xf32>, vector<16xf32>, vector<16xf32>, vector<16xf32>, vector<16xf32>, vector<16xf32>, vector<16xf32>, vector<16xf32>)  : i32 {
      %get3A = arith.index_cast %scan3A_446 : i32 to index
      %get3A_455 = arith.constant 0 : index
      %get3A_456 = tpu.vector_load %arg5[%get3A, %get3A_455] {strides = array<i32>} : memref<400x128xf32, #tpu.memory_space<vmem>>, vector<1x16xf32>,
      %get3A_457 = vector.shape_cast %get3A_456 : vector<1x16xf32> to vector<16xf32>
      %max3A = arith.maximumf %scan3A_447, %get3A_457 : vector<16xf32>
      %get3A_458 = arith.index_cast %scan3A_446 : i32 to index
      %get3A_459 = arith.constant 16 : index
      %get3A_460 = tpu.vector_load %arg5[%get3A_458, %get3A_459] {strides = array<i32>} : memref<400x128xf32, #tpu.memory_space<vmem>>, vector<1x16xf32>,
      %get3A_461 = vector.shape_cast %get3A_460 : vector<1x16xf32> to vector<16xf32>
      %max3A_462 = arith.maximumf %scan3A_448, %get3A_461 : vector<16xf32>
      %get3A_463 = arith.index_cast %scan3A_446 : i32 to index
      %get3A_464 = arith.constant 32 : index
      %get3A_465 = tpu.vector_load %arg5[%get3A_463, %get3A_464] {strides = array<i32>} : memref<400x128xf32, #tpu.memory_space<vmem>>, vector<1x16xf32>,
      %get3A_466 = vector.shape_cast %get3A_465 : vector<1x16xf32> to vector<16xf32>
      %max3A_467 = arith.maximumf %scan3A_449, %get3A_466 : vector<16xf32>
      %get3A_468 = arith.index_cast %scan3A_446 : i32 to index
      %get3A_469 = arith.constant 48 : index
      %get3A_470 = tpu.vector_load %arg5[%get3A_468, %get3A_469] {strides = array<i32>} : memref<400x128xf32, #tpu.memory_space<vmem>>, vector<1x16xf32>,
      %get3A_471 = vector.shape_cast %get3A_470 : vector<1x16xf32> to vector<16xf32>
      %max3A_472 = arith.maximumf %scan3A_450, %get3A_471 : vector<16xf32>
      %get3A_473 = arith.index_cast %scan3A_446 : i32 to index
      %get3A_474 = arith.constant 64 : index
      %get3A_475 = tpu.vector_load %arg5[%get3A_473, %get3A_474] {strides = array<i32>} : memref<400x128xf32, #tpu.memory_space<vmem>>, vector<1x16xf32>,
      %get3A_476 = vector.shape_cast %get3A_475 : vector<1x16xf32> to vector<16xf32>
      %max3A_477 = arith.maximumf %scan3A_451, %get3A_476 : vector<16xf32>
      %get3A_478 = arith.index_cast %scan3A_446 : i32 to index
      %get3A_479 = arith.constant 80 : index
      %get3A_480 = tpu.vector_load %arg5[%get3A_478, %get3A_479] {strides = array<i32>} : memref<400x128xf32, #tpu.memory_space<vmem>>, vector<1x16xf32>,
      %get3A_481 = vector.shape_cast %get3A_480 : vector<1x16xf32> to vector<16xf32>
      %max3A_482 = arith.maximumf %scan3A_452, %get3A_481 : vector<16xf32>
      %get3A_483 = arith.index_cast %scan3A_446 : i32 to index
      %get3A_484 = arith.constant 96 : index
      %get3A_485 = tpu.vector_load %arg5[%get3A_483, %get3A_484] {strides = array<i32>} : memref<400x128xf32, #tpu.memory_space<vmem>>, vector<1x16xf32>,
      %get3A_486 = vector.shape_cast %get3A_485 : vector<1x16xf32> to vector<16xf32>
      %max3A_487 = arith.maximumf %scan3A_453, %get3A_486 : vector<16xf32>
      %get3A_488 = arith.index_cast %scan3A_446 : i32 to index
      %get3A_489 = arith.constant 112 : index
      %get3A_490 = tpu.vector_load %arg5[%get3A_488, %get3A_489] {strides = array<i32>} : memref<400x128xf32, #tpu.memory_space<vmem>>, vector<1x16xf32>,
      %get3A_491 = vector.shape_cast %get3A_490 : vector<1x16xf32> to vector<16xf32>
      %max3A_492 = arith.maximumf %scan3A_454, %get3A_491 : vector<16xf32>
      scf.yield %max3A, %max3A_462, %max3A_467, %max3A_472, %max3A_477, %max3A_482, %max3A_487, %max3A_492 : vector<16xf32>, vector<16xf32>, vector<16xf32>, vector<16xf32>, vector<16xf32>, vector<16xf32>, vector<16xf32>, vector<16xf32>
    }
    %scan3A_114 = arith.constant 400 : i32
    %add3A_115 = arith.constant 2800 : i32
    %add3A_116 = arith.addi %mul3A_2, %add3A_115 : i32
    %dma_start3A_117 = arith.constant 0 : i32
    %dma_start3A_118 = tpu.memref_slice %arg2[%add3A_116, %dma_start3A_117] : memref<320000x128xf32, #tpu.memory_space<hbm>> -> memref<400x128xf32, #tpu.memory_space<hbm>>
    %dma_start3A_119 = arith.constant 0 : i32
    %dma_start3A_120 = tpu.memref_slice %arg2[%add3A_116, %dma_start3A_119] : memref<320000x128xf32, #tpu.memory_space<hbm>> -> memref<400x128xf32, #tpu.memory_space<hbm>>
    tpu.enqueue_dma source(%dma_start3A_120 : memref<400x128xf32, #tpu.memory_space<hbm>>) target(%arg5 : memref<400x128xf32, #tpu.memory_space<vmem>>) target_semaphore(%arg10 : memref<!tpu.dma_semaphore, #tpu.memory_space<semaphore_mem>>)
    %dma_wait3A_121 = arith.constant 0 : i32
    %dma_wait3A_122 = tpu.memref_slice %arg2[%add3A_100, %dma_wait3A_121] : memref<320000x128xf32, #tpu.memory_space<hbm>> -> memref<400x128xf32, #tpu.memory_space<hbm>>
    %dma_wait3A_123 = arith.constant 0 : i32
    %dma_wait3A_124 = tpu.memref_slice %arg2[%add3A_100, %dma_wait3A_123] : memref<320000x128xf32, #tpu.memory_space<hbm>> -> memref<400x128xf32, #tpu.memory_space<hbm>>
    tpu.wait_dma2 semaphore(%arg9 : memref<!tpu.dma_semaphore, #tpu.memory_space<semaphore_mem>>) src(%dma_wait3A_124 : memref<400x128xf32, #tpu.memory_space<hbm>>) dst(%arg4 : memref<400x128xf32, #tpu.memory_space<vmem>>)
    %scan3A_125 = arith.constant 0 : i32
    %scan3A_126 = arith.constant 400 : i32
    %scan3A_127 = arith.addi %scan3A_125, %scan3A_126 : i32
    %scan3A_128 = arith.constant 1 : i32
    %scan3A_129:8 = scf.for %scan3A_446 = %scan3A_125 to %scan3A_127 step %scan3A_128 iter_args(%scan3A_447 = %scan3A_113#0, %scan3A_448 = %scan3A_113#1, %scan3A_449 = %scan3A_113#2, %scan3A_450 = %scan3A_113#3, %scan3A_451 = %scan3A_113#4, %scan3A_452 = %scan3A_113#5, %scan3A_453 = %scan3A_113#6, %scan3A_454 = %scan3A_113#7) -> (vector<16xf32>, vector<16xf32>, vector<16xf32>, vector<16xf32>, vector<16xf32>, vector<16xf32>, vector<16xf32>, vector<16xf32>)  : i32 {
      %get3A = arith.index_cast %scan3A_446 : i32 to index
      %get3A_455 = arith.constant 0 : index
      %get3A_456 = tpu.vector_load %arg4[%get3A, %get3A_455] {strides = array<i32>} : memref<400x128xf32, #tpu.memory_space<vmem>>, vector<1x16xf32>,
      %get3A_457 = vector.shape_cast %get3A_456 : vector<1x16xf32> to vector<16xf32>
      %max3A = arith.maximumf %scan3A_447, %get3A_457 : vector<16xf32>
      %get3A_458 = arith.index_cast %scan3A_446 : i32 to index
      %get3A_459 = arith.constant 16 : index
      %get3A_460 = tpu.vector_load %arg4[%get3A_458, %get3A_459] {strides = array<i32>} : memref<400x128xf32, #tpu.memory_space<vmem>>, vector<1x16xf32>,
      %get3A_461 = vector.shape_cast %get3A_460 : vector<1x16xf32> to vector<16xf32>
      %max3A_462 = arith.maximumf %scan3A_448, %get3A_461 : vector<16xf32>
      %get3A_463 = arith.index_cast %scan3A_446 : i32 to index
      %get3A_464 = arith.constant 32 : index
      %get3A_465 = tpu.vector_load %arg4[%get3A_463, %get3A_464] {strides = array<i32>} : memref<400x128xf32, #tpu.memory_space<vmem>>, vector<1x16xf32>,
      %get3A_466 = vector.shape_cast %get3A_465 : vector<1x16xf32> to vector<16xf32>
      %max3A_467 = arith.maximumf %scan3A_449, %get3A_466 : vector<16xf32>
      %get3A_468 = arith.index_cast %scan3A_446 : i32 to index
      %get3A_469 = arith.constant 48 : index
      %get3A_470 = tpu.vector_load %arg4[%get3A_468, %get3A_469] {strides = array<i32>} : memref<400x128xf32, #tpu.memory_space<vmem>>, vector<1x16xf32>,
      %get3A_471 = vector.shape_cast %get3A_470 : vector<1x16xf32> to vector<16xf32>
      %max3A_472 = arith.maximumf %scan3A_450, %get3A_471 : vector<16xf32>
      %get3A_473 = arith.index_cast %scan3A_446 : i32 to index
      %get3A_474 = arith.constant 64 : index
      %get3A_475 = tpu.vector_load %arg4[%get3A_473, %get3A_474] {strides = array<i32>} : memref<400x128xf32, #tpu.memory_space<vmem>>, vector<1x16xf32>,
      %get3A_476 = vector.shape_cast %get3A_475 : vector<1x16xf32> to vector<16xf32>
      %max3A_477 = arith.maximumf %scan3A_451, %get3A_476 : vector<16xf32>
      %get3A_478 = arith.index_cast %scan3A_446 : i32 to index
      %get3A_479 = arith.constant 80 : index
      %get3A_480 = tpu.vector_load %arg4[%get3A_478, %get3A_479] {strides = array<i32>} : memref<400x128xf32, #tpu.memory_space<vmem>>, vector<1x16xf32>,
      %get3A_481 = vector.shape_cast %get3A_480 : vector<1x16xf32> to vector<16xf32>
      %max3A_482 = arith.maximumf %scan3A_452, %get3A_481 : vector<16xf32>
      %get3A_483 = arith.index_cast %scan3A_446 : i32 to index
      %get3A_484 = arith.constant 96 : index
      %get3A_485 = tpu.vector_load %arg4[%get3A_483, %get3A_484] {strides = array<i32>} : memref<400x128xf32, #tpu.memory_space<vmem>>, vector<1x16xf32>,
      %get3A_486 = vector.shape_cast %get3A_485 : vector<1x16xf32> to vector<16xf32>
      %max3A_487 = arith.maximumf %scan3A_453, %get3A_486 : vector<16xf32>
      %get3A_488 = arith.index_cast %scan3A_446 : i32 to index
      %get3A_489 = arith.constant 112 : index
      %get3A_490 = tpu.vector_load %arg4[%get3A_488, %get3A_489] {strides = array<i32>} : memref<400x128xf32, #tpu.memory_space<vmem>>, vector<1x16xf32>,
      %get3A_491 = vector.shape_cast %get3A_490 : vector<1x16xf32> to vector<16xf32>
      %max3A_492 = arith.maximumf %scan3A_454, %get3A_491 : vector<16xf32>
      scf.yield %max3A, %max3A_462, %max3A_467, %max3A_472, %max3A_477, %max3A_482, %max3A_487, %max3A_492 : vector<16xf32>, vector<16xf32>, vector<16xf32>, vector<16xf32>, vector<16xf32>, vector<16xf32>, vector<16xf32>, vector<16xf32>
    }
    %scan3A_130 = arith.constant 400 : i32
    %add3A_131 = arith.constant 3200 : i32
    %add3A_132 = arith.addi %mul3A_2, %add3A_131 : i32
    %dma_start3A_133 = arith.constant 0 : i32
    %dma_start3A_134 = tpu.memref_slice %arg2[%add3A_132, %dma_start3A_133] : memref<320000x128xf32, #tpu.memory_space<hbm>> -> memref<400x128xf32, #tpu.memory_space<hbm>>
    %dma_start3A_135 = arith.constant 0 : i32
    %dma_start3A_136 = tpu.memref_slice %arg2[%add3A_132, %dma_start3A_135] : memref<320000x128xf32, #tpu.memory_space<hbm>> -> memref<400x128xf32, #tpu.memory_space<hbm>>
    tpu.enqueue_dma source(%dma_start3A_136 : memref<400x128xf32, #tpu.memory_space<hbm>>) target(%arg4 : memref<400x128xf32, #tpu.memory_space<vmem>>) target_semaphore(%arg9 : memref<!tpu.dma_semaphore, #tpu.memory_space<semaphore_mem>>)
    %dma_wait3A_137 = arith.constant 0 : i32
    %dma_wait3A_138 = tpu.memref_slice %arg2[%add3A_116, %dma_wait3A_137] : memref<320000x128xf32, #tpu.memory_space<hbm>> -> memref<400x128xf32, #tpu.memory_space<hbm>>
    %dma_wait3A_139 = arith.constant 0 : i32
    %dma_wait3A_140 = tpu.memref_slice %arg2[%add3A_116, %dma_wait3A_139] : memref<320000x128xf32, #tpu.memory_space<hbm>> -> memref<400x128xf32, #tpu.memory_space<hbm>>
    tpu.wait_dma2 semaphore(%arg10 : memref<!tpu.dma_semaphore, #tpu.memory_space<semaphore_mem>>) src(%dma_wait3A_140 : memref<400x128xf32, #tpu.memory_space<hbm>>) dst(%arg5 : memref<400x128xf32, #tpu.memory_space<vmem>>)
    %scan3A_141 = arith.constant 0 : i32
    %scan3A_142 = arith.constant 400 : i32
    %scan3A_143 = arith.addi %scan3A_141, %scan3A_142 : i32
    %scan3A_144 = arith.constant 1 : i32
    %scan3A_145:8 = scf.for %scan3A_446 = %scan3A_141 to %scan3A_143 step %scan3A_144 iter_args(%scan3A_447 = %scan3A_129#0, %scan3A_448 = %scan3A_129#1, %scan3A_449 = %scan3A_129#2, %scan3A_450 = %scan3A_129#3, %scan3A_451 = %scan3A_129#4, %scan3A_452 = %scan3A_129#5, %scan3A_453 = %scan3A_129#6, %scan3A_454 = %scan3A_129#7) -> (vector<16xf32>, vector<16xf32>, vector<16xf32>, vector<16xf32>, vector<16xf32>, vector<16xf32>, vector<16xf32>, vector<16xf32>)  : i32 {
      %get3A = arith.index_cast %scan3A_446 : i32 to index
      %get3A_455 = arith.constant 0 : index
      %get3A_456 = tpu.vector_load %arg5[%get3A, %get3A_455] {strides = array<i32>} : memref<400x128xf32, #tpu.memory_space<vmem>>, vector<1x16xf32>,
      %get3A_457 = vector.shape_cast %get3A_456 : vector<1x16xf32> to vector<16xf32>
      %max3A = arith.maximumf %scan3A_447, %get3A_457 : vector<16xf32>
      %get3A_458 = arith.index_cast %scan3A_446 : i32 to index
      %get3A_459 = arith.constant 16 : index
      %get3A_460 = tpu.vector_load %arg5[%get3A_458, %get3A_459] {strides = array<i32>} : memref<400x128xf32, #tpu.memory_space<vmem>>, vector<1x16xf32>,
      %get3A_461 = vector.shape_cast %get3A_460 : vector<1x16xf32> to vector<16xf32>
      %max3A_462 = arith.maximumf %scan3A_448, %get3A_461 : vector<16xf32>
      %get3A_463 = arith.index_cast %scan3A_446 : i32 to index
      %get3A_464 = arith.constant 32 : index
      %get3A_465 = tpu.vector_load %arg5[%get3A_463, %get3A_464] {strides = array<i32>} : memref<400x128xf32, #tpu.memory_space<vmem>>, vector<1x16xf32>,
      %get3A_466 = vector.shape_cast %get3A_465 : vector<1x16xf32> to vector<16xf32>
      %max3A_467 = arith.maximumf %scan3A_449, %get3A_466 : vector<16xf32>
      %get3A_468 = arith.index_cast %scan3A_446 : i32 to index
      %get3A_469 = arith.constant 48 : index
      %get3A_470 = tpu.vector_load %arg5[%get3A_468, %get3A_469] {strides = array<i32>} : memref<400x128xf32, #tpu.memory_space<vmem>>, vector<1x16xf32>,
      %get3A_471 = vector.shape_cast %get3A_470 : vector<1x16xf32> to vector<16xf32>
      %max3A_472 = arith.maximumf %scan3A_450, %get3A_471 : vector<16xf32>
      %get3A_473 = arith.index_cast %scan3A_446 : i32 to index
      %get3A_474 = arith.constant 64 : index
      %get3A_475 = tpu.vector_load %arg5[%get3A_473, %get3A_474] {strides = array<i32>} : memref<400x128xf32, #tpu.memory_space<vmem>>, vector<1x16xf32>,
      %get3A_476 = vector.shape_cast %get3A_475 : vector<1x16xf32> to vector<16xf32>
      %max3A_477 = arith.maximumf %scan3A_451, %get3A_476 : vector<16xf32>
      %get3A_478 = arith.index_cast %scan3A_446 : i32 to index
      %get3A_479 = arith.constant 80 : index
      %get3A_480 = tpu.vector_load %arg5[%get3A_478, %get3A_479] {strides = array<i32>} : memref<400x128xf32, #tpu.memory_space<vmem>>, vector<1x16xf32>,
      %get3A_481 = vector.shape_cast %get3A_480 : vector<1x16xf32> to vector<16xf32>
      %max3A_482 = arith.maximumf %scan3A_452, %get3A_481 : vector<16xf32>
      %get3A_483 = arith.index_cast %scan3A_446 : i32 to index
      %get3A_484 = arith.constant 96 : index
      %get3A_485 = tpu.vector_load %arg5[%get3A_483, %get3A_484] {strides = array<i32>} : memref<400x128xf32, #tpu.memory_space<vmem>>, vector<1x16xf32>,
      %get3A_486 = vector.shape_cast %get3A_485 : vector<1x16xf32> to vector<16xf32>
      %max3A_487 = arith.maximumf %scan3A_453, %get3A_486 : vector<16xf32>
      %get3A_488 = arith.index_cast %scan3A_446 : i32 to index
      %get3A_489 = arith.constant 112 : index
      %get3A_490 = tpu.vector_load %arg5[%get3A_488, %get3A_489] {strides = array<i32>} : memref<400x128xf32, #tpu.memory_space<vmem>>, vector<1x16xf32>,
      %get3A_491 = vector.shape_cast %get3A_490 : vector<1x16xf32> to vector<16xf32>
      %max3A_492 = arith.maximumf %scan3A_454, %get3A_491 : vector<16xf32>
      scf.yield %max3A, %max3A_462, %max3A_467, %max3A_472, %max3A_477, %max3A_482, %max3A_487, %max3A_492 : vector<16xf32>, vector<16xf32>, vector<16xf32>, vector<16xf32>, vector<16xf32>, vector<16xf32>, vector<16xf32>, vector<16xf32>
    }
    %scan3A_146 = arith.constant 400 : i32
    %add3A_147 = arith.constant 3600 : i32
    %add3A_148 = arith.addi %mul3A_2, %add3A_147 : i32
    %dma_start3A_149 = arith.constant 0 : i32
    %dma_start3A_150 = tpu.memref_slice %arg2[%add3A_148, %dma_start3A_149] : memref<320000x128xf32, #tpu.memory_space<hbm>> -> memref<400x128xf32, #tpu.memory_space<hbm>>
    %dma_start3A_151 = arith.constant 0 : i32
    %dma_start3A_152 = tpu.memref_slice %arg2[%add3A_148, %dma_start3A_151] : memref<320000x128xf32, #tpu.memory_space<hbm>> -> memref<400x128xf32, #tpu.memory_space<hbm>>
    tpu.enqueue_dma source(%dma_start3A_152 : memref<400x128xf32, #tpu.memory_space<hbm>>) target(%arg5 : memref<400x128xf32, #tpu.memory_space<vmem>>) target_semaphore(%arg10 : memref<!tpu.dma_semaphore, #tpu.memory_space<semaphore_mem>>)
    %dma_wait3A_153 = arith.constant 0 : i32
    %dma_wait3A_154 = tpu.memref_slice %arg2[%add3A_132, %dma_wait3A_153] : memref<320000x128xf32, #tpu.memory_space<hbm>> -> memref<400x128xf32, #tpu.memory_space<hbm>>
    %dma_wait3A_155 = arith.constant 0 : i32
    %dma_wait3A_156 = tpu.memref_slice %arg2[%add3A_132, %dma_wait3A_155] : memref<320000x128xf32, #tpu.memory_space<hbm>> -> memref<400x128xf32, #tpu.memory_space<hbm>>
    tpu.wait_dma2 semaphore(%arg9 : memref<!tpu.dma_semaphore, #tpu.memory_space<semaphore_mem>>) src(%dma_wait3A_156 : memref<400x128xf32, #tpu.memory_space<hbm>>) dst(%arg4 : memref<400x128xf32, #tpu.memory_space<vmem>>)
    %scan3A_157 = arith.constant 0 : i32
    %scan3A_158 = arith.constant 400 : i32
    %scan3A_159 = arith.addi %scan3A_157, %scan3A_158 : i32
    %scan3A_160 = arith.constant 1 : i32
    %scan3A_161:8 = scf.for %scan3A_446 = %scan3A_157 to %scan3A_159 step %scan3A_160 iter_args(%scan3A_447 = %scan3A_145#0, %scan3A_448 = %scan3A_145#1, %scan3A_449 = %scan3A_145#2, %scan3A_450 = %scan3A_145#3, %scan3A_451 = %scan3A_145#4, %scan3A_452 = %scan3A_145#5, %scan3A_453 = %scan3A_145#6, %scan3A_454 = %scan3A_145#7) -> (vector<16xf32>, vector<16xf32>, vector<16xf32>, vector<16xf32>, vector<16xf32>, vector<16xf32>, vector<16xf32>, vector<16xf32>)  : i32 {
      %get3A = arith.index_cast %scan3A_446 : i32 to index
      %get3A_455 = arith.constant 0 : index
      %get3A_456 = tpu.vector_load %arg4[%get3A, %get3A_455] {strides = array<i32>} : memref<400x128xf32, #tpu.memory_space<vmem>>, vector<1x16xf32>,
      %get3A_457 = vector.shape_cast %get3A_456 : vector<1x16xf32> to vector<16xf32>
      %max3A = arith.maximumf %scan3A_447, %get3A_457 : vector<16xf32>
      %get3A_458 = arith.index_cast %scan3A_446 : i32 to index
      %get3A_459 = arith.constant 16 : index
      %get3A_460 = tpu.vector_load %arg4[%get3A_458, %get3A_459] {strides = array<i32>} : memref<400x128xf32, #tpu.memory_space<vmem>>, vector<1x16xf32>,
      %get3A_461 = vector.shape_cast %get3A_460 : vector<1x16xf32> to vector<16xf32>
      %max3A_462 = arith.maximumf %scan3A_448, %get3A_461 : vector<16xf32>
      %get3A_463 = arith.index_cast %scan3A_446 : i32 to index
      %get3A_464 = arith.constant 32 : index
      %get3A_465 = tpu.vector_load %arg4[%get3A_463, %get3A_464] {strides = array<i32>} : memref<400x128xf32, #tpu.memory_space<vmem>>, vector<1x16xf32>,
      %get3A_466 = vector.shape_cast %get3A_465 : vector<1x16xf32> to vector<16xf32>
      %max3A_467 = arith.maximumf %scan3A_449, %get3A_466 : vector<16xf32>
      %get3A_468 = arith.index_cast %scan3A_446 : i32 to index
      %get3A_469 = arith.constant 48 : index
      %get3A_470 = tpu.vector_load %arg4[%get3A_468, %get3A_469] {strides = array<i32>} : memref<400x128xf32, #tpu.memory_space<vmem>>, vector<1x16xf32>,
      %get3A_471 = vector.shape_cast %get3A_470 : vector<1x16xf32> to vector<16xf32>
      %max3A_472 = arith.maximumf %scan3A_450, %get3A_471 : vector<16xf32>
      %get3A_473 = arith.index_cast %scan3A_446 : i32 to index
      %get3A_474 = arith.constant 64 : index
      %get3A_475 = tpu.vector_load %arg4[%get3A_473, %get3A_474] {strides = array<i32>} : memref<400x128xf32, #tpu.memory_space<vmem>>, vector<1x16xf32>,
      %get3A_476 = vector.shape_cast %get3A_475 : vector<1x16xf32> to vector<16xf32>
      %max3A_477 = arith.maximumf %scan3A_451, %get3A_476 : vector<16xf32>
      %get3A_478 = arith.index_cast %scan3A_446 : i32 to index
      %get3A_479 = arith.constant 80 : index
      %get3A_480 = tpu.vector_load %arg4[%get3A_478, %get3A_479] {strides = array<i32>} : memref<400x128xf32, #tpu.memory_space<vmem>>, vector<1x16xf32>,
      %get3A_481 = vector.shape_cast %get3A_480 : vector<1x16xf32> to vector<16xf32>
      %max3A_482 = arith.maximumf %scan3A_452, %get3A_481 : vector<16xf32>
      %get3A_483 = arith.index_cast %scan3A_446 : i32 to index
      %get3A_484 = arith.constant 96 : index
      %get3A_485 = tpu.vector_load %arg4[%get3A_483, %get3A_484] {strides = array<i32>} : memref<400x128xf32, #tpu.memory_space<vmem>>, vector<1x16xf32>,
      %get3A_486 = vector.shape_cast %get3A_485 : vector<1x16xf32> to vector<16xf32>
      %max3A_487 = arith.maximumf %scan3A_453, %get3A_486 : vector<16xf32>
      %get3A_488 = arith.index_cast %scan3A_446 : i32 to index
      %get3A_489 = arith.constant 112 : index
      %get3A_490 = tpu.vector_load %arg4[%get3A_488, %get3A_489] {strides = array<i32>} : memref<400x128xf32, #tpu.memory_space<vmem>>, vector<1x16xf32>,
      %get3A_491 = vector.shape_cast %get3A_490 : vector<1x16xf32> to vector<16xf32>
      %max3A_492 = arith.maximumf %scan3A_454, %get3A_491 : vector<16xf32>
      scf.yield %max3A, %max3A_462, %max3A_467, %max3A_472, %max3A_477, %max3A_482, %max3A_487, %max3A_492 : vector<16xf32>, vector<16xf32>, vector<16xf32>, vector<16xf32>, vector<16xf32>, vector<16xf32>, vector<16xf32>, vector<16xf32>
    }
    %scan3A_162 = arith.constant 400 : i32
    %add3A_163 = arith.constant 4000 : i32
    %add3A_164 = arith.addi %mul3A_2, %add3A_163 : i32
    %dma_start3A_165 = arith.constant 0 : i32
    %dma_start3A_166 = tpu.memref_slice %arg2[%add3A_164, %dma_start3A_165] : memref<320000x128xf32, #tpu.memory_space<hbm>> -> memref<400x128xf32, #tpu.memory_space<hbm>>
    %dma_start3A_167 = arith.constant 0 : i32
    %dma_start3A_168 = tpu.memref_slice %arg2[%add3A_164, %dma_start3A_167] : memref<320000x128xf32, #tpu.memory_space<hbm>> -> memref<400x128xf32, #tpu.memory_space<hbm>>
    tpu.enqueue_dma source(%dma_start3A_168 : memref<400x128xf32, #tpu.memory_space<hbm>>) target(%arg4 : memref<400x128xf32, #tpu.memory_space<vmem>>) target_semaphore(%arg9 : memref<!tpu.dma_semaphore, #tpu.memory_space<semaphore_mem>>)
    %dma_wait3A_169 = arith.constant 0 : i32
    %dma_wait3A_170 = tpu.memref_slice %arg2[%add3A_148, %dma_wait3A_169] : memref<320000x128xf32, #tpu.memory_space<hbm>> -> memref<400x128xf32, #tpu.memory_space<hbm>>
    %dma_wait3A_171 = arith.constant 0 : i32
    %dma_wait3A_172 = tpu.memref_slice %arg2[%add3A_148, %dma_wait3A_171] : memref<320000x128xf32, #tpu.memory_space<hbm>> -> memref<400x128xf32, #tpu.memory_space<hbm>>
    tpu.wait_dma2 semaphore(%arg10 : memref<!tpu.dma_semaphore, #tpu.memory_space<semaphore_mem>>) src(%dma_wait3A_172 : memref<400x128xf32, #tpu.memory_space<hbm>>) dst(%arg5 : memref<400x128xf32, #tpu.memory_space<vmem>>)
    %scan3A_173 = arith.constant 0 : i32
    %scan3A_174 = arith.constant 400 : i32
    %scan3A_175 = arith.addi %scan3A_173, %scan3A_174 : i32
    %scan3A_176 = arith.constant 1 : i32
    %scan3A_177:8 = scf.for %scan3A_446 = %scan3A_173 to %scan3A_175 step %scan3A_176 iter_args(%scan3A_447 = %scan3A_161#0, %scan3A_448 = %scan3A_161#1, %scan3A_449 = %scan3A_161#2, %scan3A_450 = %scan3A_161#3, %scan3A_451 = %scan3A_161#4, %scan3A_452 = %scan3A_161#5, %scan3A_453 = %scan3A_161#6, %scan3A_454 = %scan3A_161#7) -> (vector<16xf32>, vector<16xf32>, vector<16xf32>, vector<16xf32>, vector<16xf32>, vector<16xf32>, vector<16xf32>, vector<16xf32>)  : i32 {
      %get3A = arith.index_cast %scan3A_446 : i32 to index
      %get3A_455 = arith.constant 0 : index
      %get3A_456 = tpu.vector_load %arg5[%get3A, %get3A_455] {strides = array<i32>} : memref<400x128xf32, #tpu.memory_space<vmem>>, vector<1x16xf32>,
      %get3A_457 = vector.shape_cast %get3A_456 : vector<1x16xf32> to vector<16xf32>
      %max3A = arith.maximumf %scan3A_447, %get3A_457 : vector<16xf32>
      %get3A_458 = arith.index_cast %scan3A_446 : i32 to index
      %get3A_459 = arith.constant 16 : index
      %get3A_460 = tpu.vector_load %arg5[%get3A_458, %get3A_459] {strides = array<i32>} : memref<400x128xf32, #tpu.memory_space<vmem>>, vector<1x16xf32>,
      %get3A_461 = vector.shape_cast %get3A_460 : vector<1x16xf32> to vector<16xf32>
      %max3A_462 = arith.maximumf %scan3A_448, %get3A_461 : vector<16xf32>
      %get3A_463 = arith.index_cast %scan3A_446 : i32 to index
      %get3A_464 = arith.constant 32 : index
      %get3A_465 = tpu.vector_load %arg5[%get3A_463, %get3A_464] {strides = array<i32>} : memref<400x128xf32, #tpu.memory_space<vmem>>, vector<1x16xf32>,
      %get3A_466 = vector.shape_cast %get3A_465 : vector<1x16xf32> to vector<16xf32>
      %max3A_467 = arith.maximumf %scan3A_449, %get3A_466 : vector<16xf32>
      %get3A_468 = arith.index_cast %scan3A_446 : i32 to index
      %get3A_469 = arith.constant 48 : index
      %get3A_470 = tpu.vector_load %arg5[%get3A_468, %get3A_469] {strides = array<i32>} : memref<400x128xf32, #tpu.memory_space<vmem>>, vector<1x16xf32>,
      %get3A_471 = vector.shape_cast %get3A_470 : vector<1x16xf32> to vector<16xf32>
      %max3A_472 = arith.maximumf %scan3A_450, %get3A_471 : vector<16xf32>
      %get3A_473 = arith.index_cast %scan3A_446 : i32 to index
      %get3A_474 = arith.constant 64 : index
      %get3A_475 = tpu.vector_load %arg5[%get3A_473, %get3A_474] {strides = array<i32>} : memref<400x128xf32, #tpu.memory_space<vmem>>, vector<1x16xf32>,
      %get3A_476 = vector.shape_cast %get3A_475 : vector<1x16xf32> to vector<16xf32>
      %max3A_477 = arith.maximumf %scan3A_451, %get3A_476 : vector<16xf32>
      %get3A_478 = arith.index_cast %scan3A_446 : i32 to index
      %get3A_479 = arith.constant 80 : index
      %get3A_480 = tpu.vector_load %arg5[%get3A_478, %get3A_479] {strides = array<i32>} : memref<400x128xf32, #tpu.memory_space<vmem>>, vector<1x16xf32>,
      %get3A_481 = vector.shape_cast %get3A_480 : vector<1x16xf32> to vector<16xf32>
      %max3A_482 = arith.maximumf %scan3A_452, %get3A_481 : vector<16xf32>
      %get3A_483 = arith.index_cast %scan3A_446 : i32 to index
      %get3A_484 = arith.constant 96 : index
      %get3A_485 = tpu.vector_load %arg5[%get3A_483, %get3A_484] {strides = array<i32>} : memref<400x128xf32, #tpu.memory_space<vmem>>, vector<1x16xf32>,
      %get3A_486 = vector.shape_cast %get3A_485 : vector<1x16xf32> to vector<16xf32>
      %max3A_487 = arith.maximumf %scan3A_453, %get3A_486 : vector<16xf32>
      %get3A_488 = arith.index_cast %scan3A_446 : i32 to index
      %get3A_489 = arith.constant 112 : index
      %get3A_490 = tpu.vector_load %arg5[%get3A_488, %get3A_489] {strides = array<i32>} : memref<400x128xf32, #tpu.memory_space<vmem>>, vector<1x16xf32>,
      %get3A_491 = vector.shape_cast %get3A_490 : vector<1x16xf32> to vector<16xf32>
      %max3A_492 = arith.maximumf %scan3A_454, %get3A_491 : vector<16xf32>
      scf.yield %max3A, %max3A_462, %max3A_467, %max3A_472, %max3A_477, %max3A_482, %max3A_487, %max3A_492 : vector<16xf32>, vector<16xf32>, vector<16xf32>, vector<16xf32>, vector<16xf32>, vector<16xf32>, vector<16xf32>, vector<16xf32>
    }
    %scan3A_178 = arith.constant 400 : i32
    %add3A_179 = arith.constant 4400 : i32
    %add3A_180 = arith.addi %mul3A_2, %add3A_179 : i32
    %dma_start3A_181 = arith.constant 0 : i32
    %dma_start3A_182 = tpu.memref_slice %arg2[%add3A_180, %dma_start3A_181] : memref<320000x128xf32, #tpu.memory_space<hbm>> -> memref<400x128xf32, #tpu.memory_space<hbm>>
    %dma_start3A_183 = arith.constant 0 : i32
    %dma_start3A_184 = tpu.memref_slice %arg2[%add3A_180, %dma_start3A_183] : memref<320000x128xf32, #tpu.memory_space<hbm>> -> memref<400x128xf32, #tpu.memory_space<hbm>>
    tpu.enqueue_dma source(%dma_start3A_184 : memref<400x128xf32, #tpu.memory_space<hbm>>) target(%arg5 : memref<400x128xf32, #tpu.memory_space<vmem>>) target_semaphore(%arg10 : memref<!tpu.dma_semaphore, #tpu.memory_space<semaphore_mem>>)
    %dma_wait3A_185 = arith.constant 0 : i32
    %dma_wait3A_186 = tpu.memref_slice %arg2[%add3A_164, %dma_wait3A_185] : memref<320000x128xf32, #tpu.memory_space<hbm>> -> memref<400x128xf32, #tpu.memory_space<hbm>>
    %dma_wait3A_187 = arith.constant 0 : i32
    %dma_wait3A_188 = tpu.memref_slice %arg2[%add3A_164, %dma_wait3A_187] : memref<320000x128xf32, #tpu.memory_space<hbm>> -> memref<400x128xf32, #tpu.memory_space<hbm>>
    tpu.wait_dma2 semaphore(%arg9 : memref<!tpu.dma_semaphore, #tpu.memory_space<semaphore_mem>>) src(%dma_wait3A_188 : memref<400x128xf32, #tpu.memory_space<hbm>>) dst(%arg4 : memref<400x128xf32, #tpu.memory_space<vmem>>)
    %scan3A_189 = arith.constant 0 : i32
    %scan3A_190 = arith.constant 400 : i32
    %scan3A_191 = arith.addi %scan3A_189, %scan3A_190 : i32
    %scan3A_192 = arith.constant 1 : i32
    %scan3A_193:8 = scf.for %scan3A_446 = %scan3A_189 to %scan3A_191 step %scan3A_192 iter_args(%scan3A_447 = %scan3A_177#0, %scan3A_448 = %scan3A_177#1, %scan3A_449 = %scan3A_177#2, %scan3A_450 = %scan3A_177#3, %scan3A_451 = %scan3A_177#4, %scan3A_452 = %scan3A_177#5, %scan3A_453 = %scan3A_177#6, %scan3A_454 = %scan3A_177#7) -> (vector<16xf32>, vector<16xf32>, vector<16xf32>, vector<16xf32>, vector<16xf32>, vector<16xf32>, vector<16xf32>, vector<16xf32>)  : i32 {
      %get3A = arith.index_cast %scan3A_446 : i32 to index
      %get3A_455 = arith.constant 0 : index
      %get3A_456 = tpu.vector_load %arg4[%get3A, %get3A_455] {strides = array<i32>} : memref<400x128xf32, #tpu.memory_space<vmem>>, vector<1x16xf32>,
      %get3A_457 = vector.shape_cast %get3A_456 : vector<1x16xf32> to vector<16xf32>
      %max3A = arith.maximumf %scan3A_447, %get3A_457 : vector<16xf32>
      %get3A_458 = arith.index_cast %scan3A_446 : i32 to index
      %get3A_459 = arith.constant 16 : index
      %get3A_460 = tpu.vector_load %arg4[%get3A_458, %get3A_459] {strides = array<i32>} : memref<400x128xf32, #tpu.memory_space<vmem>>, vector<1x16xf32>,
      %get3A_461 = vector.shape_cast %get3A_460 : vector<1x16xf32> to vector<16xf32>
      %max3A_462 = arith.maximumf %scan3A_448, %get3A_461 : vector<16xf32>
      %get3A_463 = arith.index_cast %scan3A_446 : i32 to index
      %get3A_464 = arith.constant 32 : index
      %get3A_465 = tpu.vector_load %arg4[%get3A_463, %get3A_464] {strides = array<i32>} : memref<400x128xf32, #tpu.memory_space<vmem>>, vector<1x16xf32>,
      %get3A_466 = vector.shape_cast %get3A_465 : vector<1x16xf32> to vector<16xf32>
      %max3A_467 = arith.maximumf %scan3A_449, %get3A_466 : vector<16xf32>
      %get3A_468 = arith.index_cast %scan3A_446 : i32 to index
      %get3A_469 = arith.constant 48 : index
      %get3A_470 = tpu.vector_load %arg4[%get3A_468, %get3A_469] {strides = array<i32>} : memref<400x128xf32, #tpu.memory_space<vmem>>, vector<1x16xf32>,
      %get3A_471 = vector.shape_cast %get3A_470 : vector<1x16xf32> to vector<16xf32>
      %max3A_472 = arith.maximumf %scan3A_450, %get3A_471 : vector<16xf32>
      %get3A_473 = arith.index_cast %scan3A_446 : i32 to index
      %get3A_474 = arith.constant 64 : index
      %get3A_475 = tpu.vector_load %arg4[%get3A_473, %get3A_474] {strides = array<i32>} : memref<400x128xf32, #tpu.memory_space<vmem>>, vector<1x16xf32>,
      %get3A_476 = vector.shape_cast %get3A_475 : vector<1x16xf32> to vector<16xf32>
      %max3A_477 = arith.maximumf %scan3A_451, %get3A_476 : vector<16xf32>
      %get3A_478 = arith.index_cast %scan3A_446 : i32 to index
      %get3A_479 = arith.constant 80 : index
      %get3A_480 = tpu.vector_load %arg4[%get3A_478, %get3A_479] {strides = array<i32>} : memref<400x128xf32, #tpu.memory_space<vmem>>, vector<1x16xf32>,
      %get3A_481 = vector.shape_cast %get3A_480 : vector<1x16xf32> to vector<16xf32>
      %max3A_482 = arith.maximumf %scan3A_452, %get3A_481 : vector<16xf32>
      %get3A_483 = arith.index_cast %scan3A_446 : i32 to index
      %get3A_484 = arith.constant 96 : index
      %get3A_485 = tpu.vector_load %arg4[%get3A_483, %get3A_484] {strides = array<i32>} : memref<400x128xf32, #tpu.memory_space<vmem>>, vector<1x16xf32>,
      %get3A_486 = vector.shape_cast %get3A_485 : vector<1x16xf32> to vector<16xf32>
      %max3A_487 = arith.maximumf %scan3A_453, %get3A_486 : vector<16xf32>
      %get3A_488 = arith.index_cast %scan3A_446 : i32 to index
      %get3A_489 = arith.constant 112 : index
      %get3A_490 = tpu.vector_load %arg4[%get3A_488, %get3A_489] {strides = array<i32>} : memref<400x128xf32, #tpu.memory_space<vmem>>, vector<1x16xf32>,
      %get3A_491 = vector.shape_cast %get3A_490 : vector<1x16xf32> to vector<16xf32>
      %max3A_492 = arith.maximumf %scan3A_454, %get3A_491 : vector<16xf32>
      scf.yield %max3A, %max3A_462, %max3A_467, %max3A_472, %max3A_477, %max3A_482, %max3A_487, %max3A_492 : vector<16xf32>, vector<16xf32>, vector<16xf32>, vector<16xf32>, vector<16xf32>, vector<16xf32>, vector<16xf32>, vector<16xf32>
    }
    %scan3A_194 = arith.constant 400 : i32
    %add3A_195 = arith.constant 4800 : i32
    %add3A_196 = arith.addi %mul3A_2, %add3A_195 : i32
    %dma_start3A_197 = arith.constant 0 : i32
    %dma_start3A_198 = tpu.memref_slice %arg2[%add3A_196, %dma_start3A_197] : memref<320000x128xf32, #tpu.memory_space<hbm>> -> memref<400x128xf32, #tpu.memory_space<hbm>>
    %dma_start3A_199 = arith.constant 0 : i32
    %dma_start3A_200 = tpu.memref_slice %arg2[%add3A_196, %dma_start3A_199] : memref<320000x128xf32, #tpu.memory_space<hbm>> -> memref<400x128xf32, #tpu.memory_space<hbm>>
    tpu.enqueue_dma source(%dma_start3A_200 : memref<400x128xf32, #tpu.memory_space<hbm>>) target(%arg4 : memref<400x128xf32, #tpu.memory_space<vmem>>) target_semaphore(%arg9 : memref<!tpu.dma_semaphore, #tpu.memory_space<semaphore_mem>>)
    %dma_wait3A_201 = arith.constant 0 : i32
    %dma_wait3A_202 = tpu.memref_slice %arg2[%add3A_180, %dma_wait3A_201] : memref<320000x128xf32, #tpu.memory_space<hbm>> -> memref<400x128xf32, #tpu.memory_space<hbm>>
    %dma_wait3A_203 = arith.constant 0 : i32
    %dma_wait3A_204 = tpu.memref_slice %arg2[%add3A_180, %dma_wait3A_203] : memref<320000x128xf32, #tpu.memory_space<hbm>> -> memref<400x128xf32, #tpu.memory_space<hbm>>
    tpu.wait_dma2 semaphore(%arg10 : memref<!tpu.dma_semaphore, #tpu.memory_space<semaphore_mem>>) src(%dma_wait3A_204 : memref<400x128xf32, #tpu.memory_space<hbm>>) dst(%arg5 : memref<400x128xf32, #tpu.memory_space<vmem>>)
    %scan3A_205 = arith.constant 0 : i32
    %scan3A_206 = arith.constant 400 : i32
    %scan3A_207 = arith.addi %scan3A_205, %scan3A_206 : i32
    %scan3A_208 = arith.constant 1 : i32
    %scan3A_209:8 = scf.for %scan3A_446 = %scan3A_205 to %scan3A_207 step %scan3A_208 iter_args(%scan3A_447 = %scan3A_193#0, %scan3A_448 = %scan3A_193#1, %scan3A_449 = %scan3A_193#2, %scan3A_450 = %scan3A_193#3, %scan3A_451 = %scan3A_193#4, %scan3A_452 = %scan3A_193#5, %scan3A_453 = %scan3A_193#6, %scan3A_454 = %scan3A_193#7) -> (vector<16xf32>, vector<16xf32>, vector<16xf32>, vector<16xf32>, vector<16xf32>, vector<16xf32>, vector<16xf32>, vector<16xf32>)  : i32 {
      %get3A = arith.index_cast %scan3A_446 : i32 to index
      %get3A_455 = arith.constant 0 : index
      %get3A_456 = tpu.vector_load %arg5[%get3A, %get3A_455] {strides = array<i32>} : memref<400x128xf32, #tpu.memory_space<vmem>>, vector<1x16xf32>,
      %get3A_457 = vector.shape_cast %get3A_456 : vector<1x16xf32> to vector<16xf32>
      %max3A = arith.maximumf %scan3A_447, %get3A_457 : vector<16xf32>
      %get3A_458 = arith.index_cast %scan3A_446 : i32 to index
      %get3A_459 = arith.constant 16 : index
      %get3A_460 = tpu.vector_load %arg5[%get3A_458, %get3A_459] {strides = array<i32>} : memref<400x128xf32, #tpu.memory_space<vmem>>, vector<1x16xf32>,
      %get3A_461 = vector.shape_cast %get3A_460 : vector<1x16xf32> to vector<16xf32>
      %max3A_462 = arith.maximumf %scan3A_448, %get3A_461 : vector<16xf32>
      %get3A_463 = arith.index_cast %scan3A_446 : i32 to index
      %get3A_464 = arith.constant 32 : index
      %get3A_465 = tpu.vector_load %arg5[%get3A_463, %get3A_464] {strides = array<i32>} : memref<400x128xf32, #tpu.memory_space<vmem>>, vector<1x16xf32>,
      %get3A_466 = vector.shape_cast %get3A_465 : vector<1x16xf32> to vector<16xf32>
      %max3A_467 = arith.maximumf %scan3A_449, %get3A_466 : vector<16xf32>
      %get3A_468 = arith.index_cast %scan3A_446 : i32 to index
      %get3A_469 = arith.constant 48 : index
      %get3A_470 = tpu.vector_load %arg5[%get3A_468, %get3A_469] {strides = array<i32>} : memref<400x128xf32, #tpu.memory_space<vmem>>, vector<1x16xf32>,
      %get3A_471 = vector.shape_cast %get3A_470 : vector<1x16xf32> to vector<16xf32>
      %max3A_472 = arith.maximumf %scan3A_450, %get3A_471 : vector<16xf32>
      %get3A_473 = arith.index_cast %scan3A_446 : i32 to index
      %get3A_474 = arith.constant 64 : index
      %get3A_475 = tpu.vector_load %arg5[%get3A_473, %get3A_474] {strides = array<i32>} : memref<400x128xf32, #tpu.memory_space<vmem>>, vector<1x16xf32>,
      %get3A_476 = vector.shape_cast %get3A_475 : vector<1x16xf32> to vector<16xf32>
      %max3A_477 = arith.maximumf %scan3A_451, %get3A_476 : vector<16xf32>
      %get3A_478 = arith.index_cast %scan3A_446 : i32 to index
      %get3A_479 = arith.constant 80 : index
      %get3A_480 = tpu.vector_load %arg5[%get3A_478, %get3A_479] {strides = array<i32>} : memref<400x128xf32, #tpu.memory_space<vmem>>, vector<1x16xf32>,
      %get3A_481 = vector.shape_cast %get3A_480 : vector<1x16xf32> to vector<16xf32>
      %max3A_482 = arith.maximumf %scan3A_452, %get3A_481 : vector<16xf32>
      %get3A_483 = arith.index_cast %scan3A_446 : i32 to index
      %get3A_484 = arith.constant 96 : index
      %get3A_485 = tpu.vector_load %arg5[%get3A_483, %get3A_484] {strides = array<i32>} : memref<400x128xf32, #tpu.memory_space<vmem>>, vector<1x16xf32>,
      %get3A_486 = vector.shape_cast %get3A_485 : vector<1x16xf32> to vector<16xf32>
      %max3A_487 = arith.maximumf %scan3A_453, %get3A_486 : vector<16xf32>
      %get3A_488 = arith.index_cast %scan3A_446 : i32 to index
      %get3A_489 = arith.constant 112 : index
      %get3A_490 = tpu.vector_load %arg5[%get3A_488, %get3A_489] {strides = array<i32>} : memref<400x128xf32, #tpu.memory_space<vmem>>, vector<1x16xf32>,
      %get3A_491 = vector.shape_cast %get3A_490 : vector<1x16xf32> to vector<16xf32>
      %max3A_492 = arith.maximumf %scan3A_454, %get3A_491 : vector<16xf32>
      scf.yield %max3A, %max3A_462, %max3A_467, %max3A_472, %max3A_477, %max3A_482, %max3A_487, %max3A_492 : vector<16xf32>, vector<16xf32>, vector<16xf32>, vector<16xf32>, vector<16xf32>, vector<16xf32>, vector<16xf32>, vector<16xf32>
    }
    %scan3A_210 = arith.constant 400 : i32
    %add3A_211 = arith.constant 5200 : i32
    %add3A_212 = arith.addi %mul3A_2, %add3A_211 : i32
    %dma_start3A_213 = arith.constant 0 : i32
    %dma_start3A_214 = tpu.memref_slice %arg2[%add3A_212, %dma_start3A_213] : memref<320000x128xf32, #tpu.memory_space<hbm>> -> memref<400x128xf32, #tpu.memory_space<hbm>>
    %dma_start3A_215 = arith.constant 0 : i32
    %dma_start3A_216 = tpu.memref_slice %arg2[%add3A_212, %dma_start3A_215] : memref<320000x128xf32, #tpu.memory_space<hbm>> -> memref<400x128xf32, #tpu.memory_space<hbm>>
    tpu.enqueue_dma source(%dma_start3A_216 : memref<400x128xf32, #tpu.memory_space<hbm>>) target(%arg5 : memref<400x128xf32, #tpu.memory_space<vmem>>) target_semaphore(%arg10 : memref<!tpu.dma_semaphore, #tpu.memory_space<semaphore_mem>>)
    %dma_wait3A_217 = arith.constant 0 : i32
    %dma_wait3A_218 = tpu.memref_slice %arg2[%add3A_196, %dma_wait3A_217] : memref<320000x128xf32, #tpu.memory_space<hbm>> -> memref<400x128xf32, #tpu.memory_space<hbm>>
    %dma_wait3A_219 = arith.constant 0 : i32
    %dma_wait3A_220 = tpu.memref_slice %arg2[%add3A_196, %dma_wait3A_219] : memref<320000x128xf32, #tpu.memory_space<hbm>> -> memref<400x128xf32, #tpu.memory_space<hbm>>
    tpu.wait_dma2 semaphore(%arg9 : memref<!tpu.dma_semaphore, #tpu.memory_space<semaphore_mem>>) src(%dma_wait3A_220 : memref<400x128xf32, #tpu.memory_space<hbm>>) dst(%arg4 : memref<400x128xf32, #tpu.memory_space<vmem>>)
    %scan3A_221 = arith.constant 0 : i32
    %scan3A_222 = arith.constant 400 : i32
    %scan3A_223 = arith.addi %scan3A_221, %scan3A_222 : i32
    %scan3A_224 = arith.constant 1 : i32
    %scan3A_225:8 = scf.for %scan3A_446 = %scan3A_221 to %scan3A_223 step %scan3A_224 iter_args(%scan3A_447 = %scan3A_209#0, %scan3A_448 = %scan3A_209#1, %scan3A_449 = %scan3A_209#2, %scan3A_450 = %scan3A_209#3, %scan3A_451 = %scan3A_209#4, %scan3A_452 = %scan3A_209#5, %scan3A_453 = %scan3A_209#6, %scan3A_454 = %scan3A_209#7) -> (vector<16xf32>, vector<16xf32>, vector<16xf32>, vector<16xf32>, vector<16xf32>, vector<16xf32>, vector<16xf32>, vector<16xf32>)  : i32 {
      %get3A = arith.index_cast %scan3A_446 : i32 to index
      %get3A_455 = arith.constant 0 : index
      %get3A_456 = tpu.vector_load %arg4[%get3A, %get3A_455] {strides = array<i32>} : memref<400x128xf32, #tpu.memory_space<vmem>>, vector<1x16xf32>,
      %get3A_457 = vector.shape_cast %get3A_456 : vector<1x16xf32> to vector<16xf32>
      %max3A = arith.maximumf %scan3A_447, %get3A_457 : vector<16xf32>
      %get3A_458 = arith.index_cast %scan3A_446 : i32 to index
      %get3A_459 = arith.constant 16 : index
      %get3A_460 = tpu.vector_load %arg4[%get3A_458, %get3A_459] {strides = array<i32>} : memref<400x128xf32, #tpu.memory_space<vmem>>, vector<1x16xf32>,
      %get3A_461 = vector.shape_cast %get3A_460 : vector<1x16xf32> to vector<16xf32>
      %max3A_462 = arith.maximumf %scan3A_448, %get3A_461 : vector<16xf32>
      %get3A_463 = arith.index_cast %scan3A_446 : i32 to index
      %get3A_464 = arith.constant 32 : index
      %get3A_465 = tpu.vector_load %arg4[%get3A_463, %get3A_464] {strides = array<i32>} : memref<400x128xf32, #tpu.memory_space<vmem>>, vector<1x16xf32>,
      %get3A_466 = vector.shape_cast %get3A_465 : vector<1x16xf32> to vector<16xf32>
      %max3A_467 = arith.maximumf %scan3A_449, %get3A_466 : vector<16xf32>
      %get3A_468 = arith.index_cast %scan3A_446 : i32 to index
      %get3A_469 = arith.constant 48 : index
      %get3A_470 = tpu.vector_load %arg4[%get3A_468, %get3A_469] {strides = array<i32>} : memref<400x128xf32, #tpu.memory_space<vmem>>, vector<1x16xf32>,
      %get3A_471 = vector.shape_cast %get3A_470 : vector<1x16xf32> to vector<16xf32>
      %max3A_472 = arith.maximumf %scan3A_450, %get3A_471 : vector<16xf32>
      %get3A_473 = arith.index_cast %scan3A_446 : i32 to index
      %get3A_474 = arith.constant 64 : index
      %get3A_475 = tpu.vector_load %arg4[%get3A_473, %get3A_474] {strides = array<i32>} : memref<400x128xf32, #tpu.memory_space<vmem>>, vector<1x16xf32>,
      %get3A_476 = vector.shape_cast %get3A_475 : vector<1x16xf32> to vector<16xf32>
      %max3A_477 = arith.maximumf %scan3A_451, %get3A_476 : vector<16xf32>
      %get3A_478 = arith.index_cast %scan3A_446 : i32 to index
      %get3A_479 = arith.constant 80 : index
      %get3A_480 = tpu.vector_load %arg4[%get3A_478, %get3A_479] {strides = array<i32>} : memref<400x128xf32, #tpu.memory_space<vmem>>, vector<1x16xf32>,
      %get3A_481 = vector.shape_cast %get3A_480 : vector<1x16xf32> to vector<16xf32>
      %max3A_482 = arith.maximumf %scan3A_452, %get3A_481 : vector<16xf32>
      %get3A_483 = arith.index_cast %scan3A_446 : i32 to index
      %get3A_484 = arith.constant 96 : index
      %get3A_485 = tpu.vector_load %arg4[%get3A_483, %get3A_484] {strides = array<i32>} : memref<400x128xf32, #tpu.memory_space<vmem>>, vector<1x16xf32>,
      %get3A_486 = vector.shape_cast %get3A_485 : vector<1x16xf32> to vector<16xf32>
      %max3A_487 = arith.maximumf %scan3A_453, %get3A_486 : vector<16xf32>
      %get3A_488 = arith.index_cast %scan3A_446 : i32 to index
      %get3A_489 = arith.constant 112 : index
      %get3A_490 = tpu.vector_load %arg4[%get3A_488, %get3A_489] {strides = array<i32>} : memref<400x128xf32, #tpu.memory_space<vmem>>, vector<1x16xf32>,
      %get3A_491 = vector.shape_cast %get3A_490 : vector<1x16xf32> to vector<16xf32>
      %max3A_492 = arith.maximumf %scan3A_454, %get3A_491 : vector<16xf32>
      scf.yield %max3A, %max3A_462, %max3A_467, %max3A_472, %max3A_477, %max3A_482, %max3A_487, %max3A_492 : vector<16xf32>, vector<16xf32>, vector<16xf32>, vector<16xf32>, vector<16xf32>, vector<16xf32>, vector<16xf32>, vector<16xf32>
    }
    %scan3A_226 = arith.constant 400 : i32
    %add3A_227 = arith.constant 5600 : i32
    %add3A_228 = arith.addi %mul3A_2, %add3A_227 : i32
    %dma_start3A_229 = arith.constant 0 : i32
    %dma_start3A_230 = tpu.memref_slice %arg2[%add3A_228, %dma_start3A_229] : memref<320000x128xf32, #tpu.memory_space<hbm>> -> memref<400x128xf32, #tpu.memory_space<hbm>>
    %dma_start3A_231 = arith.constant 0 : i32
    %dma_start3A_232 = tpu.memref_slice %arg2[%add3A_228, %dma_start3A_231] : memref<320000x128xf32, #tpu.memory_space<hbm>> -> memref<400x128xf32, #tpu.memory_space<hbm>>
    tpu.enqueue_dma source(%dma_start3A_232 : memref<400x128xf32, #tpu.memory_space<hbm>>) target(%arg4 : memref<400x128xf32, #tpu.memory_space<vmem>>) target_semaphore(%arg9 : memref<!tpu.dma_semaphore, #tpu.memory_space<semaphore_mem>>)
    %dma_wait3A_233 = arith.constant 0 : i32
    %dma_wait3A_234 = tpu.memref_slice %arg2[%add3A_212, %dma_wait3A_233] : memref<320000x128xf32, #tpu.memory_space<hbm>> -> memref<400x128xf32, #tpu.memory_space<hbm>>
    %dma_wait3A_235 = arith.constant 0 : i32
    %dma_wait3A_236 = tpu.memref_slice %arg2[%add3A_212, %dma_wait3A_235] : memref<320000x128xf32, #tpu.memory_space<hbm>> -> memref<400x128xf32, #tpu.memory_space<hbm>>
    tpu.wait_dma2 semaphore(%arg10 : memref<!tpu.dma_semaphore, #tpu.memory_space<semaphore_mem>>) src(%dma_wait3A_236 : memref<400x128xf32, #tpu.memory_space<hbm>>) dst(%arg5 : memref<400x128xf32, #tpu.memory_space<vmem>>)
    %scan3A_237 = arith.constant 0 : i32
    %scan3A_238 = arith.constant 400 : i32
    %scan3A_239 = arith.addi %scan3A_237, %scan3A_238 : i32
    %scan3A_240 = arith.constant 1 : i32
    %scan3A_241:8 = scf.for %scan3A_446 = %scan3A_237 to %scan3A_239 step %scan3A_240 iter_args(%scan3A_447 = %scan3A_225#0, %scan3A_448 = %scan3A_225#1, %scan3A_449 = %scan3A_225#2, %scan3A_450 = %scan3A_225#3, %scan3A_451 = %scan3A_225#4, %scan3A_452 = %scan3A_225#5, %scan3A_453 = %scan3A_225#6, %scan3A_454 = %scan3A_225#7) -> (vector<16xf32>, vector<16xf32>, vector<16xf32>, vector<16xf32>, vector<16xf32>, vector<16xf32>, vector<16xf32>, vector<16xf32>)  : i32 {
      %get3A = arith.index_cast %scan3A_446 : i32 to index
      %get3A_455 = arith.constant 0 : index
      %get3A_456 = tpu.vector_load %arg5[%get3A, %get3A_455] {strides = array<i32>} : memref<400x128xf32, #tpu.memory_space<vmem>>, vector<1x16xf32>,
      %get3A_457 = vector.shape_cast %get3A_456 : vector<1x16xf32> to vector<16xf32>
      %max3A = arith.maximumf %scan3A_447, %get3A_457 : vector<16xf32>
      %get3A_458 = arith.index_cast %scan3A_446 : i32 to index
      %get3A_459 = arith.constant 16 : index
      %get3A_460 = tpu.vector_load %arg5[%get3A_458, %get3A_459] {strides = array<i32>} : memref<400x128xf32, #tpu.memory_space<vmem>>, vector<1x16xf32>,
      %get3A_461 = vector.shape_cast %get3A_460 : vector<1x16xf32> to vector<16xf32>
      %max3A_462 = arith.maximumf %scan3A_448, %get3A_461 : vector<16xf32>
      %get3A_463 = arith.index_cast %scan3A_446 : i32 to index
      %get3A_464 = arith.constant 32 : index
      %get3A_465 = tpu.vector_load %arg5[%get3A_463, %get3A_464] {strides = array<i32>} : memref<400x128xf32, #tpu.memory_space<vmem>>, vector<1x16xf32>,
      %get3A_466 = vector.shape_cast %get3A_465 : vector<1x16xf32> to vector<16xf32>
      %max3A_467 = arith.maximumf %scan3A_449, %get3A_466 : vector<16xf32>
      %get3A_468 = arith.index_cast %scan3A_446 : i32 to index
      %get3A_469 = arith.constant 48 : index
      %get3A_470 = tpu.vector_load %arg5[%get3A_468, %get3A_469] {strides = array<i32>} : memref<400x128xf32, #tpu.memory_space<vmem>>, vector<1x16xf32>,
      %get3A_471 = vector.shape_cast %get3A_470 : vector<1x16xf32> to vector<16xf32>
      %max3A_472 = arith.maximumf %scan3A_450, %get3A_471 : vector<16xf32>
      %get3A_473 = arith.index_cast %scan3A_446 : i32 to index
      %get3A_474 = arith.constant 64 : index
      %get3A_475 = tpu.vector_load %arg5[%get3A_473, %get3A_474] {strides = array<i32>} : memref<400x128xf32, #tpu.memory_space<vmem>>, vector<1x16xf32>,
      %get3A_476 = vector.shape_cast %get3A_475 : vector<1x16xf32> to vector<16xf32>
      %max3A_477 = arith.maximumf %scan3A_451, %get3A_476 : vector<16xf32>
      %get3A_478 = arith.index_cast %scan3A_446 : i32 to index
      %get3A_479 = arith.constant 80 : index
      %get3A_480 = tpu.vector_load %arg5[%get3A_478, %get3A_479] {strides = array<i32>} : memref<400x128xf32, #tpu.memory_space<vmem>>, vector<1x16xf32>,
      %get3A_481 = vector.shape_cast %get3A_480 : vector<1x16xf32> to vector<16xf32>
      %max3A_482 = arith.maximumf %scan3A_452, %get3A_481 : vector<16xf32>
      %get3A_483 = arith.index_cast %scan3A_446 : i32 to index
      %get3A_484 = arith.constant 96 : index
      %get3A_485 = tpu.vector_load %arg5[%get3A_483, %get3A_484] {strides = array<i32>} : memref<400x128xf32, #tpu.memory_space<vmem>>, vector<1x16xf32>,
      %get3A_486 = vector.shape_cast %get3A_485 : vector<1x16xf32> to vector<16xf32>
      %max3A_487 = arith.maximumf %scan3A_453, %get3A_486 : vector<16xf32>
      %get3A_488 = arith.index_cast %scan3A_446 : i32 to index
      %get3A_489 = arith.constant 112 : index
      %get3A_490 = tpu.vector_load %arg5[%get3A_488, %get3A_489] {strides = array<i32>} : memref<400x128xf32, #tpu.memory_space<vmem>>, vector<1x16xf32>,
      %get3A_491 = vector.shape_cast %get3A_490 : vector<1x16xf32> to vector<16xf32>
      %max3A_492 = arith.maximumf %scan3A_454, %get3A_491 : vector<16xf32>
      scf.yield %max3A, %max3A_462, %max3A_467, %max3A_472, %max3A_477, %max3A_482, %max3A_487, %max3A_492 : vector<16xf32>, vector<16xf32>, vector<16xf32>, vector<16xf32>, vector<16xf32>, vector<16xf32>, vector<16xf32>, vector<16xf32>
    }
    %scan3A_242 = arith.constant 400 : i32
    %add3A_243 = arith.constant 6000 : i32
    %add3A_244 = arith.addi %mul3A_2, %add3A_243 : i32
    %dma_start3A_245 = arith.constant 0 : i32
    %dma_start3A_246 = tpu.memref_slice %arg2[%add3A_244, %dma_start3A_245] : memref<320000x128xf32, #tpu.memory_space<hbm>> -> memref<400x128xf32, #tpu.memory_space<hbm>>
    %dma_start3A_247 = arith.constant 0 : i32
    %dma_start3A_248 = tpu.memref_slice %arg2[%add3A_244, %dma_start3A_247] : memref<320000x128xf32, #tpu.memory_space<hbm>> -> memref<400x128xf32, #tpu.memory_space<hbm>>
    tpu.enqueue_dma source(%dma_start3A_248 : memref<400x128xf32, #tpu.memory_space<hbm>>) target(%arg5 : memref<400x128xf32, #tpu.memory_space<vmem>>) target_semaphore(%arg10 : memref<!tpu.dma_semaphore, #tpu.memory_space<semaphore_mem>>)
    %dma_wait3A_249 = arith.constant 0 : i32
    %dma_wait3A_250 = tpu.memref_slice %arg2[%add3A_228, %dma_wait3A_249] : memref<320000x128xf32, #tpu.memory_space<hbm>> -> memref<400x128xf32, #tpu.memory_space<hbm>>
    %dma_wait3A_251 = arith.constant 0 : i32
    %dma_wait3A_252 = tpu.memref_slice %arg2[%add3A_228, %dma_wait3A_251] : memref<320000x128xf32, #tpu.memory_space<hbm>> -> memref<400x128xf32, #tpu.memory_space<hbm>>
    tpu.wait_dma2 semaphore(%arg9 : memref<!tpu.dma_semaphore, #tpu.memory_space<semaphore_mem>>) src(%dma_wait3A_252 : memref<400x128xf32, #tpu.memory_space<hbm>>) dst(%arg4 : memref<400x128xf32, #tpu.memory_space<vmem>>)
    %scan3A_253 = arith.constant 0 : i32
    %scan3A_254 = arith.constant 400 : i32
    %scan3A_255 = arith.addi %scan3A_253, %scan3A_254 : i32
    %scan3A_256 = arith.constant 1 : i32
    %scan3A_257:8 = scf.for %scan3A_446 = %scan3A_253 to %scan3A_255 step %scan3A_256 iter_args(%scan3A_447 = %scan3A_241#0, %scan3A_448 = %scan3A_241#1, %scan3A_449 = %scan3A_241#2, %scan3A_450 = %scan3A_241#3, %scan3A_451 = %scan3A_241#4, %scan3A_452 = %scan3A_241#5, %scan3A_453 = %scan3A_241#6, %scan3A_454 = %scan3A_241#7) -> (vector<16xf32>, vector<16xf32>, vector<16xf32>, vector<16xf32>, vector<16xf32>, vector<16xf32>, vector<16xf32>, vector<16xf32>)  : i32 {
      %get3A = arith.index_cast %scan3A_446 : i32 to index
      %get3A_455 = arith.constant 0 : index
      %get3A_456 = tpu.vector_load %arg4[%get3A, %get3A_455] {strides = array<i32>} : memref<400x128xf32, #tpu.memory_space<vmem>>, vector<1x16xf32>,
      %get3A_457 = vector.shape_cast %get3A_456 : vector<1x16xf32> to vector<16xf32>
      %max3A = arith.maximumf %scan3A_447, %get3A_457 : vector<16xf32>
      %get3A_458 = arith.index_cast %scan3A_446 : i32 to index
      %get3A_459 = arith.constant 16 : index
      %get3A_460 = tpu.vector_load %arg4[%get3A_458, %get3A_459] {strides = array<i32>} : memref<400x128xf32, #tpu.memory_space<vmem>>, vector<1x16xf32>,
      %get3A_461 = vector.shape_cast %get3A_460 : vector<1x16xf32> to vector<16xf32>
      %max3A_462 = arith.maximumf %scan3A_448, %get3A_461 : vector<16xf32>
      %get3A_463 = arith.index_cast %scan3A_446 : i32 to index
      %get3A_464 = arith.constant 32 : index
      %get3A_465 = tpu.vector_load %arg4[%get3A_463, %get3A_464] {strides = array<i32>} : memref<400x128xf32, #tpu.memory_space<vmem>>, vector<1x16xf32>,
      %get3A_466 = vector.shape_cast %get3A_465 : vector<1x16xf32> to vector<16xf32>
      %max3A_467 = arith.maximumf %scan3A_449, %get3A_466 : vector<16xf32>
      %get3A_468 = arith.index_cast %scan3A_446 : i32 to index
      %get3A_469 = arith.constant 48 : index
      %get3A_470 = tpu.vector_load %arg4[%get3A_468, %get3A_469] {strides = array<i32>} : memref<400x128xf32, #tpu.memory_space<vmem>>, vector<1x16xf32>,
      %get3A_471 = vector.shape_cast %get3A_470 : vector<1x16xf32> to vector<16xf32>
      %max3A_472 = arith.maximumf %scan3A_450, %get3A_471 : vector<16xf32>
      %get3A_473 = arith.index_cast %scan3A_446 : i32 to index
      %get3A_474 = arith.constant 64 : index
      %get3A_475 = tpu.vector_load %arg4[%get3A_473, %get3A_474] {strides = array<i32>} : memref<400x128xf32, #tpu.memory_space<vmem>>, vector<1x16xf32>,
      %get3A_476 = vector.shape_cast %get3A_475 : vector<1x16xf32> to vector<16xf32>
      %max3A_477 = arith.maximumf %scan3A_451, %get3A_476 : vector<16xf32>
      %get3A_478 = arith.index_cast %scan3A_446 : i32 to index
      %get3A_479 = arith.constant 80 : index
      %get3A_480 = tpu.vector_load %arg4[%get3A_478, %get3A_479] {strides = array<i32>} : memref<400x128xf32, #tpu.memory_space<vmem>>, vector<1x16xf32>,
      %get3A_481 = vector.shape_cast %get3A_480 : vector<1x16xf32> to vector<16xf32>
      %max3A_482 = arith.maximumf %scan3A_452, %get3A_481 : vector<16xf32>
      %get3A_483 = arith.index_cast %scan3A_446 : i32 to index
      %get3A_484 = arith.constant 96 : index
      %get3A_485 = tpu.vector_load %arg4[%get3A_483, %get3A_484] {strides = array<i32>} : memref<400x128xf32, #tpu.memory_space<vmem>>, vector<1x16xf32>,
      %get3A_486 = vector.shape_cast %get3A_485 : vector<1x16xf32> to vector<16xf32>
      %max3A_487 = arith.maximumf %scan3A_453, %get3A_486 : vector<16xf32>
      %get3A_488 = arith.index_cast %scan3A_446 : i32 to index
      %get3A_489 = arith.constant 112 : index
      %get3A_490 = tpu.vector_load %arg4[%get3A_488, %get3A_489] {strides = array<i32>} : memref<400x128xf32, #tpu.memory_space<vmem>>, vector<1x16xf32>,
      %get3A_491 = vector.shape_cast %get3A_490 : vector<1x16xf32> to vector<16xf32>
      %max3A_492 = arith.maximumf %scan3A_454, %get3A_491 : vector<16xf32>
      scf.yield %max3A, %max3A_462, %max3A_467, %max3A_472, %max3A_477, %max3A_482, %max3A_487, %max3A_492 : vector<16xf32>, vector<16xf32>, vector<16xf32>, vector<16xf32>, vector<16xf32>, vector<16xf32>, vector<16xf32>, vector<16xf32>
    }
    %scan3A_258 = arith.constant 400 : i32
    %add3A_259 = arith.constant 6400 : i32
    %add3A_260 = arith.addi %mul3A_2, %add3A_259 : i32
    %dma_start3A_261 = arith.constant 0 : i32
    %dma_start3A_262 = tpu.memref_slice %arg2[%add3A_260, %dma_start3A_261] : memref<320000x128xf32, #tpu.memory_space<hbm>> -> memref<400x128xf32, #tpu.memory_space<hbm>>
    %dma_start3A_263 = arith.constant 0 : i32
    %dma_start3A_264 = tpu.memref_slice %arg2[%add3A_260, %dma_start3A_263] : memref<320000x128xf32, #tpu.memory_space<hbm>> -> memref<400x128xf32, #tpu.memory_space<hbm>>
    tpu.enqueue_dma source(%dma_start3A_264 : memref<400x128xf32, #tpu.memory_space<hbm>>) target(%arg4 : memref<400x128xf32, #tpu.memory_space<vmem>>) target_semaphore(%arg9 : memref<!tpu.dma_semaphore, #tpu.memory_space<semaphore_mem>>)
    %dma_wait3A_265 = arith.constant 0 : i32
    %dma_wait3A_266 = tpu.memref_slice %arg2[%add3A_244, %dma_wait3A_265] : memref<320000x128xf32, #tpu.memory_space<hbm>> -> memref<400x128xf32, #tpu.memory_space<hbm>>
    %dma_wait3A_267 = arith.constant 0 : i32
    %dma_wait3A_268 = tpu.memref_slice %arg2[%add3A_244, %dma_wait3A_267] : memref<320000x128xf32, #tpu.memory_space<hbm>> -> memref<400x128xf32, #tpu.memory_space<hbm>>
    tpu.wait_dma2 semaphore(%arg10 : memref<!tpu.dma_semaphore, #tpu.memory_space<semaphore_mem>>) src(%dma_wait3A_268 : memref<400x128xf32, #tpu.memory_space<hbm>>) dst(%arg5 : memref<400x128xf32, #tpu.memory_space<vmem>>)
    %scan3A_269 = arith.constant 0 : i32
    %scan3A_270 = arith.constant 400 : i32
    %scan3A_271 = arith.addi %scan3A_269, %scan3A_270 : i32
    %scan3A_272 = arith.constant 1 : i32
    %scan3A_273:8 = scf.for %scan3A_446 = %scan3A_269 to %scan3A_271 step %scan3A_272 iter_args(%scan3A_447 = %scan3A_257#0, %scan3A_448 = %scan3A_257#1, %scan3A_449 = %scan3A_257#2, %scan3A_450 = %scan3A_257#3, %scan3A_451 = %scan3A_257#4, %scan3A_452 = %scan3A_257#5, %scan3A_453 = %scan3A_257#6, %scan3A_454 = %scan3A_257#7) -> (vector<16xf32>, vector<16xf32>, vector<16xf32>, vector<16xf32>, vector<16xf32>, vector<16xf32>, vector<16xf32>, vector<16xf32>)  : i32 {
      %get3A = arith.index_cast %scan3A_446 : i32 to index
      %get3A_455 = arith.constant 0 : index
      %get3A_456 = tpu.vector_load %arg5[%get3A, %get3A_455] {strides = array<i32>} : memref<400x128xf32, #tpu.memory_space<vmem>>, vector<1x16xf32>,
      %get3A_457 = vector.shape_cast %get3A_456 : vector<1x16xf32> to vector<16xf32>
      %max3A = arith.maximumf %scan3A_447, %get3A_457 : vector<16xf32>
      %get3A_458 = arith.index_cast %scan3A_446 : i32 to index
      %get3A_459 = arith.constant 16 : index
      %get3A_460 = tpu.vector_load %arg5[%get3A_458, %get3A_459] {strides = array<i32>} : memref<400x128xf32, #tpu.memory_space<vmem>>, vector<1x16xf32>,
      %get3A_461 = vector.shape_cast %get3A_460 : vector<1x16xf32> to vector<16xf32>
      %max3A_462 = arith.maximumf %scan3A_448, %get3A_461 : vector<16xf32>
      %get3A_463 = arith.index_cast %scan3A_446 : i32 to index
      %get3A_464 = arith.constant 32 : index
      %get3A_465 = tpu.vector_load %arg5[%get3A_463, %get3A_464] {strides = array<i32>} : memref<400x128xf32, #tpu.memory_space<vmem>>, vector<1x16xf32>,
      %get3A_466 = vector.shape_cast %get3A_465 : vector<1x16xf32> to vector<16xf32>
      %max3A_467 = arith.maximumf %scan3A_449, %get3A_466 : vector<16xf32>
      %get3A_468 = arith.index_cast %scan3A_446 : i32 to index
      %get3A_469 = arith.constant 48 : index
      %get3A_470 = tpu.vector_load %arg5[%get3A_468, %get3A_469] {strides = array<i32>} : memref<400x128xf32, #tpu.memory_space<vmem>>, vector<1x16xf32>,
      %get3A_471 = vector.shape_cast %get3A_470 : vector<1x16xf32> to vector<16xf32>
      %max3A_472 = arith.maximumf %scan3A_450, %get3A_471 : vector<16xf32>
      %get3A_473 = arith.index_cast %scan3A_446 : i32 to index
      %get3A_474 = arith.constant 64 : index
      %get3A_475 = tpu.vector_load %arg5[%get3A_473, %get3A_474] {strides = array<i32>} : memref<400x128xf32, #tpu.memory_space<vmem>>, vector<1x16xf32>,
      %get3A_476 = vector.shape_cast %get3A_475 : vector<1x16xf32> to vector<16xf32>
      %max3A_477 = arith.maximumf %scan3A_451, %get3A_476 : vector<16xf32>
      %get3A_478 = arith.index_cast %scan3A_446 : i32 to index
      %get3A_479 = arith.constant 80 : index
      %get3A_480 = tpu.vector_load %arg5[%get3A_478, %get3A_479] {strides = array<i32>} : memref<400x128xf32, #tpu.memory_space<vmem>>, vector<1x16xf32>,
      %get3A_481 = vector.shape_cast %get3A_480 : vector<1x16xf32> to vector<16xf32>
      %max3A_482 = arith.maximumf %scan3A_452, %get3A_481 : vector<16xf32>
      %get3A_483 = arith.index_cast %scan3A_446 : i32 to index
      %get3A_484 = arith.constant 96 : index
      %get3A_485 = tpu.vector_load %arg5[%get3A_483, %get3A_484] {strides = array<i32>} : memref<400x128xf32, #tpu.memory_space<vmem>>, vector<1x16xf32>,
      %get3A_486 = vector.shape_cast %get3A_485 : vector<1x16xf32> to vector<16xf32>
      %max3A_487 = arith.maximumf %scan3A_453, %get3A_486 : vector<16xf32>
      %get3A_488 = arith.index_cast %scan3A_446 : i32 to index
      %get3A_489 = arith.constant 112 : index
      %get3A_490 = tpu.vector_load %arg5[%get3A_488, %get3A_489] {strides = array<i32>} : memref<400x128xf32, #tpu.memory_space<vmem>>, vector<1x16xf32>,
      %get3A_491 = vector.shape_cast %get3A_490 : vector<1x16xf32> to vector<16xf32>
      %max3A_492 = arith.maximumf %scan3A_454, %get3A_491 : vector<16xf32>
      scf.yield %max3A, %max3A_462, %max3A_467, %max3A_472, %max3A_477, %max3A_482, %max3A_487, %max3A_492 : vector<16xf32>, vector<16xf32>, vector<16xf32>, vector<16xf32>, vector<16xf32>, vector<16xf32>, vector<16xf32>, vector<16xf32>
    }
    %scan3A_274 = arith.constant 400 : i32
    %add3A_275 = arith.constant 6800 : i32
    %add3A_276 = arith.addi %mul3A_2, %add3A_275 : i32
    %dma_start3A_277 = arith.constant 0 : i32
    %dma_start3A_278 = tpu.memref_slice %arg2[%add3A_276, %dma_start3A_277] : memref<320000x128xf32, #tpu.memory_space<hbm>> -> memref<400x128xf32, #tpu.memory_space<hbm>>
    %dma_start3A_279 = arith.constant 0 : i32
    %dma_start3A_280 = tpu.memref_slice %arg2[%add3A_276, %dma_start3A_279] : memref<320000x128xf32, #tpu.memory_space<hbm>> -> memref<400x128xf32, #tpu.memory_space<hbm>>
    tpu.enqueue_dma source(%dma_start3A_280 : memref<400x128xf32, #tpu.memory_space<hbm>>) target(%arg5 : memref<400x128xf32, #tpu.memory_space<vmem>>) target_semaphore(%arg10 : memref<!tpu.dma_semaphore, #tpu.memory_space<semaphore_mem>>)
    %dma_wait3A_281 = arith.constant 0 : i32
    %dma_wait3A_282 = tpu.memref_slice %arg2[%add3A_260, %dma_wait3A_281] : memref<320000x128xf32, #tpu.memory_space<hbm>> -> memref<400x128xf32, #tpu.memory_space<hbm>>
    %dma_wait3A_283 = arith.constant 0 : i32
    %dma_wait3A_284 = tpu.memref_slice %arg2[%add3A_260, %dma_wait3A_283] : memref<320000x128xf32, #tpu.memory_space<hbm>> -> memref<400x128xf32, #tpu.memory_space<hbm>>
    tpu.wait_dma2 semaphore(%arg9 : memref<!tpu.dma_semaphore, #tpu.memory_space<semaphore_mem>>) src(%dma_wait3A_284 : memref<400x128xf32, #tpu.memory_space<hbm>>) dst(%arg4 : memref<400x128xf32, #tpu.memory_space<vmem>>)
    %scan3A_285 = arith.constant 0 : i32
    %scan3A_286 = arith.constant 400 : i32
    %scan3A_287 = arith.addi %scan3A_285, %scan3A_286 : i32
    %scan3A_288 = arith.constant 1 : i32
    %scan3A_289:8 = scf.for %scan3A_446 = %scan3A_285 to %scan3A_287 step %scan3A_288 iter_args(%scan3A_447 = %scan3A_273#0, %scan3A_448 = %scan3A_273#1, %scan3A_449 = %scan3A_273#2, %scan3A_450 = %scan3A_273#3, %scan3A_451 = %scan3A_273#4, %scan3A_452 = %scan3A_273#5, %scan3A_453 = %scan3A_273#6, %scan3A_454 = %scan3A_273#7) -> (vector<16xf32>, vector<16xf32>, vector<16xf32>, vector<16xf32>, vector<16xf32>, vector<16xf32>, vector<16xf32>, vector<16xf32>)  : i32 {
      %get3A = arith.index_cast %scan3A_446 : i32 to index
      %get3A_455 = arith.constant 0 : index
      %get3A_456 = tpu.vector_load %arg4[%get3A, %get3A_455] {strides = array<i32>} : memref<400x128xf32, #tpu.memory_space<vmem>>, vector<1x16xf32>,
      %get3A_457 = vector.shape_cast %get3A_456 : vector<1x16xf32> to vector<16xf32>
      %max3A = arith.maximumf %scan3A_447, %get3A_457 : vector<16xf32>
      %get3A_458 = arith.index_cast %scan3A_446 : i32 to index
      %get3A_459 = arith.constant 16 : index
      %get3A_460 = tpu.vector_load %arg4[%get3A_458, %get3A_459] {strides = array<i32>} : memref<400x128xf32, #tpu.memory_space<vmem>>, vector<1x16xf32>,
      %get3A_461 = vector.shape_cast %get3A_460 : vector<1x16xf32> to vector<16xf32>
      %max3A_462 = arith.maximumf %scan3A_448, %get3A_461 : vector<16xf32>
      %get3A_463 = arith.index_cast %scan3A_446 : i32 to index
      %get3A_464 = arith.constant 32 : index
      %get3A_465 = tpu.vector_load %arg4[%get3A_463, %get3A_464] {strides = array<i32>} : memref<400x128xf32, #tpu.memory_space<vmem>>, vector<1x16xf32>,
      %get3A_466 = vector.shape_cast %get3A_465 : vector<1x16xf32> to vector<16xf32>
      %max3A_467 = arith.maximumf %scan3A_449, %get3A_466 : vector<16xf32>
      %get3A_468 = arith.index_cast %scan3A_446 : i32 to index
      %get3A_469 = arith.constant 48 : index
      %get3A_470 = tpu.vector_load %arg4[%get3A_468, %get3A_469] {strides = array<i32>} : memref<400x128xf32, #tpu.memory_space<vmem>>, vector<1x16xf32>,
      %get3A_471 = vector.shape_cast %get3A_470 : vector<1x16xf32> to vector<16xf32>
      %max3A_472 = arith.maximumf %scan3A_450, %get3A_471 : vector<16xf32>
      %get3A_473 = arith.index_cast %scan3A_446 : i32 to index
      %get3A_474 = arith.constant 64 : index
      %get3A_475 = tpu.vector_load %arg4[%get3A_473, %get3A_474] {strides = array<i32>} : memref<400x128xf32, #tpu.memory_space<vmem>>, vector<1x16xf32>,
      %get3A_476 = vector.shape_cast %get3A_475 : vector<1x16xf32> to vector<16xf32>
      %max3A_477 = arith.maximumf %scan3A_451, %get3A_476 : vector<16xf32>
      %get3A_478 = arith.index_cast %scan3A_446 : i32 to index
      %get3A_479 = arith.constant 80 : index
      %get3A_480 = tpu.vector_load %arg4[%get3A_478, %get3A_479] {strides = array<i32>} : memref<400x128xf32, #tpu.memory_space<vmem>>, vector<1x16xf32>,
      %get3A_481 = vector.shape_cast %get3A_480 : vector<1x16xf32> to vector<16xf32>
      %max3A_482 = arith.maximumf %scan3A_452, %get3A_481 : vector<16xf32>
      %get3A_483 = arith.index_cast %scan3A_446 : i32 to index
      %get3A_484 = arith.constant 96 : index
      %get3A_485 = tpu.vector_load %arg4[%get3A_483, %get3A_484] {strides = array<i32>} : memref<400x128xf32, #tpu.memory_space<vmem>>, vector<1x16xf32>,
      %get3A_486 = vector.shape_cast %get3A_485 : vector<1x16xf32> to vector<16xf32>
      %max3A_487 = arith.maximumf %scan3A_453, %get3A_486 : vector<16xf32>
      %get3A_488 = arith.index_cast %scan3A_446 : i32 to index
      %get3A_489 = arith.constant 112 : index
      %get3A_490 = tpu.vector_load %arg4[%get3A_488, %get3A_489] {strides = array<i32>} : memref<400x128xf32, #tpu.memory_space<vmem>>, vector<1x16xf32>,
      %get3A_491 = vector.shape_cast %get3A_490 : vector<1x16xf32> to vector<16xf32>
      %max3A_492 = arith.maximumf %scan3A_454, %get3A_491 : vector<16xf32>
      scf.yield %max3A, %max3A_462, %max3A_467, %max3A_472, %max3A_477, %max3A_482, %max3A_487, %max3A_492 : vector<16xf32>, vector<16xf32>, vector<16xf32>, vector<16xf32>, vector<16xf32>, vector<16xf32>, vector<16xf32>, vector<16xf32>
    }
    %scan3A_290 = arith.constant 400 : i32
    %add3A_291 = arith.constant 7200 : i32
    %add3A_292 = arith.addi %mul3A_2, %add3A_291 : i32
    %dma_start3A_293 = arith.constant 0 : i32
    %dma_start3A_294 = tpu.memref_slice %arg2[%add3A_292, %dma_start3A_293] : memref<320000x128xf32, #tpu.memory_space<hbm>> -> memref<400x128xf32, #tpu.memory_space<hbm>>
    %dma_start3A_295 = arith.constant 0 : i32
    %dma_start3A_296 = tpu.memref_slice %arg2[%add3A_292, %dma_start3A_295] : memref<320000x128xf32, #tpu.memory_space<hbm>> -> memref<400x128xf32, #tpu.memory_space<hbm>>
    tpu.enqueue_dma source(%dma_start3A_296 : memref<400x128xf32, #tpu.memory_space<hbm>>) target(%arg4 : memref<400x128xf32, #tpu.memory_space<vmem>>) target_semaphore(%arg9 : memref<!tpu.dma_semaphore, #tpu.memory_space<semaphore_mem>>)
    %dma_wait3A_297 = arith.constant 0 : i32
    %dma_wait3A_298 = tpu.memref_slice %arg2[%add3A_276, %dma_wait3A_297] : memref<320000x128xf32, #tpu.memory_space<hbm>> -> memref<400x128xf32, #tpu.memory_space<hbm>>
    %dma_wait3A_299 = arith.constant 0 : i32
    %dma_wait3A_300 = tpu.memref_slice %arg2[%add3A_276, %dma_wait3A_299] : memref<320000x128xf32, #tpu.memory_space<hbm>> -> memref<400x128xf32, #tpu.memory_space<hbm>>
    tpu.wait_dma2 semaphore(%arg10 : memref<!tpu.dma_semaphore, #tpu.memory_space<semaphore_mem>>) src(%dma_wait3A_300 : memref<400x128xf32, #tpu.memory_space<hbm>>) dst(%arg5 : memref<400x128xf32, #tpu.memory_space<vmem>>)
    %scan3A_301 = arith.constant 0 : i32
    %scan3A_302 = arith.constant 400 : i32
    %scan3A_303 = arith.addi %scan3A_301, %scan3A_302 : i32
    %scan3A_304 = arith.constant 1 : i32
    %scan3A_305:8 = scf.for %scan3A_446 = %scan3A_301 to %scan3A_303 step %scan3A_304 iter_args(%scan3A_447 = %scan3A_289#0, %scan3A_448 = %scan3A_289#1, %scan3A_449 = %scan3A_289#2, %scan3A_450 = %scan3A_289#3, %scan3A_451 = %scan3A_289#4, %scan3A_452 = %scan3A_289#5, %scan3A_453 = %scan3A_289#6, %scan3A_454 = %scan3A_289#7) -> (vector<16xf32>, vector<16xf32>, vector<16xf32>, vector<16xf32>, vector<16xf32>, vector<16xf32>, vector<16xf32>, vector<16xf32>)  : i32 {
      %get3A = arith.index_cast %scan3A_446 : i32 to index
      %get3A_455 = arith.constant 0 : index
      %get3A_456 = tpu.vector_load %arg5[%get3A, %get3A_455] {strides = array<i32>} : memref<400x128xf32, #tpu.memory_space<vmem>>, vector<1x16xf32>,
      %get3A_457 = vector.shape_cast %get3A_456 : vector<1x16xf32> to vector<16xf32>
      %max3A = arith.maximumf %scan3A_447, %get3A_457 : vector<16xf32>
      %get3A_458 = arith.index_cast %scan3A_446 : i32 to index
      %get3A_459 = arith.constant 16 : index
      %get3A_460 = tpu.vector_load %arg5[%get3A_458, %get3A_459] {strides = array<i32>} : memref<400x128xf32, #tpu.memory_space<vmem>>, vector<1x16xf32>,
      %get3A_461 = vector.shape_cast %get3A_460 : vector<1x16xf32> to vector<16xf32>
      %max3A_462 = arith.maximumf %scan3A_448, %get3A_461 : vector<16xf32>
      %get3A_463 = arith.index_cast %scan3A_446 : i32 to index
      %get3A_464 = arith.constant 32 : index
      %get3A_465 = tpu.vector_load %arg5[%get3A_463, %get3A_464] {strides = array<i32>} : memref<400x128xf32, #tpu.memory_space<vmem>>, vector<1x16xf32>,
      %get3A_466 = vector.shape_cast %get3A_465 : vector<1x16xf32> to vector<16xf32>
      %max3A_467 = arith.maximumf %scan3A_449, %get3A_466 : vector<16xf32>
      %get3A_468 = arith.index_cast %scan3A_446 : i32 to index
      %get3A_469 = arith.constant 48 : index
      %get3A_470 = tpu.vector_load %arg5[%get3A_468, %get3A_469] {strides = array<i32>} : memref<400x128xf32, #tpu.memory_space<vmem>>, vector<1x16xf32>,
      %get3A_471 = vector.shape_cast %get3A_470 : vector<1x16xf32> to vector<16xf32>
      %max3A_472 = arith.maximumf %scan3A_450, %get3A_471 : vector<16xf32>
      %get3A_473 = arith.index_cast %scan3A_446 : i32 to index
      %get3A_474 = arith.constant 64 : index
      %get3A_475 = tpu.vector_load %arg5[%get3A_473, %get3A_474] {strides = array<i32>} : memref<400x128xf32, #tpu.memory_space<vmem>>, vector<1x16xf32>,
      %get3A_476 = vector.shape_cast %get3A_475 : vector<1x16xf32> to vector<16xf32>
      %max3A_477 = arith.maximumf %scan3A_451, %get3A_476 : vector<16xf32>
      %get3A_478 = arith.index_cast %scan3A_446 : i32 to index
      %get3A_479 = arith.constant 80 : index
      %get3A_480 = tpu.vector_load %arg5[%get3A_478, %get3A_479] {strides = array<i32>} : memref<400x128xf32, #tpu.memory_space<vmem>>, vector<1x16xf32>,
      %get3A_481 = vector.shape_cast %get3A_480 : vector<1x16xf32> to vector<16xf32>
      %max3A_482 = arith.maximumf %scan3A_452, %get3A_481 : vector<16xf32>
      %get3A_483 = arith.index_cast %scan3A_446 : i32 to index
      %get3A_484 = arith.constant 96 : index
      %get3A_485 = tpu.vector_load %arg5[%get3A_483, %get3A_484] {strides = array<i32>} : memref<400x128xf32, #tpu.memory_space<vmem>>, vector<1x16xf32>,
      %get3A_486 = vector.shape_cast %get3A_485 : vector<1x16xf32> to vector<16xf32>
      %max3A_487 = arith.maximumf %scan3A_453, %get3A_486 : vector<16xf32>
      %get3A_488 = arith.index_cast %scan3A_446 : i32 to index
      %get3A_489 = arith.constant 112 : index
      %get3A_490 = tpu.vector_load %arg5[%get3A_488, %get3A_489] {strides = array<i32>} : memref<400x128xf32, #tpu.memory_space<vmem>>, vector<1x16xf32>,
      %get3A_491 = vector.shape_cast %get3A_490 : vector<1x16xf32> to vector<16xf32>
      %max3A_492 = arith.maximumf %scan3A_454, %get3A_491 : vector<16xf32>
      scf.yield %max3A, %max3A_462, %max3A_467, %max3A_472, %max3A_477, %max3A_482, %max3A_487, %max3A_492 : vector<16xf32>, vector<16xf32>, vector<16xf32>, vector<16xf32>, vector<16xf32>, vector<16xf32>, vector<16xf32>, vector<16xf32>
    }
    %scan3A_306 = arith.constant 400 : i32
    %add3A_307 = arith.constant 7600 : i32
    %add3A_308 = arith.addi %mul3A_2, %add3A_307 : i32
    %dma_start3A_309 = arith.constant 0 : i32
    %dma_start3A_310 = tpu.memref_slice %arg2[%add3A_308, %dma_start3A_309] : memref<320000x128xf32, #tpu.memory_space<hbm>> -> memref<400x128xf32, #tpu.memory_space<hbm>>
    %dma_start3A_311 = arith.constant 0 : i32
    %dma_start3A_312 = tpu.memref_slice %arg2[%add3A_308, %dma_start3A_311] : memref<320000x128xf32, #tpu.memory_space<hbm>> -> memref<400x128xf32, #tpu.memory_space<hbm>>
    tpu.enqueue_dma source(%dma_start3A_312 : memref<400x128xf32, #tpu.memory_space<hbm>>) target(%arg5 : memref<400x128xf32, #tpu.memory_space<vmem>>) target_semaphore(%arg10 : memref<!tpu.dma_semaphore, #tpu.memory_space<semaphore_mem>>)
    %dma_wait3A_313 = arith.constant 0 : i32
    %dma_wait3A_314 = tpu.memref_slice %arg2[%add3A_292, %dma_wait3A_313] : memref<320000x128xf32, #tpu.memory_space<hbm>> -> memref<400x128xf32, #tpu.memory_space<hbm>>
    %dma_wait3A_315 = arith.constant 0 : i32
    %dma_wait3A_316 = tpu.memref_slice %arg2[%add3A_292, %dma_wait3A_315] : memref<320000x128xf32, #tpu.memory_space<hbm>> -> memref<400x128xf32, #tpu.memory_space<hbm>>
    tpu.wait_dma2 semaphore(%arg9 : memref<!tpu.dma_semaphore, #tpu.memory_space<semaphore_mem>>) src(%dma_wait3A_316 : memref<400x128xf32, #tpu.memory_space<hbm>>) dst(%arg4 : memref<400x128xf32, #tpu.memory_space<vmem>>)
    %scan3A_317 = arith.constant 0 : i32
    %scan3A_318 = arith.constant 400 : i32
    %scan3A_319 = arith.addi %scan3A_317, %scan3A_318 : i32
    %scan3A_320 = arith.constant 1 : i32
    %scan3A_321:8 = scf.for %scan3A_446 = %scan3A_317 to %scan3A_319 step %scan3A_320 iter_args(%scan3A_447 = %scan3A_305#0, %scan3A_448 = %scan3A_305#1, %scan3A_449 = %scan3A_305#2, %scan3A_450 = %scan3A_305#3, %scan3A_451 = %scan3A_305#4, %scan3A_452 = %scan3A_305#5, %scan3A_453 = %scan3A_305#6, %scan3A_454 = %scan3A_305#7) -> (vector<16xf32>, vector<16xf32>, vector<16xf32>, vector<16xf32>, vector<16xf32>, vector<16xf32>, vector<16xf32>, vector<16xf32>)  : i32 {
      %get3A = arith.index_cast %scan3A_446 : i32 to index
      %get3A_455 = arith.constant 0 : index
      %get3A_456 = tpu.vector_load %arg4[%get3A, %get3A_455] {strides = array<i32>} : memref<400x128xf32, #tpu.memory_space<vmem>>, vector<1x16xf32>,
      %get3A_457 = vector.shape_cast %get3A_456 : vector<1x16xf32> to vector<16xf32>
      %max3A = arith.maximumf %scan3A_447, %get3A_457 : vector<16xf32>
      %get3A_458 = arith.index_cast %scan3A_446 : i32 to index
      %get3A_459 = arith.constant 16 : index
      %get3A_460 = tpu.vector_load %arg4[%get3A_458, %get3A_459] {strides = array<i32>} : memref<400x128xf32, #tpu.memory_space<vmem>>, vector<1x16xf32>,
      %get3A_461 = vector.shape_cast %get3A_460 : vector<1x16xf32> to vector<16xf32>
      %max3A_462 = arith.maximumf %scan3A_448, %get3A_461 : vector<16xf32>
      %get3A_463 = arith.index_cast %scan3A_446 : i32 to index
      %get3A_464 = arith.constant 32 : index
      %get3A_465 = tpu.vector_load %arg4[%get3A_463, %get3A_464] {strides = array<i32>} : memref<400x128xf32, #tpu.memory_space<vmem>>, vector<1x16xf32>,
      %get3A_466 = vector.shape_cast %get3A_465 : vector<1x16xf32> to vector<16xf32>
      %max3A_467 = arith.maximumf %scan3A_449, %get3A_466 : vector<16xf32>
      %get3A_468 = arith.index_cast %scan3A_446 : i32 to index
      %get3A_469 = arith.constant 48 : index
      %get3A_470 = tpu.vector_load %arg4[%get3A_468, %get3A_469] {strides = array<i32>} : memref<400x128xf32, #tpu.memory_space<vmem>>, vector<1x16xf32>,
      %get3A_471 = vector.shape_cast %get3A_470 : vector<1x16xf32> to vector<16xf32>
      %max3A_472 = arith.maximumf %scan3A_450, %get3A_471 : vector<16xf32>
      %get3A_473 = arith.index_cast %scan3A_446 : i32 to index
      %get3A_474 = arith.constant 64 : index
      %get3A_475 = tpu.vector_load %arg4[%get3A_473, %get3A_474] {strides = array<i32>} : memref<400x128xf32, #tpu.memory_space<vmem>>, vector<1x16xf32>,
      %get3A_476 = vector.shape_cast %get3A_475 : vector<1x16xf32> to vector<16xf32>
      %max3A_477 = arith.maximumf %scan3A_451, %get3A_476 : vector<16xf32>
      %get3A_478 = arith.index_cast %scan3A_446 : i32 to index
      %get3A_479 = arith.constant 80 : index
      %get3A_480 = tpu.vector_load %arg4[%get3A_478, %get3A_479] {strides = array<i32>} : memref<400x128xf32, #tpu.memory_space<vmem>>, vector<1x16xf32>,
      %get3A_481 = vector.shape_cast %get3A_480 : vector<1x16xf32> to vector<16xf32>
      %max3A_482 = arith.maximumf %scan3A_452, %get3A_481 : vector<16xf32>
      %get3A_483 = arith.index_cast %scan3A_446 : i32 to index
      %get3A_484 = arith.constant 96 : index
      %get3A_485 = tpu.vector_load %arg4[%get3A_483, %get3A_484] {strides = array<i32>} : memref<400x128xf32, #tpu.memory_space<vmem>>, vector<1x16xf32>,
      %get3A_486 = vector.shape_cast %get3A_485 : vector<1x16xf32> to vector<16xf32>
      %max3A_487 = arith.maximumf %scan3A_453, %get3A_486 : vector<16xf32>
      %get3A_488 = arith.index_cast %scan3A_446 : i32 to index
      %get3A_489 = arith.constant 112 : index
      %get3A_490 = tpu.vector_load %arg4[%get3A_488, %get3A_489] {strides = array<i32>} : memref<400x128xf32, #tpu.memory_space<vmem>>, vector<1x16xf32>,
      %get3A_491 = vector.shape_cast %get3A_490 : vector<1x16xf32> to vector<16xf32>
      %max3A_492 = arith.maximumf %scan3A_454, %get3A_491 : vector<16xf32>
      scf.yield %max3A, %max3A_462, %max3A_467, %max3A_472, %max3A_477, %max3A_482, %max3A_487, %max3A_492 : vector<16xf32>, vector<16xf32>, vector<16xf32>, vector<16xf32>, vector<16xf32>, vector<16xf32>, vector<16xf32>, vector<16xf32>
    }
    %scan3A_322 = arith.constant 400 : i32
    %add3A_323 = arith.constant 8000 : i32
    %add3A_324 = arith.addi %mul3A_2, %add3A_323 : i32
    %dma_start3A_325 = arith.constant 0 : i32
    %dma_start3A_326 = tpu.memref_slice %arg2[%add3A_324, %dma_start3A_325] : memref<320000x128xf32, #tpu.memory_space<hbm>> -> memref<400x128xf32, #tpu.memory_space<hbm>>
    %dma_start3A_327 = arith.constant 0 : i32
    %dma_start3A_328 = tpu.memref_slice %arg2[%add3A_324, %dma_start3A_327] : memref<320000x128xf32, #tpu.memory_space<hbm>> -> memref<400x128xf32, #tpu.memory_space<hbm>>
    tpu.enqueue_dma source(%dma_start3A_328 : memref<400x128xf32, #tpu.memory_space<hbm>>) target(%arg4 : memref<400x128xf32, #tpu.memory_space<vmem>>) target_semaphore(%arg9 : memref<!tpu.dma_semaphore, #tpu.memory_space<semaphore_mem>>)
    %dma_wait3A_329 = arith.constant 0 : i32
    %dma_wait3A_330 = tpu.memref_slice %arg2[%add3A_308, %dma_wait3A_329] : memref<320000x128xf32, #tpu.memory_space<hbm>> -> memref<400x128xf32, #tpu.memory_space<hbm>>
    %dma_wait3A_331 = arith.constant 0 : i32
    %dma_wait3A_332 = tpu.memref_slice %arg2[%add3A_308, %dma_wait3A_331] : memref<320000x128xf32, #tpu.memory_space<hbm>> -> memref<400x128xf32, #tpu.memory_space<hbm>>
    tpu.wait_dma2 semaphore(%arg10 : memref<!tpu.dma_semaphore, #tpu.memory_space<semaphore_mem>>) src(%dma_wait3A_332 : memref<400x128xf32, #tpu.memory_space<hbm>>) dst(%arg5 : memref<400x128xf32, #tpu.memory_space<vmem>>)
    %scan3A_333 = arith.constant 0 : i32
    %scan3A_334 = arith.constant 400 : i32
    %scan3A_335 = arith.addi %scan3A_333, %scan3A_334 : i32
    %scan3A_336 = arith.constant 1 : i32
    %scan3A_337:8 = scf.for %scan3A_446 = %scan3A_333 to %scan3A_335 step %scan3A_336 iter_args(%scan3A_447 = %scan3A_321#0, %scan3A_448 = %scan3A_321#1, %scan3A_449 = %scan3A_321#2, %scan3A_450 = %scan3A_321#3, %scan3A_451 = %scan3A_321#4, %scan3A_452 = %scan3A_321#5, %scan3A_453 = %scan3A_321#6, %scan3A_454 = %scan3A_321#7) -> (vector<16xf32>, vector<16xf32>, vector<16xf32>, vector<16xf32>, vector<16xf32>, vector<16xf32>, vector<16xf32>, vector<16xf32>)  : i32 {
      %get3A = arith.index_cast %scan3A_446 : i32 to index
      %get3A_455 = arith.constant 0 : index
      %get3A_456 = tpu.vector_load %arg5[%get3A, %get3A_455] {strides = array<i32>} : memref<400x128xf32, #tpu.memory_space<vmem>>, vector<1x16xf32>,
      %get3A_457 = vector.shape_cast %get3A_456 : vector<1x16xf32> to vector<16xf32>
      %max3A = arith.maximumf %scan3A_447, %get3A_457 : vector<16xf32>
      %get3A_458 = arith.index_cast %scan3A_446 : i32 to index
      %get3A_459 = arith.constant 16 : index
      %get3A_460 = tpu.vector_load %arg5[%get3A_458, %get3A_459] {strides = array<i32>} : memref<400x128xf32, #tpu.memory_space<vmem>>, vector<1x16xf32>,
      %get3A_461 = vector.shape_cast %get3A_460 : vector<1x16xf32> to vector<16xf32>
      %max3A_462 = arith.maximumf %scan3A_448, %get3A_461 : vector<16xf32>
      %get3A_463 = arith.index_cast %scan3A_446 : i32 to index
      %get3A_464 = arith.constant 32 : index
      %get3A_465 = tpu.vector_load %arg5[%get3A_463, %get3A_464] {strides = array<i32>} : memref<400x128xf32, #tpu.memory_space<vmem>>, vector<1x16xf32>,
      %get3A_466 = vector.shape_cast %get3A_465 : vector<1x16xf32> to vector<16xf32>
      %max3A_467 = arith.maximumf %scan3A_449, %get3A_466 : vector<16xf32>
      %get3A_468 = arith.index_cast %scan3A_446 : i32 to index
      %get3A_469 = arith.constant 48 : index
      %get3A_470 = tpu.vector_load %arg5[%get3A_468, %get3A_469] {strides = array<i32>} : memref<400x128xf32, #tpu.memory_space<vmem>>, vector<1x16xf32>,
      %get3A_471 = vector.shape_cast %get3A_470 : vector<1x16xf32> to vector<16xf32>
      %max3A_472 = arith.maximumf %scan3A_450, %get3A_471 : vector<16xf32>
      %get3A_473 = arith.index_cast %scan3A_446 : i32 to index
      %get3A_474 = arith.constant 64 : index
      %get3A_475 = tpu.vector_load %arg5[%get3A_473, %get3A_474] {strides = array<i32>} : memref<400x128xf32, #tpu.memory_space<vmem>>, vector<1x16xf32>,
      %get3A_476 = vector.shape_cast %get3A_475 : vector<1x16xf32> to vector<16xf32>
      %max3A_477 = arith.maximumf %scan3A_451, %get3A_476 : vector<16xf32>
      %get3A_478 = arith.index_cast %scan3A_446 : i32 to index
      %get3A_479 = arith.constant 80 : index
      %get3A_480 = tpu.vector_load %arg5[%get3A_478, %get3A_479] {strides = array<i32>} : memref<400x128xf32, #tpu.memory_space<vmem>>, vector<1x16xf32>,
      %get3A_481 = vector.shape_cast %get3A_480 : vector<1x16xf32> to vector<16xf32>
      %max3A_482 = arith.maximumf %scan3A_452, %get3A_481 : vector<16xf32>
      %get3A_483 = arith.index_cast %scan3A_446 : i32 to index
      %get3A_484 = arith.constant 96 : index
      %get3A_485 = tpu.vector_load %arg5[%get3A_483, %get3A_484] {strides = array<i32>} : memref<400x128xf32, #tpu.memory_space<vmem>>, vector<1x16xf32>,
      %get3A_486 = vector.shape_cast %get3A_485 : vector<1x16xf32> to vector<16xf32>
      %max3A_487 = arith.maximumf %scan3A_453, %get3A_486 : vector<16xf32>
      %get3A_488 = arith.index_cast %scan3A_446 : i32 to index
      %get3A_489 = arith.constant 112 : index
      %get3A_490 = tpu.vector_load %arg5[%get3A_488, %get3A_489] {strides = array<i32>} : memref<400x128xf32, #tpu.memory_space<vmem>>, vector<1x16xf32>,
      %get3A_491 = vector.shape_cast %get3A_490 : vector<1x16xf32> to vector<16xf32>
      %max3A_492 = arith.maximumf %scan3A_454, %get3A_491 : vector<16xf32>
      scf.yield %max3A, %max3A_462, %max3A_467, %max3A_472, %max3A_477, %max3A_482, %max3A_487, %max3A_492 : vector<16xf32>, vector<16xf32>, vector<16xf32>, vector<16xf32>, vector<16xf32>, vector<16xf32>, vector<16xf32>, vector<16xf32>
    }
    %scan3A_338 = arith.constant 400 : i32
    %add3A_339 = arith.constant 8400 : i32
    %add3A_340 = arith.addi %mul3A_2, %add3A_339 : i32
    %dma_start3A_341 = arith.constant 0 : i32
    %dma_start3A_342 = tpu.memref_slice %arg2[%add3A_340, %dma_start3A_341] : memref<320000x128xf32, #tpu.memory_space<hbm>> -> memref<400x128xf32, #tpu.memory_space<hbm>>
    %dma_start3A_343 = arith.constant 0 : i32
    %dma_start3A_344 = tpu.memref_slice %arg2[%add3A_340, %dma_start3A_343] : memref<320000x128xf32, #tpu.memory_space<hbm>> -> memref<400x128xf32, #tpu.memory_space<hbm>>
    tpu.enqueue_dma source(%dma_start3A_344 : memref<400x128xf32, #tpu.memory_space<hbm>>) target(%arg5 : memref<400x128xf32, #tpu.memory_space<vmem>>) target_semaphore(%arg10 : memref<!tpu.dma_semaphore, #tpu.memory_space<semaphore_mem>>)
    %dma_wait3A_345 = arith.constant 0 : i32
    %dma_wait3A_346 = tpu.memref_slice %arg2[%add3A_324, %dma_wait3A_345] : memref<320000x128xf32, #tpu.memory_space<hbm>> -> memref<400x128xf32, #tpu.memory_space<hbm>>
    %dma_wait3A_347 = arith.constant 0 : i32
    %dma_wait3A_348 = tpu.memref_slice %arg2[%add3A_324, %dma_wait3A_347] : memref<320000x128xf32, #tpu.memory_space<hbm>> -> memref<400x128xf32, #tpu.memory_space<hbm>>
    tpu.wait_dma2 semaphore(%arg9 : memref<!tpu.dma_semaphore, #tpu.memory_space<semaphore_mem>>) src(%dma_wait3A_348 : memref<400x128xf32, #tpu.memory_space<hbm>>) dst(%arg4 : memref<400x128xf32, #tpu.memory_space<vmem>>)
    %scan3A_349 = arith.constant 0 : i32
    %scan3A_350 = arith.constant 400 : i32
    %scan3A_351 = arith.addi %scan3A_349, %scan3A_350 : i32
    %scan3A_352 = arith.constant 1 : i32
    %scan3A_353:8 = scf.for %scan3A_446 = %scan3A_349 to %scan3A_351 step %scan3A_352 iter_args(%scan3A_447 = %scan3A_337#0, %scan3A_448 = %scan3A_337#1, %scan3A_449 = %scan3A_337#2, %scan3A_450 = %scan3A_337#3, %scan3A_451 = %scan3A_337#4, %scan3A_452 = %scan3A_337#5, %scan3A_453 = %scan3A_337#6, %scan3A_454 = %scan3A_337#7) -> (vector<16xf32>, vector<16xf32>, vector<16xf32>, vector<16xf32>, vector<16xf32>, vector<16xf32>, vector<16xf32>, vector<16xf32>)  : i32 {
      %get3A = arith.index_cast %scan3A_446 : i32 to index
      %get3A_455 = arith.constant 0 : index
      %get3A_456 = tpu.vector_load %arg4[%get3A, %get3A_455] {strides = array<i32>} : memref<400x128xf32, #tpu.memory_space<vmem>>, vector<1x16xf32>,
      %get3A_457 = vector.shape_cast %get3A_456 : vector<1x16xf32> to vector<16xf32>
      %max3A = arith.maximumf %scan3A_447, %get3A_457 : vector<16xf32>
      %get3A_458 = arith.index_cast %scan3A_446 : i32 to index
      %get3A_459 = arith.constant 16 : index
      %get3A_460 = tpu.vector_load %arg4[%get3A_458, %get3A_459] {strides = array<i32>} : memref<400x128xf32, #tpu.memory_space<vmem>>, vector<1x16xf32>,
      %get3A_461 = vector.shape_cast %get3A_460 : vector<1x16xf32> to vector<16xf32>
      %max3A_462 = arith.maximumf %scan3A_448, %get3A_461 : vector<16xf32>
      %get3A_463 = arith.index_cast %scan3A_446 : i32 to index
      %get3A_464 = arith.constant 32 : index
      %get3A_465 = tpu.vector_load %arg4[%get3A_463, %get3A_464] {strides = array<i32>} : memref<400x128xf32, #tpu.memory_space<vmem>>, vector<1x16xf32>,
      %get3A_466 = vector.shape_cast %get3A_465 : vector<1x16xf32> to vector<16xf32>
      %max3A_467 = arith.maximumf %scan3A_449, %get3A_466 : vector<16xf32>
      %get3A_468 = arith.index_cast %scan3A_446 : i32 to index
      %get3A_469 = arith.constant 48 : index
      %get3A_470 = tpu.vector_load %arg4[%get3A_468, %get3A_469] {strides = array<i32>} : memref<400x128xf32, #tpu.memory_space<vmem>>, vector<1x16xf32>,
      %get3A_471 = vector.shape_cast %get3A_470 : vector<1x16xf32> to vector<16xf32>
      %max3A_472 = arith.maximumf %scan3A_450, %get3A_471 : vector<16xf32>
      %get3A_473 = arith.index_cast %scan3A_446 : i32 to index
      %get3A_474 = arith.constant 64 : index
      %get3A_475 = tpu.vector_load %arg4[%get3A_473, %get3A_474] {strides = array<i32>} : memref<400x128xf32, #tpu.memory_space<vmem>>, vector<1x16xf32>,
      %get3A_476 = vector.shape_cast %get3A_475 : vector<1x16xf32> to vector<16xf32>
      %max3A_477 = arith.maximumf %scan3A_451, %get3A_476 : vector<16xf32>
      %get3A_478 = arith.index_cast %scan3A_446 : i32 to index
      %get3A_479 = arith.constant 80 : index
      %get3A_480 = tpu.vector_load %arg4[%get3A_478, %get3A_479] {strides = array<i32>} : memref<400x128xf32, #tpu.memory_space<vmem>>, vector<1x16xf32>,
      %get3A_481 = vector.shape_cast %get3A_480 : vector<1x16xf32> to vector<16xf32>
      %max3A_482 = arith.maximumf %scan3A_452, %get3A_481 : vector<16xf32>
      %get3A_483 = arith.index_cast %scan3A_446 : i32 to index
      %get3A_484 = arith.constant 96 : index
      %get3A_485 = tpu.vector_load %arg4[%get3A_483, %get3A_484] {strides = array<i32>} : memref<400x128xf32, #tpu.memory_space<vmem>>, vector<1x16xf32>,
      %get3A_486 = vector.shape_cast %get3A_485 : vector<1x16xf32> to vector<16xf32>
      %max3A_487 = arith.maximumf %scan3A_453, %get3A_486 : vector<16xf32>
      %get3A_488 = arith.index_cast %scan3A_446 : i32 to index
      %get3A_489 = arith.constant 112 : index
      %get3A_490 = tpu.vector_load %arg4[%get3A_488, %get3A_489] {strides = array<i32>} : memref<400x128xf32, #tpu.memory_space<vmem>>, vector<1x16xf32>,
      %get3A_491 = vector.shape_cast %get3A_490 : vector<1x16xf32> to vector<16xf32>
      %max3A_492 = arith.maximumf %scan3A_454, %get3A_491 : vector<16xf32>
      scf.yield %max3A, %max3A_462, %max3A_467, %max3A_472, %max3A_477, %max3A_482, %max3A_487, %max3A_492 : vector<16xf32>, vector<16xf32>, vector<16xf32>, vector<16xf32>, vector<16xf32>, vector<16xf32>, vector<16xf32>, vector<16xf32>
    }
    %scan3A_354 = arith.constant 400 : i32
    %add3A_355 = arith.constant 8800 : i32
    %add3A_356 = arith.addi %mul3A_2, %add3A_355 : i32
    %dma_start3A_357 = arith.constant 0 : i32
    %dma_start3A_358 = tpu.memref_slice %arg2[%add3A_356, %dma_start3A_357] : memref<320000x128xf32, #tpu.memory_space<hbm>> -> memref<400x128xf32, #tpu.memory_space<hbm>>
    %dma_start3A_359 = arith.constant 0 : i32
    %dma_start3A_360 = tpu.memref_slice %arg2[%add3A_356, %dma_start3A_359] : memref<320000x128xf32, #tpu.memory_space<hbm>> -> memref<400x128xf32, #tpu.memory_space<hbm>>
    tpu.enqueue_dma source(%dma_start3A_360 : memref<400x128xf32, #tpu.memory_space<hbm>>) target(%arg4 : memref<400x128xf32, #tpu.memory_space<vmem>>) target_semaphore(%arg9 : memref<!tpu.dma_semaphore, #tpu.memory_space<semaphore_mem>>)
    %dma_wait3A_361 = arith.constant 0 : i32
    %dma_wait3A_362 = tpu.memref_slice %arg2[%add3A_340, %dma_wait3A_361] : memref<320000x128xf32, #tpu.memory_space<hbm>> -> memref<400x128xf32, #tpu.memory_space<hbm>>
    %dma_wait3A_363 = arith.constant 0 : i32
    %dma_wait3A_364 = tpu.memref_slice %arg2[%add3A_340, %dma_wait3A_363] : memref<320000x128xf32, #tpu.memory_space<hbm>> -> memref<400x128xf32, #tpu.memory_space<hbm>>
    tpu.wait_dma2 semaphore(%arg10 : memref<!tpu.dma_semaphore, #tpu.memory_space<semaphore_mem>>) src(%dma_wait3A_364 : memref<400x128xf32, #tpu.memory_space<hbm>>) dst(%arg5 : memref<400x128xf32, #tpu.memory_space<vmem>>)
    %scan3A_365 = arith.constant 0 : i32
    %scan3A_366 = arith.constant 400 : i32
    %scan3A_367 = arith.addi %scan3A_365, %scan3A_366 : i32
    %scan3A_368 = arith.constant 1 : i32
    %scan3A_369:8 = scf.for %scan3A_446 = %scan3A_365 to %scan3A_367 step %scan3A_368 iter_args(%scan3A_447 = %scan3A_353#0, %scan3A_448 = %scan3A_353#1, %scan3A_449 = %scan3A_353#2, %scan3A_450 = %scan3A_353#3, %scan3A_451 = %scan3A_353#4, %scan3A_452 = %scan3A_353#5, %scan3A_453 = %scan3A_353#6, %scan3A_454 = %scan3A_353#7) -> (vector<16xf32>, vector<16xf32>, vector<16xf32>, vector<16xf32>, vector<16xf32>, vector<16xf32>, vector<16xf32>, vector<16xf32>)  : i32 {
      %get3A = arith.index_cast %scan3A_446 : i32 to index
      %get3A_455 = arith.constant 0 : index
      %get3A_456 = tpu.vector_load %arg5[%get3A, %get3A_455] {strides = array<i32>} : memref<400x128xf32, #tpu.memory_space<vmem>>, vector<1x16xf32>,
      %get3A_457 = vector.shape_cast %get3A_456 : vector<1x16xf32> to vector<16xf32>
      %max3A = arith.maximumf %scan3A_447, %get3A_457 : vector<16xf32>
      %get3A_458 = arith.index_cast %scan3A_446 : i32 to index
      %get3A_459 = arith.constant 16 : index
      %get3A_460 = tpu.vector_load %arg5[%get3A_458, %get3A_459] {strides = array<i32>} : memref<400x128xf32, #tpu.memory_space<vmem>>, vector<1x16xf32>,
      %get3A_461 = vector.shape_cast %get3A_460 : vector<1x16xf32> to vector<16xf32>
      %max3A_462 = arith.maximumf %scan3A_448, %get3A_461 : vector<16xf32>
      %get3A_463 = arith.index_cast %scan3A_446 : i32 to index
      %get3A_464 = arith.constant 32 : index
      %get3A_465 = tpu.vector_load %arg5[%get3A_463, %get3A_464] {strides = array<i32>} : memref<400x128xf32, #tpu.memory_space<vmem>>, vector<1x16xf32>,
      %get3A_466 = vector.shape_cast %get3A_465 : vector<1x16xf32> to vector<16xf32>
      %max3A_467 = arith.maximumf %scan3A_449, %get3A_466 : vector<16xf32>
      %get3A_468 = arith.index_cast %scan3A_446 : i32 to index
      %get3A_469 = arith.constant 48 : index
      %get3A_470 = tpu.vector_load %arg5[%get3A_468, %get3A_469] {strides = array<i32>} : memref<400x128xf32, #tpu.memory_space<vmem>>, vector<1x16xf32>,
      %get3A_471 = vector.shape_cast %get3A_470 : vector<1x16xf32> to vector<16xf32>
      %max3A_472 = arith.maximumf %scan3A_450, %get3A_471 : vector<16xf32>
      %get3A_473 = arith.index_cast %scan3A_446 : i32 to index
      %get3A_474 = arith.constant 64 : index
      %get3A_475 = tpu.vector_load %arg5[%get3A_473, %get3A_474] {strides = array<i32>} : memref<400x128xf32, #tpu.memory_space<vmem>>, vector<1x16xf32>,
      %get3A_476 = vector.shape_cast %get3A_475 : vector<1x16xf32> to vector<16xf32>
      %max3A_477 = arith.maximumf %scan3A_451, %get3A_476 : vector<16xf32>
      %get3A_478 = arith.index_cast %scan3A_446 : i32 to index
      %get3A_479 = arith.constant 80 : index
      %get3A_480 = tpu.vector_load %arg5[%get3A_478, %get3A_479] {strides = array<i32>} : memref<400x128xf32, #tpu.memory_space<vmem>>, vector<1x16xf32>,
      %get3A_481 = vector.shape_cast %get3A_480 : vector<1x16xf32> to vector<16xf32>
      %max3A_482 = arith.maximumf %scan3A_452, %get3A_481 : vector<16xf32>
      %get3A_483 = arith.index_cast %scan3A_446 : i32 to index
      %get3A_484 = arith.constant 96 : index
      %get3A_485 = tpu.vector_load %arg5[%get3A_483, %get3A_484] {strides = array<i32>} : memref<400x128xf32, #tpu.memory_space<vmem>>, vector<1x16xf32>,
      %get3A_486 = vector.shape_cast %get3A_485 : vector<1x16xf32> to vector<16xf32>
      %max3A_487 = arith.maximumf %scan3A_453, %get3A_486 : vector<16xf32>
      %get3A_488 = arith.index_cast %scan3A_446 : i32 to index
      %get3A_489 = arith.constant 112 : index
      %get3A_490 = tpu.vector_load %arg5[%get3A_488, %get3A_489] {strides = array<i32>} : memref<400x128xf32, #tpu.memory_space<vmem>>, vector<1x16xf32>,
      %get3A_491 = vector.shape_cast %get3A_490 : vector<1x16xf32> to vector<16xf32>
      %max3A_492 = arith.maximumf %scan3A_454, %get3A_491 : vector<16xf32>
      scf.yield %max3A, %max3A_462, %max3A_467, %max3A_472, %max3A_477, %max3A_482, %max3A_487, %max3A_492 : vector<16xf32>, vector<16xf32>, vector<16xf32>, vector<16xf32>, vector<16xf32>, vector<16xf32>, vector<16xf32>, vector<16xf32>
    }
    %scan3A_370 = arith.constant 400 : i32
    %add3A_371 = arith.constant 9200 : i32
    %add3A_372 = arith.addi %mul3A_2, %add3A_371 : i32
    %dma_start3A_373 = arith.constant 0 : i32
    %dma_start3A_374 = tpu.memref_slice %arg2[%add3A_372, %dma_start3A_373] : memref<320000x128xf32, #tpu.memory_space<hbm>> -> memref<400x128xf32, #tpu.memory_space<hbm>>
    %dma_start3A_375 = arith.constant 0 : i32
    %dma_start3A_376 = tpu.memref_slice %arg2[%add3A_372, %dma_start3A_375] : memref<320000x128xf32, #tpu.memory_space<hbm>> -> memref<400x128xf32, #tpu.memory_space<hbm>>
    tpu.enqueue_dma source(%dma_start3A_376 : memref<400x128xf32, #tpu.memory_space<hbm>>) target(%arg5 : memref<400x128xf32, #tpu.memory_space<vmem>>) target_semaphore(%arg10 : memref<!tpu.dma_semaphore, #tpu.memory_space<semaphore_mem>>)
    %dma_wait3A_377 = arith.constant 0 : i32
    %dma_wait3A_378 = tpu.memref_slice %arg2[%add3A_356, %dma_wait3A_377] : memref<320000x128xf32, #tpu.memory_space<hbm>> -> memref<400x128xf32, #tpu.memory_space<hbm>>
    %dma_wait3A_379 = arith.constant 0 : i32
    %dma_wait3A_380 = tpu.memref_slice %arg2[%add3A_356, %dma_wait3A_379] : memref<320000x128xf32, #tpu.memory_space<hbm>> -> memref<400x128xf32, #tpu.memory_space<hbm>>
    tpu.wait_dma2 semaphore(%arg9 : memref<!tpu.dma_semaphore, #tpu.memory_space<semaphore_mem>>) src(%dma_wait3A_380 : memref<400x128xf32, #tpu.memory_space<hbm>>) dst(%arg4 : memref<400x128xf32, #tpu.memory_space<vmem>>)
    %scan3A_381 = arith.constant 0 : i32
    %scan3A_382 = arith.constant 400 : i32
    %scan3A_383 = arith.addi %scan3A_381, %scan3A_382 : i32
    %scan3A_384 = arith.constant 1 : i32
    %scan3A_385:8 = scf.for %scan3A_446 = %scan3A_381 to %scan3A_383 step %scan3A_384 iter_args(%scan3A_447 = %scan3A_369#0, %scan3A_448 = %scan3A_369#1, %scan3A_449 = %scan3A_369#2, %scan3A_450 = %scan3A_369#3, %scan3A_451 = %scan3A_369#4, %scan3A_452 = %scan3A_369#5, %scan3A_453 = %scan3A_369#6, %scan3A_454 = %scan3A_369#7) -> (vector<16xf32>, vector<16xf32>, vector<16xf32>, vector<16xf32>, vector<16xf32>, vector<16xf32>, vector<16xf32>, vector<16xf32>)  : i32 {
      %get3A = arith.index_cast %scan3A_446 : i32 to index
      %get3A_455 = arith.constant 0 : index
      %get3A_456 = tpu.vector_load %arg4[%get3A, %get3A_455] {strides = array<i32>} : memref<400x128xf32, #tpu.memory_space<vmem>>, vector<1x16xf32>,
      %get3A_457 = vector.shape_cast %get3A_456 : vector<1x16xf32> to vector<16xf32>
      %max3A = arith.maximumf %scan3A_447, %get3A_457 : vector<16xf32>
      %get3A_458 = arith.index_cast %scan3A_446 : i32 to index
      %get3A_459 = arith.constant 16 : index
      %get3A_460 = tpu.vector_load %arg4[%get3A_458, %get3A_459] {strides = array<i32>} : memref<400x128xf32, #tpu.memory_space<vmem>>, vector<1x16xf32>,
      %get3A_461 = vector.shape_cast %get3A_460 : vector<1x16xf32> to vector<16xf32>
      %max3A_462 = arith.maximumf %scan3A_448, %get3A_461 : vector<16xf32>
      %get3A_463 = arith.index_cast %scan3A_446 : i32 to index
      %get3A_464 = arith.constant 32 : index
      %get3A_465 = tpu.vector_load %arg4[%get3A_463, %get3A_464] {strides = array<i32>} : memref<400x128xf32, #tpu.memory_space<vmem>>, vector<1x16xf32>,
      %get3A_466 = vector.shape_cast %get3A_465 : vector<1x16xf32> to vector<16xf32>
      %max3A_467 = arith.maximumf %scan3A_449, %get3A_466 : vector<16xf32>
      %get3A_468 = arith.index_cast %scan3A_446 : i32 to index
      %get3A_469 = arith.constant 48 : index
      %get3A_470 = tpu.vector_load %arg4[%get3A_468, %get3A_469] {strides = array<i32>} : memref<400x128xf32, #tpu.memory_space<vmem>>, vector<1x16xf32>,
      %get3A_471 = vector.shape_cast %get3A_470 : vector<1x16xf32> to vector<16xf32>
      %max3A_472 = arith.maximumf %scan3A_450, %get3A_471 : vector<16xf32>
      %get3A_473 = arith.index_cast %scan3A_446 : i32 to index
      %get3A_474 = arith.constant 64 : index
      %get3A_475 = tpu.vector_load %arg4[%get3A_473, %get3A_474] {strides = array<i32>} : memref<400x128xf32, #tpu.memory_space<vmem>>, vector<1x16xf32>,
      %get3A_476 = vector.shape_cast %get3A_475 : vector<1x16xf32> to vector<16xf32>
      %max3A_477 = arith.maximumf %scan3A_451, %get3A_476 : vector<16xf32>
      %get3A_478 = arith.index_cast %scan3A_446 : i32 to index
      %get3A_479 = arith.constant 80 : index
      %get3A_480 = tpu.vector_load %arg4[%get3A_478, %get3A_479] {strides = array<i32>} : memref<400x128xf32, #tpu.memory_space<vmem>>, vector<1x16xf32>,
      %get3A_481 = vector.shape_cast %get3A_480 : vector<1x16xf32> to vector<16xf32>
      %max3A_482 = arith.maximumf %scan3A_452, %get3A_481 : vector<16xf32>
      %get3A_483 = arith.index_cast %scan3A_446 : i32 to index
      %get3A_484 = arith.constant 96 : index
      %get3A_485 = tpu.vector_load %arg4[%get3A_483, %get3A_484] {strides = array<i32>} : memref<400x128xf32, #tpu.memory_space<vmem>>, vector<1x16xf32>,
      %get3A_486 = vector.shape_cast %get3A_485 : vector<1x16xf32> to vector<16xf32>
      %max3A_487 = arith.maximumf %scan3A_453, %get3A_486 : vector<16xf32>
      %get3A_488 = arith.index_cast %scan3A_446 : i32 to index
      %get3A_489 = arith.constant 112 : index
      %get3A_490 = tpu.vector_load %arg4[%get3A_488, %get3A_489] {strides = array<i32>} : memref<400x128xf32, #tpu.memory_space<vmem>>, vector<1x16xf32>,
      %get3A_491 = vector.shape_cast %get3A_490 : vector<1x16xf32> to vector<16xf32>
      %max3A_492 = arith.maximumf %scan3A_454, %get3A_491 : vector<16xf32>
      scf.yield %max3A, %max3A_462, %max3A_467, %max3A_472, %max3A_477, %max3A_482, %max3A_487, %max3A_492 : vector<16xf32>, vector<16xf32>, vector<16xf32>, vector<16xf32>, vector<16xf32>, vector<16xf32>, vector<16xf32>, vector<16xf32>
    }
    %scan3A_386 = arith.constant 400 : i32
    %add3A_387 = arith.constant 9600 : i32
    %add3A_388 = arith.addi %mul3A_2, %add3A_387 : i32
    %dma_start3A_389 = arith.constant 0 : i32
    %dma_start3A_390 = tpu.memref_slice %arg2[%add3A_388, %dma_start3A_389] : memref<320000x128xf32, #tpu.memory_space<hbm>> -> memref<400x128xf32, #tpu.memory_space<hbm>>
    %dma_start3A_391 = arith.constant 0 : i32
    %dma_start3A_392 = tpu.memref_slice %arg2[%add3A_388, %dma_start3A_391] : memref<320000x128xf32, #tpu.memory_space<hbm>> -> memref<400x128xf32, #tpu.memory_space<hbm>>
    tpu.enqueue_dma source(%dma_start3A_392 : memref<400x128xf32, #tpu.memory_space<hbm>>) target(%arg4 : memref<400x128xf32, #tpu.memory_space<vmem>>) target_semaphore(%arg9 : memref<!tpu.dma_semaphore, #tpu.memory_space<semaphore_mem>>)
    %dma_wait3A_393 = arith.constant 0 : i32
    %dma_wait3A_394 = tpu.memref_slice %arg2[%add3A_372, %dma_wait3A_393] : memref<320000x128xf32, #tpu.memory_space<hbm>> -> memref<400x128xf32, #tpu.memory_space<hbm>>
    %dma_wait3A_395 = arith.constant 0 : i32
    %dma_wait3A_396 = tpu.memref_slice %arg2[%add3A_372, %dma_wait3A_395] : memref<320000x128xf32, #tpu.memory_space<hbm>> -> memref<400x128xf32, #tpu.memory_space<hbm>>
    tpu.wait_dma2 semaphore(%arg10 : memref<!tpu.dma_semaphore, #tpu.memory_space<semaphore_mem>>) src(%dma_wait3A_396 : memref<400x128xf32, #tpu.memory_space<hbm>>) dst(%arg5 : memref<400x128xf32, #tpu.memory_space<vmem>>)
    %scan3A_397 = arith.constant 0 : i32
    %scan3A_398 = arith.constant 400 : i32
    %scan3A_399 = arith.addi %scan3A_397, %scan3A_398 : i32
    %scan3A_400 = arith.constant 1 : i32
    %scan3A_401:8 = scf.for %scan3A_446 = %scan3A_397 to %scan3A_399 step %scan3A_400 iter_args(%scan3A_447 = %scan3A_385#0, %scan3A_448 = %scan3A_385#1, %scan3A_449 = %scan3A_385#2, %scan3A_450 = %scan3A_385#3, %scan3A_451 = %scan3A_385#4, %scan3A_452 = %scan3A_385#5, %scan3A_453 = %scan3A_385#6, %scan3A_454 = %scan3A_385#7) -> (vector<16xf32>, vector<16xf32>, vector<16xf32>, vector<16xf32>, vector<16xf32>, vector<16xf32>, vector<16xf32>, vector<16xf32>)  : i32 {
      %get3A = arith.index_cast %scan3A_446 : i32 to index
      %get3A_455 = arith.constant 0 : index
      %get3A_456 = tpu.vector_load %arg5[%get3A, %get3A_455] {strides = array<i32>} : memref<400x128xf32, #tpu.memory_space<vmem>>, vector<1x16xf32>,
      %get3A_457 = vector.shape_cast %get3A_456 : vector<1x16xf32> to vector<16xf32>
      %max3A = arith.maximumf %scan3A_447, %get3A_457 : vector<16xf32>
      %get3A_458 = arith.index_cast %scan3A_446 : i32 to index
      %get3A_459 = arith.constant 16 : index
      %get3A_460 = tpu.vector_load %arg5[%get3A_458, %get3A_459] {strides = array<i32>} : memref<400x128xf32, #tpu.memory_space<vmem>>, vector<1x16xf32>,
      %get3A_461 = vector.shape_cast %get3A_460 : vector<1x16xf32> to vector<16xf32>
      %max3A_462 = arith.maximumf %scan3A_448, %get3A_461 : vector<16xf32>
      %get3A_463 = arith.index_cast %scan3A_446 : i32 to index
      %get3A_464 = arith.constant 32 : index
      %get3A_465 = tpu.vector_load %arg5[%get3A_463, %get3A_464] {strides = array<i32>} : memref<400x128xf32, #tpu.memory_space<vmem>>, vector<1x16xf32>,
      %get3A_466 = vector.shape_cast %get3A_465 : vector<1x16xf32> to vector<16xf32>
      %max3A_467 = arith.maximumf %scan3A_449, %get3A_466 : vector<16xf32>
      %get3A_468 = arith.index_cast %scan3A_446 : i32 to index
      %get3A_469 = arith.constant 48 : index
      %get3A_470 = tpu.vector_load %arg5[%get3A_468, %get3A_469] {strides = array<i32>} : memref<400x128xf32, #tpu.memory_space<vmem>>, vector<1x16xf32>,
      %get3A_471 = vector.shape_cast %get3A_470 : vector<1x16xf32> to vector<16xf32>
      %max3A_472 = arith.maximumf %scan3A_450, %get3A_471 : vector<16xf32>
      %get3A_473 = arith.index_cast %scan3A_446 : i32 to index
      %get3A_474 = arith.constant 64 : index
      %get3A_475 = tpu.vector_load %arg5[%get3A_473, %get3A_474] {strides = array<i32>} : memref<400x128xf32, #tpu.memory_space<vmem>>, vector<1x16xf32>,
      %get3A_476 = vector.shape_cast %get3A_475 : vector<1x16xf32> to vector<16xf32>
      %max3A_477 = arith.maximumf %scan3A_451, %get3A_476 : vector<16xf32>
      %get3A_478 = arith.index_cast %scan3A_446 : i32 to index
      %get3A_479 = arith.constant 80 : index
      %get3A_480 = tpu.vector_load %arg5[%get3A_478, %get3A_479] {strides = array<i32>} : memref<400x128xf32, #tpu.memory_space<vmem>>, vector<1x16xf32>,
      %get3A_481 = vector.shape_cast %get3A_480 : vector<1x16xf32> to vector<16xf32>
      %max3A_482 = arith.maximumf %scan3A_452, %get3A_481 : vector<16xf32>
      %get3A_483 = arith.index_cast %scan3A_446 : i32 to index
      %get3A_484 = arith.constant 96 : index
      %get3A_485 = tpu.vector_load %arg5[%get3A_483, %get3A_484] {strides = array<i32>} : memref<400x128xf32, #tpu.memory_space<vmem>>, vector<1x16xf32>,
      %get3A_486 = vector.shape_cast %get3A_485 : vector<1x16xf32> to vector<16xf32>
      %max3A_487 = arith.maximumf %scan3A_453, %get3A_486 : vector<16xf32>
      %get3A_488 = arith.index_cast %scan3A_446 : i32 to index
      %get3A_489 = arith.constant 112 : index
      %get3A_490 = tpu.vector_load %arg5[%get3A_488, %get3A_489] {strides = array<i32>} : memref<400x128xf32, #tpu.memory_space<vmem>>, vector<1x16xf32>,
      %get3A_491 = vector.shape_cast %get3A_490 : vector<1x16xf32> to vector<16xf32>
      %max3A_492 = arith.maximumf %scan3A_454, %get3A_491 : vector<16xf32>
      scf.yield %max3A, %max3A_462, %max3A_467, %max3A_472, %max3A_477, %max3A_482, %max3A_487, %max3A_492 : vector<16xf32>, vector<16xf32>, vector<16xf32>, vector<16xf32>, vector<16xf32>, vector<16xf32>, vector<16xf32>, vector<16xf32>
    }
    %scan3A_402 = arith.constant 400 : i32
    %dma_wait3A_403 = arith.constant 0 : i32
    %dma_wait3A_404 = tpu.memref_slice %arg2[%add3A_388, %dma_wait3A_403] : memref<320000x128xf32, #tpu.memory_space<hbm>> -> memref<400x128xf32, #tpu.memory_space<hbm>>
    %dma_wait3A_405 = arith.constant 0 : i32
    %dma_wait3A_406 = tpu.memref_slice %arg2[%add3A_388, %dma_wait3A_405] : memref<320000x128xf32, #tpu.memory_space<hbm>> -> memref<400x128xf32, #tpu.memory_space<hbm>>
    tpu.wait_dma2 semaphore(%arg9 : memref<!tpu.dma_semaphore, #tpu.memory_space<semaphore_mem>>) src(%dma_wait3A_406 : memref<400x128xf32, #tpu.memory_space<hbm>>) dst(%arg4 : memref<400x128xf32, #tpu.memory_space<vmem>>)
    %scan3A_407 = arith.constant 0 : i32
    %scan3A_408 = arith.constant 400 : i32
    %scan3A_409 = arith.addi %scan3A_407, %scan3A_408 : i32
    %scan3A_410 = arith.constant 1 : i32
    %scan3A_411:8 = scf.for %scan3A_446 = %scan3A_407 to %scan3A_409 step %scan3A_410 iter_args(%scan3A_447 = %scan3A_401#0, %scan3A_448 = %scan3A_401#1, %scan3A_449 = %scan3A_401#2, %scan3A_450 = %scan3A_401#3, %scan3A_451 = %scan3A_401#4, %scan3A_452 = %scan3A_401#5, %scan3A_453 = %scan3A_401#6, %scan3A_454 = %scan3A_401#7) -> (vector<16xf32>, vector<16xf32>, vector<16xf32>, vector<16xf32>, vector<16xf32>, vector<16xf32>, vector<16xf32>, vector<16xf32>)  : i32 {
      %get3A = arith.index_cast %scan3A_446 : i32 to index
      %get3A_455 = arith.constant 0 : index
      %get3A_456 = tpu.vector_load %arg4[%get3A, %get3A_455] {strides = array<i32>} : memref<400x128xf32, #tpu.memory_space<vmem>>, vector<1x16xf32>,
      %get3A_457 = vector.shape_cast %get3A_456 : vector<1x16xf32> to vector<16xf32>
      %max3A = arith.maximumf %scan3A_447, %get3A_457 : vector<16xf32>
      %get3A_458 = arith.index_cast %scan3A_446 : i32 to index
      %get3A_459 = arith.constant 16 : index
      %get3A_460 = tpu.vector_load %arg4[%get3A_458, %get3A_459] {strides = array<i32>} : memref<400x128xf32, #tpu.memory_space<vmem>>, vector<1x16xf32>,
      %get3A_461 = vector.shape_cast %get3A_460 : vector<1x16xf32> to vector<16xf32>
      %max3A_462 = arith.maximumf %scan3A_448, %get3A_461 : vector<16xf32>
      %get3A_463 = arith.index_cast %scan3A_446 : i32 to index
      %get3A_464 = arith.constant 32 : index
      %get3A_465 = tpu.vector_load %arg4[%get3A_463, %get3A_464] {strides = array<i32>} : memref<400x128xf32, #tpu.memory_space<vmem>>, vector<1x16xf32>,
      %get3A_466 = vector.shape_cast %get3A_465 : vector<1x16xf32> to vector<16xf32>
      %max3A_467 = arith.maximumf %scan3A_449, %get3A_466 : vector<16xf32>
      %get3A_468 = arith.index_cast %scan3A_446 : i32 to index
      %get3A_469 = arith.constant 48 : index
      %get3A_470 = tpu.vector_load %arg4[%get3A_468, %get3A_469] {strides = array<i32>} : memref<400x128xf32, #tpu.memory_space<vmem>>, vector<1x16xf32>,
      %get3A_471 = vector.shape_cast %get3A_470 : vector<1x16xf32> to vector<16xf32>
      %max3A_472 = arith.maximumf %scan3A_450, %get3A_471 : vector<16xf32>
      %get3A_473 = arith.index_cast %scan3A_446 : i32 to index
      %get3A_474 = arith.constant 64 : index
      %get3A_475 = tpu.vector_load %arg4[%get3A_473, %get3A_474] {strides = array<i32>} : memref<400x128xf32, #tpu.memory_space<vmem>>, vector<1x16xf32>,
      %get3A_476 = vector.shape_cast %get3A_475 : vector<1x16xf32> to vector<16xf32>
      %max3A_477 = arith.maximumf %scan3A_451, %get3A_476 : vector<16xf32>
      %get3A_478 = arith.index_cast %scan3A_446 : i32 to index
      %get3A_479 = arith.constant 80 : index
      %get3A_480 = tpu.vector_load %arg4[%get3A_478, %get3A_479] {strides = array<i32>} : memref<400x128xf32, #tpu.memory_space<vmem>>, vector<1x16xf32>,
      %get3A_481 = vector.shape_cast %get3A_480 : vector<1x16xf32> to vector<16xf32>
      %max3A_482 = arith.maximumf %scan3A_452, %get3A_481 : vector<16xf32>
      %get3A_483 = arith.index_cast %scan3A_446 : i32 to index
      %get3A_484 = arith.constant 96 : index
      %get3A_485 = tpu.vector_load %arg4[%get3A_483, %get3A_484] {strides = array<i32>} : memref<400x128xf32, #tpu.memory_space<vmem>>, vector<1x16xf32>,
      %get3A_486 = vector.shape_cast %get3A_485 : vector<1x16xf32> to vector<16xf32>
      %max3A_487 = arith.maximumf %scan3A_453, %get3A_486 : vector<16xf32>
      %get3A_488 = arith.index_cast %scan3A_446 : i32 to index
      %get3A_489 = arith.constant 112 : index
      %get3A_490 = tpu.vector_load %arg4[%get3A_488, %get3A_489] {strides = array<i32>} : memref<400x128xf32, #tpu.memory_space<vmem>>, vector<1x16xf32>,
      %get3A_491 = vector.shape_cast %get3A_490 : vector<1x16xf32> to vector<16xf32>
      %max3A_492 = arith.maximumf %scan3A_454, %get3A_491 : vector<16xf32>
      scf.yield %max3A, %max3A_462, %max3A_467, %max3A_472, %max3A_477, %max3A_482, %max3A_487, %max3A_492 : vector<16xf32>, vector<16xf32>, vector<16xf32>, vector<16xf32>, vector<16xf32>, vector<16xf32>, vector<16xf32>, vector<16xf32>
    }
    %scan3A_412 = arith.constant 400 : i32
    %swap3A = arith.constant 0 : index
    %swap3A_413 = tpu.vector_load %arg6[%swap3A] {strides = array<i32>} : memref<128xf32, #tpu.memory_space<vmem>>, vector<16xf32>,
    %swap3A_414 = vector.shape_cast %swap3A_413 : vector<16xf32> to vector<16xf32>
    %swap3A_415 = vector.shape_cast %scan3A_411#0 : vector<16xf32> to vector<16xf32>
    tpu.vector_store %arg6[%swap3A], %swap3A_415 {strides = array<i32>} : memref<128xf32, #tpu.memory_space<vmem>>, vector<16xf32>,
    %swap3A_416 = arith.constant 16 : index
    %swap3A_417 = tpu.vector_load %arg6[%swap3A_416] {strides = array<i32>} : memref<128xf32, #tpu.memory_space<vmem>>, vector<16xf32>,
    %swap3A_418 = vector.shape_cast %swap3A_417 : vector<16xf32> to vector<16xf32>
    %swap3A_419 = vector.shape_cast %scan3A_411#1 : vector<16xf32> to vector<16xf32>
    tpu.vector_store %arg6[%swap3A_416], %swap3A_419 {strides = array<i32>} : memref<128xf32, #tpu.memory_space<vmem>>, vector<16xf32>,
    %swap3A_420 = arith.constant 32 : index
    %swap3A_421 = tpu.vector_load %arg6[%swap3A_420] {strides = array<i32>} : memref<128xf32, #tpu.memory_space<vmem>>, vector<16xf32>,
    %swap3A_422 = vector.shape_cast %swap3A_421 : vector<16xf32> to vector<16xf32>
    %swap3A_423 = vector.shape_cast %scan3A_411#2 : vector<16xf32> to vector<16xf32>
    tpu.vector_store %arg6[%swap3A_420], %swap3A_423 {strides = array<i32>} : memref<128xf32, #tpu.memory_space<vmem>>, vector<16xf32>,
    %swap3A_424 = arith.constant 48 : index
    %swap3A_425 = tpu.vector_load %arg6[%swap3A_424] {strides = array<i32>} : memref<128xf32, #tpu.memory_space<vmem>>, vector<16xf32>,
    %swap3A_426 = vector.shape_cast %swap3A_425 : vector<16xf32> to vector<16xf32>
    %swap3A_427 = vector.shape_cast %scan3A_411#3 : vector<16xf32> to vector<16xf32>
    tpu.vector_store %arg6[%swap3A_424], %swap3A_427 {strides = array<i32>} : memref<128xf32, #tpu.memory_space<vmem>>, vector<16xf32>,
    %swap3A_428 = arith.constant 64 : index
    %swap3A_429 = tpu.vector_load %arg6[%swap3A_428] {strides = array<i32>} : memref<128xf32, #tpu.memory_space<vmem>>, vector<16xf32>,
    %swap3A_430 = vector.shape_cast %swap3A_429 : vector<16xf32> to vector<16xf32>
    %swap3A_431 = vector.shape_cast %scan3A_411#4 : vector<16xf32> to vector<16xf32>
    tpu.vector_store %arg6[%swap3A_428], %swap3A_431 {strides = array<i32>} : memref<128xf32, #tpu.memory_space<vmem>>, vector<16xf32>,
    %swap3A_432 = arith.constant 80 : index
    %swap3A_433 = tpu.vector_load %arg6[%swap3A_432] {strides = array<i32>} : memref<128xf32, #tpu.memory_space<vmem>>, vector<16xf32>,
    %swap3A_434 = vector.shape_cast %swap3A_433 : vector<16xf32> to vector<16xf32>
    %swap3A_435 = vector.shape_cast %scan3A_411#5 : vector<16xf32> to vector<16xf32>
    tpu.vector_store %arg6[%swap3A_432], %swap3A_435 {strides = array<i32>} : memref<128xf32, #tpu.memory_space<vmem>>, vector<16xf32>,
    %swap3A_436 = arith.constant 96 : index
    %swap3A_437 = tpu.vector_load %arg6[%swap3A_436] {strides = array<i32>} : memref<128xf32, #tpu.memory_space<vmem>>, vector<16xf32>,
    %swap3A_438 = vector.shape_cast %swap3A_437 : vector<16xf32> to vector<16xf32>
    %swap3A_439 = vector.shape_cast %scan3A_411#6 : vector<16xf32> to vector<16xf32>
    tpu.vector_store %arg6[%swap3A_436], %swap3A_439 {strides = array<i32>} : memref<128xf32, #tpu.memory_space<vmem>>, vector<16xf32>,
    %swap3A_440 = arith.constant 112 : index
    %swap3A_441 = tpu.vector_load %arg6[%swap3A_440] {strides = array<i32>} : memref<128xf32, #tpu.memory_space<vmem>>, vector<16xf32>,
    %swap3A_442 = vector.shape_cast %swap3A_441 : vector<16xf32> to vector<16xf32>
    %swap3A_443 = vector.shape_cast %scan3A_411#7 : vector<16xf32> to vector<16xf32>
    tpu.vector_store %arg6[%swap3A_440], %swap3A_443 {strides = array<i32>} : memref<128xf32, #tpu.memory_space<vmem>>, vector<16xf32>,
    "tpu.region"() ({
      %run_scoped3A = tpu.sem_alloc : memref<!tpu.dma_semaphore, #tpu.memory_space<semaphore_mem>>
      %dma_start3A_446 = arith.constant 0 : i32
      %dma_start3A_447 = tpu.memref_slice %arg8[%arg1, %dma_start3A_446] : memref<16x128xf32, #tpu.memory_space<vmem_shared>> -> memref<1x128xf32, #tpu.memory_space<vmem_shared>>
      %dma_start3A_448 = tpu.memref_squeeze %dma_start3A_447 : memref<1x128xf32, #tpu.memory_space<vmem_shared>> -> memref<128xf32, #tpu.memory_space<vmem_shared>>
      %dma_start3A_449 = arith.constant 0 : i32
      %dma_start3A_450 = tpu.memref_slice %arg8[%arg1, %dma_start3A_449] : memref<16x128xf32, #tpu.memory_space<vmem_shared>> -> memref<1x128xf32, #tpu.memory_space<vmem_shared>>
      %dma_start3A_451 = tpu.memref_squeeze %dma_start3A_450 : memref<1x128xf32, #tpu.memory_space<vmem_shared>> -> memref<128xf32, #tpu.memory_space<vmem_shared>>
      tpu.enqueue_dma source(%arg6 : memref<128xf32, #tpu.memory_space<vmem>>) target(%dma_start3A_451 : memref<128xf32, #tpu.memory_space<vmem_shared>>) target_semaphore(%run_scoped3A : memref<!tpu.dma_semaphore, #tpu.memory_space<semaphore_mem>>)
      %dma_wait3A_452 = arith.constant 0 : i32
      %dma_wait3A_453 = tpu.memref_slice %arg8[%arg1, %dma_wait3A_452] : memref<16x128xf32, #tpu.memory_space<vmem_shared>> -> memref<1x128xf32, #tpu.memory_space<vmem_shared>>
      %dma_wait3A_454 = tpu.memref_squeeze %dma_wait3A_453 : memref<1x128xf32, #tpu.memory_space<vmem_shared>> -> memref<128xf32, #tpu.memory_space<vmem_shared>>
      %dma_wait3A_455 = arith.constant 0 : i32
      %dma_wait3A_456 = tpu.memref_slice %arg8[%arg1, %dma_wait3A_455] : memref<16x128xf32, #tpu.memory_space<vmem_shared>> -> memref<1x128xf32, #tpu.memory_space<vmem_shared>>
      %dma_wait3A_457 = tpu.memref_squeeze %dma_wait3A_456 : memref<1x128xf32, #tpu.memory_space<vmem_shared>> -> memref<128xf32, #tpu.memory_space<vmem_shared>>
      tpu.wait_dma2 semaphore(%run_scoped3A : memref<!tpu.dma_semaphore, #tpu.memory_space<semaphore_mem>>) src(%arg6 : memref<128xf32, #tpu.memory_space<vmem>>) dst(%dma_wait3A_457 : memref<128xf32, #tpu.memory_space<vmem_shared>>)
      tpu.yield
    }) : () -> ()
    %barrier3A = arith.constant 0 : index
    tpu.barrier barrier_id(%barrier3A)
    %eq3A = arith.constant 0 : i32
    %eq3A_444 = arith.cmpi eq, %arg1, %eq3A : i32
    %convert_element_type3A = arith.extui %eq3A_444 : i1 to i32
    %cond3A = arith.constant 0 : i32
    %cond3A_445 = arith.cmpi ne, %convert_element_type3A, %cond3A : i32
    scf.if %cond3A_445 {
      "tpu.region"() ({
        %run_scoped3A = tpu.sem_alloc : memref<!tpu.dma_semaphore, #tpu.memory_space<semaphore_mem>>
        tpu.enqueue_dma source(%arg8 : memref<16x128xf32, #tpu.memory_space<vmem_shared>>) target(%arg7 : memref<16x128xf32, #tpu.memory_space<vmem>>) target_semaphore(%run_scoped3A : memref<!tpu.dma_semaphore, #tpu.memory_space<semaphore_mem>>)
        tpu.wait_dma2 semaphore(%run_scoped3A : memref<!tpu.dma_semaphore, #tpu.memory_space<semaphore_mem>>) src(%arg8 : memref<16x128xf32, #tpu.memory_space<vmem_shared>>) dst(%arg7 : memref<16x128xf32, #tpu.memory_space<vmem>>)
        tpu.yield
      }) : () -> ()
      %get3A = arith.constant 0 : i32
      %get3A_446 = arith.index_cast %get3A : i32 to index
      %get3A_447 = arith.constant 0 : index
      %get3A_448 = tpu.vector_load %arg7[%get3A_446, %get3A_447] {strides = array<i32>} : memref<16x128xf32, #tpu.memory_space<vmem>>, vector<1x16xf32>,
      %get3A_449 = vector.shape_cast %get3A_448 : vector<1x16xf32> to vector<16xf32>
      %get3A_450 = arith.constant 0 : i32
      %get3A_451 = arith.index_cast %get3A_450 : i32 to index
      %get3A_452 = arith.constant 16 : index
      %get3A_453 = tpu.vector_load %arg7[%get3A_451, %get3A_452] {strides = array<i32>} : memref<16x128xf32, #tpu.memory_space<vmem>>, vector<1x16xf32>,
      %get3A_454 = vector.shape_cast %get3A_453 : vector<1x16xf32> to vector<16xf32>
      %get3A_455 = arith.constant 0 : i32
      %get3A_456 = arith.index_cast %get3A_455 : i32 to index
      %get3A_457 = arith.constant 32 : index
      %get3A_458 = tpu.vector_load %arg7[%get3A_456, %get3A_457] {strides = array<i32>} : memref<16x128xf32, #tpu.memory_space<vmem>>, vector<1x16xf32>,
      %get3A_459 = vector.shape_cast %get3A_458 : vector<1x16xf32> to vector<16xf32>
      %get3A_460 = arith.constant 0 : i32
      %get3A_461 = arith.index_cast %get3A_460 : i32 to index
      %get3A_462 = arith.constant 48 : index
      %get3A_463 = tpu.vector_load %arg7[%get3A_461, %get3A_462] {strides = array<i32>} : memref<16x128xf32, #tpu.memory_space<vmem>>, vector<1x16xf32>,
      %get3A_464 = vector.shape_cast %get3A_463 : vector<1x16xf32> to vector<16xf32>
      %get3A_465 = arith.constant 0 : i32
      %get3A_466 = arith.index_cast %get3A_465 : i32 to index
      %get3A_467 = arith.constant 64 : index
      %get3A_468 = tpu.vector_load %arg7[%get3A_466, %get3A_467] {strides = array<i32>} : memref<16x128xf32, #tpu.memory_space<vmem>>, vector<1x16xf32>,
      %get3A_469 = vector.shape_cast %get3A_468 : vector<1x16xf32> to vector<16xf32>
      %get3A_470 = arith.constant 0 : i32
      %get3A_471 = arith.index_cast %get3A_470 : i32 to index
      %get3A_472 = arith.constant 80 : index
      %get3A_473 = tpu.vector_load %arg7[%get3A_471, %get3A_472] {strides = array<i32>} : memref<16x128xf32, #tpu.memory_space<vmem>>, vector<1x16xf32>,
      %get3A_474 = vector.shape_cast %get3A_473 : vector<1x16xf32> to vector<16xf32>
      %get3A_475 = arith.constant 0 : i32
      %get3A_476 = arith.index_cast %get3A_475 : i32 to index
      %get3A_477 = arith.constant 96 : index
      %get3A_478 = tpu.vector_load %arg7[%get3A_476, %get3A_477] {strides = array<i32>} : memref<16x128xf32, #tpu.memory_space<vmem>>, vector<1x16xf32>,
      %get3A_479 = vector.shape_cast %get3A_478 : vector<1x16xf32> to vector<16xf32>
      %get3A_480 = arith.constant 0 : i32
      %get3A_481 = arith.index_cast %get3A_480 : i32 to index
      %get3A_482 = arith.constant 112 : index
      %get3A_483 = tpu.vector_load %arg7[%get3A_481, %get3A_482] {strides = array<i32>} : memref<16x128xf32, #tpu.memory_space<vmem>>, vector<1x16xf32>,
      %get3A_484 = vector.shape_cast %get3A_483 : vector<1x16xf32> to vector<16xf32>
      %get3A_485 = arith.constant 1 : i32
      %get3A_486 = arith.index_cast %get3A_485 : i32 to index
      %get3A_487 = arith.constant 0 : index
      %get3A_488 = tpu.vector_load %arg7[%get3A_486, %get3A_487] {strides = array<i32>} : memref<16x128xf32, #tpu.memory_space<vmem>>, vector<1x16xf32>,
      %get3A_489 = vector.shape_cast %get3A_488 : vector<1x16xf32> to vector<16xf32>
      %max3A = arith.maximumf %get3A_449, %get3A_489 : vector<16xf32>
      %get3A_490 = arith.constant 1 : i32
      %get3A_491 = arith.index_cast %get3A_490 : i32 to index
      %get3A_492 = arith.constant 16 : index
      %get3A_493 = tpu.vector_load %arg7[%get3A_491, %get3A_492] {strides = array<i32>} : memref<16x128xf32, #tpu.memory_space<vmem>>, vector<1x16xf32>,
      %get3A_494 = vector.shape_cast %get3A_493 : vector<1x16xf32> to vector<16xf32>
      %max3A_495 = arith.maximumf %get3A_454, %get3A_494 : vector<16xf32>
      %get3A_496 = arith.constant 1 : i32
      %get3A_497 = arith.index_cast %get3A_496 : i32 to index
      %get3A_498 = arith.constant 32 : index
      %get3A_499 = tpu.vector_load %arg7[%get3A_497, %get3A_498] {strides = array<i32>} : memref<16x128xf32, #tpu.memory_space<vmem>>, vector<1x16xf32>,
      %get3A_500 = vector.shape_cast %get3A_499 : vector<1x16xf32> to vector<16xf32>
      %max3A_501 = arith.maximumf %get3A_459, %get3A_500 : vector<16xf32>
      %get3A_502 = arith.constant 1 : i32
      %get3A_503 = arith.index_cast %get3A_502 : i32 to index
      %get3A_504 = arith.constant 48 : index
      %get3A_505 = tpu.vector_load %arg7[%get3A_503, %get3A_504] {strides = array<i32>} : memref<16x128xf32, #tpu.memory_space<vmem>>, vector<1x16xf32>,
      %get3A_506 = vector.shape_cast %get3A_505 : vector<1x16xf32> to vector<16xf32>
      %max3A_507 = arith.maximumf %get3A_464, %get3A_506 : vector<16xf32>
      %get3A_508 = arith.constant 1 : i32
      %get3A_509 = arith.index_cast %get3A_508 : i32 to index
      %get3A_510 = arith.constant 64 : index
      %get3A_511 = tpu.vector_load %arg7[%get3A_509, %get3A_510] {strides = array<i32>} : memref<16x128xf32, #tpu.memory_space<vmem>>, vector<1x16xf32>,
      %get3A_512 = vector.shape_cast %get3A_511 : vector<1x16xf32> to vector<16xf32>
      %max3A_513 = arith.maximumf %get3A_469, %get3A_512 : vector<16xf32>
      %get3A_514 = arith.constant 1 : i32
      %get3A_515 = arith.index_cast %get3A_514 : i32 to index
      %get3A_516 = arith.constant 80 : index
      %get3A_517 = tpu.vector_load %arg7[%get3A_515, %get3A_516] {strides = array<i32>} : memref<16x128xf32, #tpu.memory_space<vmem>>, vector<1x16xf32>,
      %get3A_518 = vector.shape_cast %get3A_517 : vector<1x16xf32> to vector<16xf32>
      %max3A_519 = arith.maximumf %get3A_474, %get3A_518 : vector<16xf32>
      %get3A_520 = arith.constant 1 : i32
      %get3A_521 = arith.index_cast %get3A_520 : i32 to index
      %get3A_522 = arith.constant 96 : index
      %get3A_523 = tpu.vector_load %arg7[%get3A_521, %get3A_522] {strides = array<i32>} : memref<16x128xf32, #tpu.memory_space<vmem>>, vector<1x16xf32>,
      %get3A_524 = vector.shape_cast %get3A_523 : vector<1x16xf32> to vector<16xf32>
      %max3A_525 = arith.maximumf %get3A_479, %get3A_524 : vector<16xf32>
      %get3A_526 = arith.constant 1 : i32
      %get3A_527 = arith.index_cast %get3A_526 : i32 to index
      %get3A_528 = arith.constant 112 : index
      %get3A_529 = tpu.vector_load %arg7[%get3A_527, %get3A_528] {strides = array<i32>} : memref<16x128xf32, #tpu.memory_space<vmem>>, vector<1x16xf32>,
      %get3A_530 = vector.shape_cast %get3A_529 : vector<1x16xf32> to vector<16xf32>
      %max3A_531 = arith.maximumf %get3A_484, %get3A_530 : vector<16xf32>
      %get3A_532 = arith.constant 2 : i32
      %get3A_533 = arith.index_cast %get3A_532 : i32 to index
      %get3A_534 = arith.constant 0 : index
      %get3A_535 = tpu.vector_load %arg7[%get3A_533, %get3A_534] {strides = array<i32>} : memref<16x128xf32, #tpu.memory_space<vmem>>, vector<1x16xf32>,
      %get3A_536 = vector.shape_cast %get3A_535 : vector<1x16xf32> to vector<16xf32>
      %max3A_537 = arith.maximumf %max3A, %get3A_536 : vector<16xf32>
      %get3A_538 = arith.constant 2 : i32
      %get3A_539 = arith.index_cast %get3A_538 : i32 to index
      %get3A_540 = arith.constant 16 : index
      %get3A_541 = tpu.vector_load %arg7[%get3A_539, %get3A_540] {strides = array<i32>} : memref<16x128xf32, #tpu.memory_space<vmem>>, vector<1x16xf32>,
      %get3A_542 = vector.shape_cast %get3A_541 : vector<1x16xf32> to vector<16xf32>
      %max3A_543 = arith.maximumf %max3A_495, %get3A_542 : vector<16xf32>
      %get3A_544 = arith.constant 2 : i32
      %get3A_545 = arith.index_cast %get3A_544 : i32 to index
      %get3A_546 = arith.constant 32 : index
      %get3A_547 = tpu.vector_load %arg7[%get3A_545, %get3A_546] {strides = array<i32>} : memref<16x128xf32, #tpu.memory_space<vmem>>, vector<1x16xf32>,
      %get3A_548 = vector.shape_cast %get3A_547 : vector<1x16xf32> to vector<16xf32>
      %max3A_549 = arith.maximumf %max3A_501, %get3A_548 : vector<16xf32>
      %get3A_550 = arith.constant 2 : i32
      %get3A_551 = arith.index_cast %get3A_550 : i32 to index
      %get3A_552 = arith.constant 48 : index
      %get3A_553 = tpu.vector_load %arg7[%get3A_551, %get3A_552] {strides = array<i32>} : memref<16x128xf32, #tpu.memory_space<vmem>>, vector<1x16xf32>,
      %get3A_554 = vector.shape_cast %get3A_553 : vector<1x16xf32> to vector<16xf32>
      %max3A_555 = arith.maximumf %max3A_507, %get3A_554 : vector<16xf32>
      %get3A_556 = arith.constant 2 : i32
      %get3A_557 = arith.index_cast %get3A_556 : i32 to index
      %get3A_558 = arith.constant 64 : index
      %get3A_559 = tpu.vector_load %arg7[%get3A_557, %get3A_558] {strides = array<i32>} : memref<16x128xf32, #tpu.memory_space<vmem>>, vector<1x16xf32>,
      %get3A_560 = vector.shape_cast %get3A_559 : vector<1x16xf32> to vector<16xf32>
      %max3A_561 = arith.maximumf %max3A_513, %get3A_560 : vector<16xf32>
      %get3A_562 = arith.constant 2 : i32
      %get3A_563 = arith.index_cast %get3A_562 : i32 to index
      %get3A_564 = arith.constant 80 : index
      %get3A_565 = tpu.vector_load %arg7[%get3A_563, %get3A_564] {strides = array<i32>} : memref<16x128xf32, #tpu.memory_space<vmem>>, vector<1x16xf32>,
      %get3A_566 = vector.shape_cast %get3A_565 : vector<1x16xf32> to vector<16xf32>
      %max3A_567 = arith.maximumf %max3A_519, %get3A_566 : vector<16xf32>
      %get3A_568 = arith.constant 2 : i32
      %get3A_569 = arith.index_cast %get3A_568 : i32 to index
      %get3A_570 = arith.constant 96 : index
      %get3A_571 = tpu.vector_load %arg7[%get3A_569, %get3A_570] {strides = array<i32>} : memref<16x128xf32, #tpu.memory_space<vmem>>, vector<1x16xf32>,
      %get3A_572 = vector.shape_cast %get3A_571 : vector<1x16xf32> to vector<16xf32>
      %max3A_573 = arith.maximumf %max3A_525, %get3A_572 : vector<16xf32>
      %get3A_574 = arith.constant 2 : i32
      %get3A_575 = arith.index_cast %get3A_574 : i32 to index
      %get3A_576 = arith.constant 112 : index
      %get3A_577 = tpu.vector_load %arg7[%get3A_575, %get3A_576] {strides = array<i32>} : memref<16x128xf32, #tpu.memory_space<vmem>>, vector<1x16xf32>,
      %get3A_578 = vector.shape_cast %get3A_577 : vector<1x16xf32> to vector<16xf32>
      %max3A_579 = arith.maximumf %max3A_531, %get3A_578 : vector<16xf32>
      %get3A_580 = arith.constant 3 : i32
      %get3A_581 = arith.index_cast %get3A_580 : i32 to index
      %get3A_582 = arith.constant 0 : index
      %get3A_583 = tpu.vector_load %arg7[%get3A_581, %get3A_582] {strides = array<i32>} : memref<16x128xf32, #tpu.memory_space<vmem>>, vector<1x16xf32>,
      %get3A_584 = vector.shape_cast %get3A_583 : vector<1x16xf32> to vector<16xf32>
      %max3A_585 = arith.maximumf %max3A_537, %get3A_584 : vector<16xf32>
      %get3A_586 = arith.constant 3 : i32
      %get3A_587 = arith.index_cast %get3A_586 : i32 to index
      %get3A_588 = arith.constant 16 : index
      %get3A_589 = tpu.vector_load %arg7[%get3A_587, %get3A_588] {strides = array<i32>} : memref<16x128xf32, #tpu.memory_space<vmem>>, vector<1x16xf32>,
      %get3A_590 = vector.shape_cast %get3A_589 : vector<1x16xf32> to vector<16xf32>
      %max3A_591 = arith.maximumf %max3A_543, %get3A_590 : vector<16xf32>
      %get3A_592 = arith.constant 3 : i32
      %get3A_593 = arith.index_cast %get3A_592 : i32 to index
      %get3A_594 = arith.constant 32 : index
      %get3A_595 = tpu.vector_load %arg7[%get3A_593, %get3A_594] {strides = array<i32>} : memref<16x128xf32, #tpu.memory_space<vmem>>, vector<1x16xf32>,
      %get3A_596 = vector.shape_cast %get3A_595 : vector<1x16xf32> to vector<16xf32>
      %max3A_597 = arith.maximumf %max3A_549, %get3A_596 : vector<16xf32>
      %get3A_598 = arith.constant 3 : i32
      %get3A_599 = arith.index_cast %get3A_598 : i32 to index
      %get3A_600 = arith.constant 48 : index
      %get3A_601 = tpu.vector_load %arg7[%get3A_599, %get3A_600] {strides = array<i32>} : memref<16x128xf32, #tpu.memory_space<vmem>>, vector<1x16xf32>,
      %get3A_602 = vector.shape_cast %get3A_601 : vector<1x16xf32> to vector<16xf32>
      %max3A_603 = arith.maximumf %max3A_555, %get3A_602 : vector<16xf32>
      %get3A_604 = arith.constant 3 : i32
      %get3A_605 = arith.index_cast %get3A_604 : i32 to index
      %get3A_606 = arith.constant 64 : index
      %get3A_607 = tpu.vector_load %arg7[%get3A_605, %get3A_606] {strides = array<i32>} : memref<16x128xf32, #tpu.memory_space<vmem>>, vector<1x16xf32>,
      %get3A_608 = vector.shape_cast %get3A_607 : vector<1x16xf32> to vector<16xf32>
      %max3A_609 = arith.maximumf %max3A_561, %get3A_608 : vector<16xf32>
      %get3A_610 = arith.constant 3 : i32
      %get3A_611 = arith.index_cast %get3A_610 : i32 to index
      %get3A_612 = arith.constant 80 : index
      %get3A_613 = tpu.vector_load %arg7[%get3A_611, %get3A_612] {strides = array<i32>} : memref<16x128xf32, #tpu.memory_space<vmem>>, vector<1x16xf32>,
      %get3A_614 = vector.shape_cast %get3A_613 : vector<1x16xf32> to vector<16xf32>
      %max3A_615 = arith.maximumf %max3A_567, %get3A_614 : vector<16xf32>
      %get3A_616 = arith.constant 3 : i32
      %get3A_617 = arith.index_cast %get3A_616 : i32 to index
      %get3A_618 = arith.constant 96 : index
      %get3A_619 = tpu.vector_load %arg7[%get3A_617, %get3A_618] {strides = array<i32>} : memref<16x128xf32, #tpu.memory_space<vmem>>, vector<1x16xf32>,
      %get3A_620 = vector.shape_cast %get3A_619 : vector<1x16xf32> to vector<16xf32>
      %max3A_621 = arith.maximumf %max3A_573, %get3A_620 : vector<16xf32>
      %get3A_622 = arith.constant 3 : i32
      %get3A_623 = arith.index_cast %get3A_622 : i32 to index
      %get3A_624 = arith.constant 112 : index
      %get3A_625 = tpu.vector_load %arg7[%get3A_623, %get3A_624] {strides = array<i32>} : memref<16x128xf32, #tpu.memory_space<vmem>>, vector<1x16xf32>,
      %get3A_626 = vector.shape_cast %get3A_625 : vector<1x16xf32> to vector<16xf32>
      %max3A_627 = arith.maximumf %max3A_579, %get3A_626 : vector<16xf32>
      %get3A_628 = arith.constant 4 : i32
      %get3A_629 = arith.index_cast %get3A_628 : i32 to index
      %get3A_630 = arith.constant 0 : index
      %get3A_631 = tpu.vector_load %arg7[%get3A_629, %get3A_630] {strides = array<i32>} : memref<16x128xf32, #tpu.memory_space<vmem>>, vector<1x16xf32>,
      %get3A_632 = vector.shape_cast %get3A_631 : vector<1x16xf32> to vector<16xf32>
      %max3A_633 = arith.maximumf %max3A_585, %get3A_632 : vector<16xf32>
      %get3A_634 = arith.constant 4 : i32
      %get3A_635 = arith.index_cast %get3A_634 : i32 to index
      %get3A_636 = arith.constant 16 : index
      %get3A_637 = tpu.vector_load %arg7[%get3A_635, %get3A_636] {strides = array<i32>} : memref<16x128xf32, #tpu.memory_space<vmem>>, vector<1x16xf32>,
      %get3A_638 = vector.shape_cast %get3A_637 : vector<1x16xf32> to vector<16xf32>
      %max3A_639 = arith.maximumf %max3A_591, %get3A_638 : vector<16xf32>
      %get3A_640 = arith.constant 4 : i32
      %get3A_641 = arith.index_cast %get3A_640 : i32 to index
      %get3A_642 = arith.constant 32 : index
      %get3A_643 = tpu.vector_load %arg7[%get3A_641, %get3A_642] {strides = array<i32>} : memref<16x128xf32, #tpu.memory_space<vmem>>, vector<1x16xf32>,
      %get3A_644 = vector.shape_cast %get3A_643 : vector<1x16xf32> to vector<16xf32>
      %max3A_645 = arith.maximumf %max3A_597, %get3A_644 : vector<16xf32>
      %get3A_646 = arith.constant 4 : i32
      %get3A_647 = arith.index_cast %get3A_646 : i32 to index
      %get3A_648 = arith.constant 48 : index
      %get3A_649 = tpu.vector_load %arg7[%get3A_647, %get3A_648] {strides = array<i32>} : memref<16x128xf32, #tpu.memory_space<vmem>>, vector<1x16xf32>,
      %get3A_650 = vector.shape_cast %get3A_649 : vector<1x16xf32> to vector<16xf32>
      %max3A_651 = arith.maximumf %max3A_603, %get3A_650 : vector<16xf32>
      %get3A_652 = arith.constant 4 : i32
      %get3A_653 = arith.index_cast %get3A_652 : i32 to index
      %get3A_654 = arith.constant 64 : index
      %get3A_655 = tpu.vector_load %arg7[%get3A_653, %get3A_654] {strides = array<i32>} : memref<16x128xf32, #tpu.memory_space<vmem>>, vector<1x16xf32>,
      %get3A_656 = vector.shape_cast %get3A_655 : vector<1x16xf32> to vector<16xf32>
      %max3A_657 = arith.maximumf %max3A_609, %get3A_656 : vector<16xf32>
      %get3A_658 = arith.constant 4 : i32
      %get3A_659 = arith.index_cast %get3A_658 : i32 to index
      %get3A_660 = arith.constant 80 : index
      %get3A_661 = tpu.vector_load %arg7[%get3A_659, %get3A_660] {strides = array<i32>} : memref<16x128xf32, #tpu.memory_space<vmem>>, vector<1x16xf32>,
      %get3A_662 = vector.shape_cast %get3A_661 : vector<1x16xf32> to vector<16xf32>
      %max3A_663 = arith.maximumf %max3A_615, %get3A_662 : vector<16xf32>
      %get3A_664 = arith.constant 4 : i32
      %get3A_665 = arith.index_cast %get3A_664 : i32 to index
      %get3A_666 = arith.constant 96 : index
      %get3A_667 = tpu.vector_load %arg7[%get3A_665, %get3A_666] {strides = array<i32>} : memref<16x128xf32, #tpu.memory_space<vmem>>, vector<1x16xf32>,
      %get3A_668 = vector.shape_cast %get3A_667 : vector<1x16xf32> to vector<16xf32>
      %max3A_669 = arith.maximumf %max3A_621, %get3A_668 : vector<16xf32>
      %get3A_670 = arith.constant 4 : i32
      %get3A_671 = arith.index_cast %get3A_670 : i32 to index
      %get3A_672 = arith.constant 112 : index
      %get3A_673 = tpu.vector_load %arg7[%get3A_671, %get3A_672] {strides = array<i32>} : memref<16x128xf32, #tpu.memory_space<vmem>>, vector<1x16xf32>,
      %get3A_674 = vector.shape_cast %get3A_673 : vector<1x16xf32> to vector<16xf32>
      %max3A_675 = arith.maximumf %max3A_627, %get3A_674 : vector<16xf32>
      %get3A_676 = arith.constant 5 : i32
      %get3A_677 = arith.index_cast %get3A_676 : i32 to index
      %get3A_678 = arith.constant 0 : index
      %get3A_679 = tpu.vector_load %arg7[%get3A_677, %get3A_678] {strides = array<i32>} : memref<16x128xf32, #tpu.memory_space<vmem>>, vector<1x16xf32>,
      %get3A_680 = vector.shape_cast %get3A_679 : vector<1x16xf32> to vector<16xf32>
      %max3A_681 = arith.maximumf %max3A_633, %get3A_680 : vector<16xf32>
      %get3A_682 = arith.constant 5 : i32
      %get3A_683 = arith.index_cast %get3A_682 : i32 to index
      %get3A_684 = arith.constant 16 : index
      %get3A_685 = tpu.vector_load %arg7[%get3A_683, %get3A_684] {strides = array<i32>} : memref<16x128xf32, #tpu.memory_space<vmem>>, vector<1x16xf32>,
      %get3A_686 = vector.shape_cast %get3A_685 : vector<1x16xf32> to vector<16xf32>
      %max3A_687 = arith.maximumf %max3A_639, %get3A_686 : vector<16xf32>
      %get3A_688 = arith.constant 5 : i32
      %get3A_689 = arith.index_cast %get3A_688 : i32 to index
      %get3A_690 = arith.constant 32 : index
      %get3A_691 = tpu.vector_load %arg7[%get3A_689, %get3A_690] {strides = array<i32>} : memref<16x128xf32, #tpu.memory_space<vmem>>, vector<1x16xf32>,
      %get3A_692 = vector.shape_cast %get3A_691 : vector<1x16xf32> to vector<16xf32>
      %max3A_693 = arith.maximumf %max3A_645, %get3A_692 : vector<16xf32>
      %get3A_694 = arith.constant 5 : i32
      %get3A_695 = arith.index_cast %get3A_694 : i32 to index
      %get3A_696 = arith.constant 48 : index
      %get3A_697 = tpu.vector_load %arg7[%get3A_695, %get3A_696] {strides = array<i32>} : memref<16x128xf32, #tpu.memory_space<vmem>>, vector<1x16xf32>,
      %get3A_698 = vector.shape_cast %get3A_697 : vector<1x16xf32> to vector<16xf32>
      %max3A_699 = arith.maximumf %max3A_651, %get3A_698 : vector<16xf32>
      %get3A_700 = arith.constant 5 : i32
      %get3A_701 = arith.index_cast %get3A_700 : i32 to index
      %get3A_702 = arith.constant 64 : index
      %get3A_703 = tpu.vector_load %arg7[%get3A_701, %get3A_702] {strides = array<i32>} : memref<16x128xf32, #tpu.memory_space<vmem>>, vector<1x16xf32>,
      %get3A_704 = vector.shape_cast %get3A_703 : vector<1x16xf32> to vector<16xf32>
      %max3A_705 = arith.maximumf %max3A_657, %get3A_704 : vector<16xf32>
      %get3A_706 = arith.constant 5 : i32
      %get3A_707 = arith.index_cast %get3A_706 : i32 to index
      %get3A_708 = arith.constant 80 : index
      %get3A_709 = tpu.vector_load %arg7[%get3A_707, %get3A_708] {strides = array<i32>} : memref<16x128xf32, #tpu.memory_space<vmem>>, vector<1x16xf32>,
      %get3A_710 = vector.shape_cast %get3A_709 : vector<1x16xf32> to vector<16xf32>
      %max3A_711 = arith.maximumf %max3A_663, %get3A_710 : vector<16xf32>
      %get3A_712 = arith.constant 5 : i32
      %get3A_713 = arith.index_cast %get3A_712 : i32 to index
      %get3A_714 = arith.constant 96 : index
      %get3A_715 = tpu.vector_load %arg7[%get3A_713, %get3A_714] {strides = array<i32>} : memref<16x128xf32, #tpu.memory_space<vmem>>, vector<1x16xf32>,
      %get3A_716 = vector.shape_cast %get3A_715 : vector<1x16xf32> to vector<16xf32>
      %max3A_717 = arith.maximumf %max3A_669, %get3A_716 : vector<16xf32>
      %get3A_718 = arith.constant 5 : i32
      %get3A_719 = arith.index_cast %get3A_718 : i32 to index
      %get3A_720 = arith.constant 112 : index
      %get3A_721 = tpu.vector_load %arg7[%get3A_719, %get3A_720] {strides = array<i32>} : memref<16x128xf32, #tpu.memory_space<vmem>>, vector<1x16xf32>,
      %get3A_722 = vector.shape_cast %get3A_721 : vector<1x16xf32> to vector<16xf32>
      %max3A_723 = arith.maximumf %max3A_675, %get3A_722 : vector<16xf32>
      %get3A_724 = arith.constant 6 : i32
      %get3A_725 = arith.index_cast %get3A_724 : i32 to index
      %get3A_726 = arith.constant 0 : index
      %get3A_727 = tpu.vector_load %arg7[%get3A_725, %get3A_726] {strides = array<i32>} : memref<16x128xf32, #tpu.memory_space<vmem>>, vector<1x16xf32>,
      %get3A_728 = vector.shape_cast %get3A_727 : vector<1x16xf32> to vector<16xf32>
      %max3A_729 = arith.maximumf %max3A_681, %get3A_728 : vector<16xf32>
      %get3A_730 = arith.constant 6 : i32
      %get3A_731 = arith.index_cast %get3A_730 : i32 to index
      %get3A_732 = arith.constant 16 : index
      %get3A_733 = tpu.vector_load %arg7[%get3A_731, %get3A_732] {strides = array<i32>} : memref<16x128xf32, #tpu.memory_space<vmem>>, vector<1x16xf32>,
      %get3A_734 = vector.shape_cast %get3A_733 : vector<1x16xf32> to vector<16xf32>
      %max3A_735 = arith.maximumf %max3A_687, %get3A_734 : vector<16xf32>
      %get3A_736 = arith.constant 6 : i32
      %get3A_737 = arith.index_cast %get3A_736 : i32 to index
      %get3A_738 = arith.constant 32 : index
      %get3A_739 = tpu.vector_load %arg7[%get3A_737, %get3A_738] {strides = array<i32>} : memref<16x128xf32, #tpu.memory_space<vmem>>, vector<1x16xf32>,
      %get3A_740 = vector.shape_cast %get3A_739 : vector<1x16xf32> to vector<16xf32>
      %max3A_741 = arith.maximumf %max3A_693, %get3A_740 : vector<16xf32>
      %get3A_742 = arith.constant 6 : i32
      %get3A_743 = arith.index_cast %get3A_742 : i32 to index
      %get3A_744 = arith.constant 48 : index
      %get3A_745 = tpu.vector_load %arg7[%get3A_743, %get3A_744] {strides = array<i32>} : memref<16x128xf32, #tpu.memory_space<vmem>>, vector<1x16xf32>,
      %get3A_746 = vector.shape_cast %get3A_745 : vector<1x16xf32> to vector<16xf32>
      %max3A_747 = arith.maximumf %max3A_699, %get3A_746 : vector<16xf32>
      %get3A_748 = arith.constant 6 : i32
      %get3A_749 = arith.index_cast %get3A_748 : i32 to index
      %get3A_750 = arith.constant 64 : index
      %get3A_751 = tpu.vector_load %arg7[%get3A_749, %get3A_750] {strides = array<i32>} : memref<16x128xf32, #tpu.memory_space<vmem>>, vector<1x16xf32>,
      %get3A_752 = vector.shape_cast %get3A_751 : vector<1x16xf32> to vector<16xf32>
      %max3A_753 = arith.maximumf %max3A_705, %get3A_752 : vector<16xf32>
      %get3A_754 = arith.constant 6 : i32
      %get3A_755 = arith.index_cast %get3A_754 : i32 to index
      %get3A_756 = arith.constant 80 : index
      %get3A_757 = tpu.vector_load %arg7[%get3A_755, %get3A_756] {strides = array<i32>} : memref<16x128xf32, #tpu.memory_space<vmem>>, vector<1x16xf32>,
      %get3A_758 = vector.shape_cast %get3A_757 : vector<1x16xf32> to vector<16xf32>
      %max3A_759 = arith.maximumf %max3A_711, %get3A_758 : vector<16xf32>
      %get3A_760 = arith.constant 6 : i32
      %get3A_761 = arith.index_cast %get3A_760 : i32 to index
      %get3A_762 = arith.constant 96 : index
      %get3A_763 = tpu.vector_load %arg7[%get3A_761, %get3A_762] {strides = array<i32>} : memref<16x128xf32, #tpu.memory_space<vmem>>, vector<1x16xf32>,
      %get3A_764 = vector.shape_cast %get3A_763 : vector<1x16xf32> to vector<16xf32>
      %max3A_765 = arith.maximumf %max3A_717, %get3A_764 : vector<16xf32>
      %get3A_766 = arith.constant 6 : i32
      %get3A_767 = arith.index_cast %get3A_766 : i32 to index
      %get3A_768 = arith.constant 112 : index
      %get3A_769 = tpu.vector_load %arg7[%get3A_767, %get3A_768] {strides = array<i32>} : memref<16x128xf32, #tpu.memory_space<vmem>>, vector<1x16xf32>,
      %get3A_770 = vector.shape_cast %get3A_769 : vector<1x16xf32> to vector<16xf32>
      %max3A_771 = arith.maximumf %max3A_723, %get3A_770 : vector<16xf32>
      %get3A_772 = arith.constant 7 : i32
      %get3A_773 = arith.index_cast %get3A_772 : i32 to index
      %get3A_774 = arith.constant 0 : index
      %get3A_775 = tpu.vector_load %arg7[%get3A_773, %get3A_774] {strides = array<i32>} : memref<16x128xf32, #tpu.memory_space<vmem>>, vector<1x16xf32>,
      %get3A_776 = vector.shape_cast %get3A_775 : vector<1x16xf32> to vector<16xf32>
      %max3A_777 = arith.maximumf %max3A_729, %get3A_776 : vector<16xf32>
      %get3A_778 = arith.constant 7 : i32
      %get3A_779 = arith.index_cast %get3A_778 : i32 to index
      %get3A_780 = arith.constant 16 : index
      %get3A_781 = tpu.vector_load %arg7[%get3A_779, %get3A_780] {strides = array<i32>} : memref<16x128xf32, #tpu.memory_space<vmem>>, vector<1x16xf32>,
      %get3A_782 = vector.shape_cast %get3A_781 : vector<1x16xf32> to vector<16xf32>
      %max3A_783 = arith.maximumf %max3A_735, %get3A_782 : vector<16xf32>
      %get3A_784 = arith.constant 7 : i32
      %get3A_785 = arith.index_cast %get3A_784 : i32 to index
      %get3A_786 = arith.constant 32 : index
      %get3A_787 = tpu.vector_load %arg7[%get3A_785, %get3A_786] {strides = array<i32>} : memref<16x128xf32, #tpu.memory_space<vmem>>, vector<1x16xf32>,
      %get3A_788 = vector.shape_cast %get3A_787 : vector<1x16xf32> to vector<16xf32>
      %max3A_789 = arith.maximumf %max3A_741, %get3A_788 : vector<16xf32>
      %get3A_790 = arith.constant 7 : i32
      %get3A_791 = arith.index_cast %get3A_790 : i32 to index
      %get3A_792 = arith.constant 48 : index
      %get3A_793 = tpu.vector_load %arg7[%get3A_791, %get3A_792] {strides = array<i32>} : memref<16x128xf32, #tpu.memory_space<vmem>>, vector<1x16xf32>,
      %get3A_794 = vector.shape_cast %get3A_793 : vector<1x16xf32> to vector<16xf32>
      %max3A_795 = arith.maximumf %max3A_747, %get3A_794 : vector<16xf32>
      %get3A_796 = arith.constant 7 : i32
      %get3A_797 = arith.index_cast %get3A_796 : i32 to index
      %get3A_798 = arith.constant 64 : index
      %get3A_799 = tpu.vector_load %arg7[%get3A_797, %get3A_798] {strides = array<i32>} : memref<16x128xf32, #tpu.memory_space<vmem>>, vector<1x16xf32>,
      %get3A_800 = vector.shape_cast %get3A_799 : vector<1x16xf32> to vector<16xf32>
      %max3A_801 = arith.maximumf %max3A_753, %get3A_800 : vector<16xf32>
      %get3A_802 = arith.constant 7 : i32
      %get3A_803 = arith.index_cast %get3A_802 : i32 to index
      %get3A_804 = arith.constant 80 : index
      %get3A_805 = tpu.vector_load %arg7[%get3A_803, %get3A_804] {strides = array<i32>} : memref<16x128xf32, #tpu.memory_space<vmem>>, vector<1x16xf32>,
      %get3A_806 = vector.shape_cast %get3A_805 : vector<1x16xf32> to vector<16xf32>
      %max3A_807 = arith.maximumf %max3A_759, %get3A_806 : vector<16xf32>
      %get3A_808 = arith.constant 7 : i32
      %get3A_809 = arith.index_cast %get3A_808 : i32 to index
      %get3A_810 = arith.constant 96 : index
      %get3A_811 = tpu.vector_load %arg7[%get3A_809, %get3A_810] {strides = array<i32>} : memref<16x128xf32, #tpu.memory_space<vmem>>, vector<1x16xf32>,
      %get3A_812 = vector.shape_cast %get3A_811 : vector<1x16xf32> to vector<16xf32>
      %max3A_813 = arith.maximumf %max3A_765, %get3A_812 : vector<16xf32>
      %get3A_814 = arith.constant 7 : i32
      %get3A_815 = arith.index_cast %get3A_814 : i32 to index
      %get3A_816 = arith.constant 112 : index
      %get3A_817 = tpu.vector_load %arg7[%get3A_815, %get3A_816] {strides = array<i32>} : memref<16x128xf32, #tpu.memory_space<vmem>>, vector<1x16xf32>,
      %get3A_818 = vector.shape_cast %get3A_817 : vector<1x16xf32> to vector<16xf32>
      %max3A_819 = arith.maximumf %max3A_771, %get3A_818 : vector<16xf32>
      %get3A_820 = arith.constant 8 : i32
      %get3A_821 = arith.index_cast %get3A_820 : i32 to index
      %get3A_822 = arith.constant 0 : index
      %get3A_823 = tpu.vector_load %arg7[%get3A_821, %get3A_822] {strides = array<i32>} : memref<16x128xf32, #tpu.memory_space<vmem>>, vector<1x16xf32>,
      %get3A_824 = vector.shape_cast %get3A_823 : vector<1x16xf32> to vector<16xf32>
      %max3A_825 = arith.maximumf %max3A_777, %get3A_824 : vector<16xf32>
      %get3A_826 = arith.constant 8 : i32
      %get3A_827 = arith.index_cast %get3A_826 : i32 to index
      %get3A_828 = arith.constant 16 : index
      %get3A_829 = tpu.vector_load %arg7[%get3A_827, %get3A_828] {strides = array<i32>} : memref<16x128xf32, #tpu.memory_space<vmem>>, vector<1x16xf32>,
      %get3A_830 = vector.shape_cast %get3A_829 : vector<1x16xf32> to vector<16xf32>
      %max3A_831 = arith.maximumf %max3A_783, %get3A_830 : vector<16xf32>
      %get3A_832 = arith.constant 8 : i32
      %get3A_833 = arith.index_cast %get3A_832 : i32 to index
      %get3A_834 = arith.constant 32 : index
      %get3A_835 = tpu.vector_load %arg7[%get3A_833, %get3A_834] {strides = array<i32>} : memref<16x128xf32, #tpu.memory_space<vmem>>, vector<1x16xf32>,
      %get3A_836 = vector.shape_cast %get3A_835 : vector<1x16xf32> to vector<16xf32>
      %max3A_837 = arith.maximumf %max3A_789, %get3A_836 : vector<16xf32>
      %get3A_838 = arith.constant 8 : i32
      %get3A_839 = arith.index_cast %get3A_838 : i32 to index
      %get3A_840 = arith.constant 48 : index
      %get3A_841 = tpu.vector_load %arg7[%get3A_839, %get3A_840] {strides = array<i32>} : memref<16x128xf32, #tpu.memory_space<vmem>>, vector<1x16xf32>,
      %get3A_842 = vector.shape_cast %get3A_841 : vector<1x16xf32> to vector<16xf32>
      %max3A_843 = arith.maximumf %max3A_795, %get3A_842 : vector<16xf32>
      %get3A_844 = arith.constant 8 : i32
      %get3A_845 = arith.index_cast %get3A_844 : i32 to index
      %get3A_846 = arith.constant 64 : index
      %get3A_847 = tpu.vector_load %arg7[%get3A_845, %get3A_846] {strides = array<i32>} : memref<16x128xf32, #tpu.memory_space<vmem>>, vector<1x16xf32>,
      %get3A_848 = vector.shape_cast %get3A_847 : vector<1x16xf32> to vector<16xf32>
      %max3A_849 = arith.maximumf %max3A_801, %get3A_848 : vector<16xf32>
      %get3A_850 = arith.constant 8 : i32
      %get3A_851 = arith.index_cast %get3A_850 : i32 to index
      %get3A_852 = arith.constant 80 : index
      %get3A_853 = tpu.vector_load %arg7[%get3A_851, %get3A_852] {strides = array<i32>} : memref<16x128xf32, #tpu.memory_space<vmem>>, vector<1x16xf32>,
      %get3A_854 = vector.shape_cast %get3A_853 : vector<1x16xf32> to vector<16xf32>
      %max3A_855 = arith.maximumf %max3A_807, %get3A_854 : vector<16xf32>
      %get3A_856 = arith.constant 8 : i32
      %get3A_857 = arith.index_cast %get3A_856 : i32 to index
      %get3A_858 = arith.constant 96 : index
      %get3A_859 = tpu.vector_load %arg7[%get3A_857, %get3A_858] {strides = array<i32>} : memref<16x128xf32, #tpu.memory_space<vmem>>, vector<1x16xf32>,
      %get3A_860 = vector.shape_cast %get3A_859 : vector<1x16xf32> to vector<16xf32>
      %max3A_861 = arith.maximumf %max3A_813, %get3A_860 : vector<16xf32>
      %get3A_862 = arith.constant 8 : i32
      %get3A_863 = arith.index_cast %get3A_862 : i32 to index
      %get3A_864 = arith.constant 112 : index
      %get3A_865 = tpu.vector_load %arg7[%get3A_863, %get3A_864] {strides = array<i32>} : memref<16x128xf32, #tpu.memory_space<vmem>>, vector<1x16xf32>,
      %get3A_866 = vector.shape_cast %get3A_865 : vector<1x16xf32> to vector<16xf32>
      %max3A_867 = arith.maximumf %max3A_819, %get3A_866 : vector<16xf32>
      %get3A_868 = arith.constant 9 : i32
      %get3A_869 = arith.index_cast %get3A_868 : i32 to index
      %get3A_870 = arith.constant 0 : index
      %get3A_871 = tpu.vector_load %arg7[%get3A_869, %get3A_870] {strides = array<i32>} : memref<16x128xf32, #tpu.memory_space<vmem>>, vector<1x16xf32>,
      %get3A_872 = vector.shape_cast %get3A_871 : vector<1x16xf32> to vector<16xf32>
      %max3A_873 = arith.maximumf %max3A_825, %get3A_872 : vector<16xf32>
      %get3A_874 = arith.constant 9 : i32
      %get3A_875 = arith.index_cast %get3A_874 : i32 to index
      %get3A_876 = arith.constant 16 : index
      %get3A_877 = tpu.vector_load %arg7[%get3A_875, %get3A_876] {strides = array<i32>} : memref<16x128xf32, #tpu.memory_space<vmem>>, vector<1x16xf32>,
      %get3A_878 = vector.shape_cast %get3A_877 : vector<1x16xf32> to vector<16xf32>
      %max3A_879 = arith.maximumf %max3A_831, %get3A_878 : vector<16xf32>
      %get3A_880 = arith.constant 9 : i32
      %get3A_881 = arith.index_cast %get3A_880 : i32 to index
      %get3A_882 = arith.constant 32 : index
      %get3A_883 = tpu.vector_load %arg7[%get3A_881, %get3A_882] {strides = array<i32>} : memref<16x128xf32, #tpu.memory_space<vmem>>, vector<1x16xf32>,
      %get3A_884 = vector.shape_cast %get3A_883 : vector<1x16xf32> to vector<16xf32>
      %max3A_885 = arith.maximumf %max3A_837, %get3A_884 : vector<16xf32>
      %get3A_886 = arith.constant 9 : i32
      %get3A_887 = arith.index_cast %get3A_886 : i32 to index
      %get3A_888 = arith.constant 48 : index
      %get3A_889 = tpu.vector_load %arg7[%get3A_887, %get3A_888] {strides = array<i32>} : memref<16x128xf32, #tpu.memory_space<vmem>>, vector<1x16xf32>,
      %get3A_890 = vector.shape_cast %get3A_889 : vector<1x16xf32> to vector<16xf32>
      %max3A_891 = arith.maximumf %max3A_843, %get3A_890 : vector<16xf32>
      %get3A_892 = arith.constant 9 : i32
      %get3A_893 = arith.index_cast %get3A_892 : i32 to index
      %get3A_894 = arith.constant 64 : index
      %get3A_895 = tpu.vector_load %arg7[%get3A_893, %get3A_894] {strides = array<i32>} : memref<16x128xf32, #tpu.memory_space<vmem>>, vector<1x16xf32>,
      %get3A_896 = vector.shape_cast %get3A_895 : vector<1x16xf32> to vector<16xf32>
      %max3A_897 = arith.maximumf %max3A_849, %get3A_896 : vector<16xf32>
      %get3A_898 = arith.constant 9 : i32
      %get3A_899 = arith.index_cast %get3A_898 : i32 to index
      %get3A_900 = arith.constant 80 : index
      %get3A_901 = tpu.vector_load %arg7[%get3A_899, %get3A_900] {strides = array<i32>} : memref<16x128xf32, #tpu.memory_space<vmem>>, vector<1x16xf32>,
      %get3A_902 = vector.shape_cast %get3A_901 : vector<1x16xf32> to vector<16xf32>
      %max3A_903 = arith.maximumf %max3A_855, %get3A_902 : vector<16xf32>
      %get3A_904 = arith.constant 9 : i32
      %get3A_905 = arith.index_cast %get3A_904 : i32 to index
      %get3A_906 = arith.constant 96 : index
      %get3A_907 = tpu.vector_load %arg7[%get3A_905, %get3A_906] {strides = array<i32>} : memref<16x128xf32, #tpu.memory_space<vmem>>, vector<1x16xf32>,
      %get3A_908 = vector.shape_cast %get3A_907 : vector<1x16xf32> to vector<16xf32>
      %max3A_909 = arith.maximumf %max3A_861, %get3A_908 : vector<16xf32>
      %get3A_910 = arith.constant 9 : i32
      %get3A_911 = arith.index_cast %get3A_910 : i32 to index
      %get3A_912 = arith.constant 112 : index
      %get3A_913 = tpu.vector_load %arg7[%get3A_911, %get3A_912] {strides = array<i32>} : memref<16x128xf32, #tpu.memory_space<vmem>>, vector<1x16xf32>,
      %get3A_914 = vector.shape_cast %get3A_913 : vector<1x16xf32> to vector<16xf32>
      %max3A_915 = arith.maximumf %max3A_867, %get3A_914 : vector<16xf32>
      %get3A_916 = arith.constant 10 : i32
      %get3A_917 = arith.index_cast %get3A_916 : i32 to index
      %get3A_918 = arith.constant 0 : index
      %get3A_919 = tpu.vector_load %arg7[%get3A_917, %get3A_918] {strides = array<i32>} : memref<16x128xf32, #tpu.memory_space<vmem>>, vector<1x16xf32>,
      %get3A_920 = vector.shape_cast %get3A_919 : vector<1x16xf32> to vector<16xf32>
      %max3A_921 = arith.maximumf %max3A_873, %get3A_920 : vector<16xf32>
      %get3A_922 = arith.constant 10 : i32
      %get3A_923 = arith.index_cast %get3A_922 : i32 to index
      %get3A_924 = arith.constant 16 : index
      %get3A_925 = tpu.vector_load %arg7[%get3A_923, %get3A_924] {strides = array<i32>} : memref<16x128xf32, #tpu.memory_space<vmem>>, vector<1x16xf32>,
      %get3A_926 = vector.shape_cast %get3A_925 : vector<1x16xf32> to vector<16xf32>
      %max3A_927 = arith.maximumf %max3A_879, %get3A_926 : vector<16xf32>
      %get3A_928 = arith.constant 10 : i32
      %get3A_929 = arith.index_cast %get3A_928 : i32 to index
      %get3A_930 = arith.constant 32 : index
      %get3A_931 = tpu.vector_load %arg7[%get3A_929, %get3A_930] {strides = array<i32>} : memref<16x128xf32, #tpu.memory_space<vmem>>, vector<1x16xf32>,
      %get3A_932 = vector.shape_cast %get3A_931 : vector<1x16xf32> to vector<16xf32>
      %max3A_933 = arith.maximumf %max3A_885, %get3A_932 : vector<16xf32>
      %get3A_934 = arith.constant 10 : i32
      %get3A_935 = arith.index_cast %get3A_934 : i32 to index
      %get3A_936 = arith.constant 48 : index
      %get3A_937 = tpu.vector_load %arg7[%get3A_935, %get3A_936] {strides = array<i32>} : memref<16x128xf32, #tpu.memory_space<vmem>>, vector<1x16xf32>,
      %get3A_938 = vector.shape_cast %get3A_937 : vector<1x16xf32> to vector<16xf32>
      %max3A_939 = arith.maximumf %max3A_891, %get3A_938 : vector<16xf32>
      %get3A_940 = arith.constant 10 : i32
      %get3A_941 = arith.index_cast %get3A_940 : i32 to index
      %get3A_942 = arith.constant 64 : index
      %get3A_943 = tpu.vector_load %arg7[%get3A_941, %get3A_942] {strides = array<i32>} : memref<16x128xf32, #tpu.memory_space<vmem>>, vector<1x16xf32>,
      %get3A_944 = vector.shape_cast %get3A_943 : vector<1x16xf32> to vector<16xf32>
      %max3A_945 = arith.maximumf %max3A_897, %get3A_944 : vector<16xf32>
      %get3A_946 = arith.constant 10 : i32
      %get3A_947 = arith.index_cast %get3A_946 : i32 to index
      %get3A_948 = arith.constant 80 : index
      %get3A_949 = tpu.vector_load %arg7[%get3A_947, %get3A_948] {strides = array<i32>} : memref<16x128xf32, #tpu.memory_space<vmem>>, vector<1x16xf32>,
      %get3A_950 = vector.shape_cast %get3A_949 : vector<1x16xf32> to vector<16xf32>
      %max3A_951 = arith.maximumf %max3A_903, %get3A_950 : vector<16xf32>
      %get3A_952 = arith.constant 10 : i32
      %get3A_953 = arith.index_cast %get3A_952 : i32 to index
      %get3A_954 = arith.constant 96 : index
      %get3A_955 = tpu.vector_load %arg7[%get3A_953, %get3A_954] {strides = array<i32>} : memref<16x128xf32, #tpu.memory_space<vmem>>, vector<1x16xf32>,
      %get3A_956 = vector.shape_cast %get3A_955 : vector<1x16xf32> to vector<16xf32>
      %max3A_957 = arith.maximumf %max3A_909, %get3A_956 : vector<16xf32>
      %get3A_958 = arith.constant 10 : i32
      %get3A_959 = arith.index_cast %get3A_958 : i32 to index
      %get3A_960 = arith.constant 112 : index
      %get3A_961 = tpu.vector_load %arg7[%get3A_959, %get3A_960] {strides = array<i32>} : memref<16x128xf32, #tpu.memory_space<vmem>>, vector<1x16xf32>,
      %get3A_962 = vector.shape_cast %get3A_961 : vector<1x16xf32> to vector<16xf32>
      %max3A_963 = arith.maximumf %max3A_915, %get3A_962 : vector<16xf32>
      %get3A_964 = arith.constant 11 : i32
      %get3A_965 = arith.index_cast %get3A_964 : i32 to index
      %get3A_966 = arith.constant 0 : index
      %get3A_967 = tpu.vector_load %arg7[%get3A_965, %get3A_966] {strides = array<i32>} : memref<16x128xf32, #tpu.memory_space<vmem>>, vector<1x16xf32>,
      %get3A_968 = vector.shape_cast %get3A_967 : vector<1x16xf32> to vector<16xf32>
      %max3A_969 = arith.maximumf %max3A_921, %get3A_968 : vector<16xf32>
      %get3A_970 = arith.constant 11 : i32
      %get3A_971 = arith.index_cast %get3A_970 : i32 to index
      %get3A_972 = arith.constant 16 : index
      %get3A_973 = tpu.vector_load %arg7[%get3A_971, %get3A_972] {strides = array<i32>} : memref<16x128xf32, #tpu.memory_space<vmem>>, vector<1x16xf32>,
      %get3A_974 = vector.shape_cast %get3A_973 : vector<1x16xf32> to vector<16xf32>
      %max3A_975 = arith.maximumf %max3A_927, %get3A_974 : vector<16xf32>
      %get3A_976 = arith.constant 11 : i32
      %get3A_977 = arith.index_cast %get3A_976 : i32 to index
      %get3A_978 = arith.constant 32 : index
      %get3A_979 = tpu.vector_load %arg7[%get3A_977, %get3A_978] {strides = array<i32>} : memref<16x128xf32, #tpu.memory_space<vmem>>, vector<1x16xf32>,
      %get3A_980 = vector.shape_cast %get3A_979 : vector<1x16xf32> to vector<16xf32>
      %max3A_981 = arith.maximumf %max3A_933, %get3A_980 : vector<16xf32>
      %get3A_982 = arith.constant 11 : i32
      %get3A_983 = arith.index_cast %get3A_982 : i32 to index
      %get3A_984 = arith.constant 48 : index
      %get3A_985 = tpu.vector_load %arg7[%get3A_983, %get3A_984] {strides = array<i32>} : memref<16x128xf32, #tpu.memory_space<vmem>>, vector<1x16xf32>,
      %get3A_986 = vector.shape_cast %get3A_985 : vector<1x16xf32> to vector<16xf32>
      %max3A_987 = arith.maximumf %max3A_939, %get3A_986 : vector<16xf32>
      %get3A_988 = arith.constant 11 : i32
      %get3A_989 = arith.index_cast %get3A_988 : i32 to index
      %get3A_990 = arith.constant 64 : index
      %get3A_991 = tpu.vector_load %arg7[%get3A_989, %get3A_990] {strides = array<i32>} : memref<16x128xf32, #tpu.memory_space<vmem>>, vector<1x16xf32>,
      %get3A_992 = vector.shape_cast %get3A_991 : vector<1x16xf32> to vector<16xf32>
      %max3A_993 = arith.maximumf %max3A_945, %get3A_992 : vector<16xf32>
      %get3A_994 = arith.constant 11 : i32
      %get3A_995 = arith.index_cast %get3A_994 : i32 to index
      %get3A_996 = arith.constant 80 : index
      %get3A_997 = tpu.vector_load %arg7[%get3A_995, %get3A_996] {strides = array<i32>} : memref<16x128xf32, #tpu.memory_space<vmem>>, vector<1x16xf32>,
      %get3A_998 = vector.shape_cast %get3A_997 : vector<1x16xf32> to vector<16xf32>
      %max3A_999 = arith.maximumf %max3A_951, %get3A_998 : vector<16xf32>
      %get3A_1000 = arith.constant 11 : i32
      %get3A_1001 = arith.index_cast %get3A_1000 : i32 to index
      %get3A_1002 = arith.constant 96 : index
      %get3A_1003 = tpu.vector_load %arg7[%get3A_1001, %get3A_1002] {strides = array<i32>} : memref<16x128xf32, #tpu.memory_space<vmem>>, vector<1x16xf32>,
      %get3A_1004 = vector.shape_cast %get3A_1003 : vector<1x16xf32> to vector<16xf32>
      %max3A_1005 = arith.maximumf %max3A_957, %get3A_1004 : vector<16xf32>
      %get3A_1006 = arith.constant 11 : i32
      %get3A_1007 = arith.index_cast %get3A_1006 : i32 to index
      %get3A_1008 = arith.constant 112 : index
      %get3A_1009 = tpu.vector_load %arg7[%get3A_1007, %get3A_1008] {strides = array<i32>} : memref<16x128xf32, #tpu.memory_space<vmem>>, vector<1x16xf32>,
      %get3A_1010 = vector.shape_cast %get3A_1009 : vector<1x16xf32> to vector<16xf32>
      %max3A_1011 = arith.maximumf %max3A_963, %get3A_1010 : vector<16xf32>
      %get3A_1012 = arith.constant 12 : i32
      %get3A_1013 = arith.index_cast %get3A_1012 : i32 to index
      %get3A_1014 = arith.constant 0 : index
      %get3A_1015 = tpu.vector_load %arg7[%get3A_1013, %get3A_1014] {strides = array<i32>} : memref<16x128xf32, #tpu.memory_space<vmem>>, vector<1x16xf32>,
      %get3A_1016 = vector.shape_cast %get3A_1015 : vector<1x16xf32> to vector<16xf32>
      %max3A_1017 = arith.maximumf %max3A_969, %get3A_1016 : vector<16xf32>
      %get3A_1018 = arith.constant 12 : i32
      %get3A_1019 = arith.index_cast %get3A_1018 : i32 to index
      %get3A_1020 = arith.constant 16 : index
      %get3A_1021 = tpu.vector_load %arg7[%get3A_1019, %get3A_1020] {strides = array<i32>} : memref<16x128xf32, #tpu.memory_space<vmem>>, vector<1x16xf32>,
      %get3A_1022 = vector.shape_cast %get3A_1021 : vector<1x16xf32> to vector<16xf32>
      %max3A_1023 = arith.maximumf %max3A_975, %get3A_1022 : vector<16xf32>
      %get3A_1024 = arith.constant 12 : i32
      %get3A_1025 = arith.index_cast %get3A_1024 : i32 to index
      %get3A_1026 = arith.constant 32 : index
      %get3A_1027 = tpu.vector_load %arg7[%get3A_1025, %get3A_1026] {strides = array<i32>} : memref<16x128xf32, #tpu.memory_space<vmem>>, vector<1x16xf32>,
      %get3A_1028 = vector.shape_cast %get3A_1027 : vector<1x16xf32> to vector<16xf32>
      %max3A_1029 = arith.maximumf %max3A_981, %get3A_1028 : vector<16xf32>
      %get3A_1030 = arith.constant 12 : i32
      %get3A_1031 = arith.index_cast %get3A_1030 : i32 to index
      %get3A_1032 = arith.constant 48 : index
      %get3A_1033 = tpu.vector_load %arg7[%get3A_1031, %get3A_1032] {strides = array<i32>} : memref<16x128xf32, #tpu.memory_space<vmem>>, vector<1x16xf32>,
      %get3A_1034 = vector.shape_cast %get3A_1033 : vector<1x16xf32> to vector<16xf32>
      %max3A_1035 = arith.maximumf %max3A_987, %get3A_1034 : vector<16xf32>
      %get3A_1036 = arith.constant 12 : i32
      %get3A_1037 = arith.index_cast %get3A_1036 : i32 to index
      %get3A_1038 = arith.constant 64 : index
      %get3A_1039 = tpu.vector_load %arg7[%get3A_1037, %get3A_1038] {strides = array<i32>} : memref<16x128xf32, #tpu.memory_space<vmem>>, vector<1x16xf32>,
      %get3A_1040 = vector.shape_cast %get3A_1039 : vector<1x16xf32> to vector<16xf32>
      %max3A_1041 = arith.maximumf %max3A_993, %get3A_1040 : vector<16xf32>
      %get3A_1042 = arith.constant 12 : i32
      %get3A_1043 = arith.index_cast %get3A_1042 : i32 to index
      %get3A_1044 = arith.constant 80 : index
      %get3A_1045 = tpu.vector_load %arg7[%get3A_1043, %get3A_1044] {strides = array<i32>} : memref<16x128xf32, #tpu.memory_space<vmem>>, vector<1x16xf32>,
      %get3A_1046 = vector.shape_cast %get3A_1045 : vector<1x16xf32> to vector<16xf32>
      %max3A_1047 = arith.maximumf %max3A_999, %get3A_1046 : vector<16xf32>
      %get3A_1048 = arith.constant 12 : i32
      %get3A_1049 = arith.index_cast %get3A_1048 : i32 to index
      %get3A_1050 = arith.constant 96 : index
      %get3A_1051 = tpu.vector_load %arg7[%get3A_1049, %get3A_1050] {strides = array<i32>} : memref<16x128xf32, #tpu.memory_space<vmem>>, vector<1x16xf32>,
      %get3A_1052 = vector.shape_cast %get3A_1051 : vector<1x16xf32> to vector<16xf32>
      %max3A_1053 = arith.maximumf %max3A_1005, %get3A_1052 : vector<16xf32>
      %get3A_1054 = arith.constant 12 : i32
      %get3A_1055 = arith.index_cast %get3A_1054 : i32 to index
      %get3A_1056 = arith.constant 112 : index
      %get3A_1057 = tpu.vector_load %arg7[%get3A_1055, %get3A_1056] {strides = array<i32>} : memref<16x128xf32, #tpu.memory_space<vmem>>, vector<1x16xf32>,
      %get3A_1058 = vector.shape_cast %get3A_1057 : vector<1x16xf32> to vector<16xf32>
      %max3A_1059 = arith.maximumf %max3A_1011, %get3A_1058 : vector<16xf32>
      %get3A_1060 = arith.constant 13 : i32
      %get3A_1061 = arith.index_cast %get3A_1060 : i32 to index
      %get3A_1062 = arith.constant 0 : index
      %get3A_1063 = tpu.vector_load %arg7[%get3A_1061, %get3A_1062] {strides = array<i32>} : memref<16x128xf32, #tpu.memory_space<vmem>>, vector<1x16xf32>,
      %get3A_1064 = vector.shape_cast %get3A_1063 : vector<1x16xf32> to vector<16xf32>
      %max3A_1065 = arith.maximumf %max3A_1017, %get3A_1064 : vector<16xf32>
      %get3A_1066 = arith.constant 13 : i32
      %get3A_1067 = arith.index_cast %get3A_1066 : i32 to index
      %get3A_1068 = arith.constant 16 : index
      %get3A_1069 = tpu.vector_load %arg7[%get3A_1067, %get3A_1068] {strides = array<i32>} : memref<16x128xf32, #tpu.memory_space<vmem>>, vector<1x16xf32>,
      %get3A_1070 = vector.shape_cast %get3A_1069 : vector<1x16xf32> to vector<16xf32>
      %max3A_1071 = arith.maximumf %max3A_1023, %get3A_1070 : vector<16xf32>
      %get3A_1072 = arith.constant 13 : i32
      %get3A_1073 = arith.index_cast %get3A_1072 : i32 to index
      %get3A_1074 = arith.constant 32 : index
      %get3A_1075 = tpu.vector_load %arg7[%get3A_1073, %get3A_1074] {strides = array<i32>} : memref<16x128xf32, #tpu.memory_space<vmem>>, vector<1x16xf32>,
      %get3A_1076 = vector.shape_cast %get3A_1075 : vector<1x16xf32> to vector<16xf32>
      %max3A_1077 = arith.maximumf %max3A_1029, %get3A_1076 : vector<16xf32>
      %get3A_1078 = arith.constant 13 : i32
      %get3A_1079 = arith.index_cast %get3A_1078 : i32 to index
      %get3A_1080 = arith.constant 48 : index
      %get3A_1081 = tpu.vector_load %arg7[%get3A_1079, %get3A_1080] {strides = array<i32>} : memref<16x128xf32, #tpu.memory_space<vmem>>, vector<1x16xf32>,
      %get3A_1082 = vector.shape_cast %get3A_1081 : vector<1x16xf32> to vector<16xf32>
      %max3A_1083 = arith.maximumf %max3A_1035, %get3A_1082 : vector<16xf32>
      %get3A_1084 = arith.constant 13 : i32
      %get3A_1085 = arith.index_cast %get3A_1084 : i32 to index
      %get3A_1086 = arith.constant 64 : index
      %get3A_1087 = tpu.vector_load %arg7[%get3A_1085, %get3A_1086] {strides = array<i32>} : memref<16x128xf32, #tpu.memory_space<vmem>>, vector<1x16xf32>,
      %get3A_1088 = vector.shape_cast %get3A_1087 : vector<1x16xf32> to vector<16xf32>
      %max3A_1089 = arith.maximumf %max3A_1041, %get3A_1088 : vector<16xf32>
      %get3A_1090 = arith.constant 13 : i32
      %get3A_1091 = arith.index_cast %get3A_1090 : i32 to index
      %get3A_1092 = arith.constant 80 : index
      %get3A_1093 = tpu.vector_load %arg7[%get3A_1091, %get3A_1092] {strides = array<i32>} : memref<16x128xf32, #tpu.memory_space<vmem>>, vector<1x16xf32>,
      %get3A_1094 = vector.shape_cast %get3A_1093 : vector<1x16xf32> to vector<16xf32>
      %max3A_1095 = arith.maximumf %max3A_1047, %get3A_1094 : vector<16xf32>
      %get3A_1096 = arith.constant 13 : i32
      %get3A_1097 = arith.index_cast %get3A_1096 : i32 to index
      %get3A_1098 = arith.constant 96 : index
      %get3A_1099 = tpu.vector_load %arg7[%get3A_1097, %get3A_1098] {strides = array<i32>} : memref<16x128xf32, #tpu.memory_space<vmem>>, vector<1x16xf32>,
      %get3A_1100 = vector.shape_cast %get3A_1099 : vector<1x16xf32> to vector<16xf32>
      %max3A_1101 = arith.maximumf %max3A_1053, %get3A_1100 : vector<16xf32>
      %get3A_1102 = arith.constant 13 : i32
      %get3A_1103 = arith.index_cast %get3A_1102 : i32 to index
      %get3A_1104 = arith.constant 112 : index
      %get3A_1105 = tpu.vector_load %arg7[%get3A_1103, %get3A_1104] {strides = array<i32>} : memref<16x128xf32, #tpu.memory_space<vmem>>, vector<1x16xf32>,
      %get3A_1106 = vector.shape_cast %get3A_1105 : vector<1x16xf32> to vector<16xf32>
      %max3A_1107 = arith.maximumf %max3A_1059, %get3A_1106 : vector<16xf32>
      %get3A_1108 = arith.constant 14 : i32
      %get3A_1109 = arith.index_cast %get3A_1108 : i32 to index
      %get3A_1110 = arith.constant 0 : index
      %get3A_1111 = tpu.vector_load %arg7[%get3A_1109, %get3A_1110] {strides = array<i32>} : memref<16x128xf32, #tpu.memory_space<vmem>>, vector<1x16xf32>,
      %get3A_1112 = vector.shape_cast %get3A_1111 : vector<1x16xf32> to vector<16xf32>
      %max3A_1113 = arith.maximumf %max3A_1065, %get3A_1112 : vector<16xf32>
      %get3A_1114 = arith.constant 14 : i32
      %get3A_1115 = arith.index_cast %get3A_1114 : i32 to index
      %get3A_1116 = arith.constant 16 : index
      %get3A_1117 = tpu.vector_load %arg7[%get3A_1115, %get3A_1116] {strides = array<i32>} : memref<16x128xf32, #tpu.memory_space<vmem>>, vector<1x16xf32>,
      %get3A_1118 = vector.shape_cast %get3A_1117 : vector<1x16xf32> to vector<16xf32>
      %max3A_1119 = arith.maximumf %max3A_1071, %get3A_1118 : vector<16xf32>
      %get3A_1120 = arith.constant 14 : i32
      %get3A_1121 = arith.index_cast %get3A_1120 : i32 to index
      %get3A_1122 = arith.constant 32 : index
      %get3A_1123 = tpu.vector_load %arg7[%get3A_1121, %get3A_1122] {strides = array<i32>} : memref<16x128xf32, #tpu.memory_space<vmem>>, vector<1x16xf32>,
      %get3A_1124 = vector.shape_cast %get3A_1123 : vector<1x16xf32> to vector<16xf32>
      %max3A_1125 = arith.maximumf %max3A_1077, %get3A_1124 : vector<16xf32>
      %get3A_1126 = arith.constant 14 : i32
      %get3A_1127 = arith.index_cast %get3A_1126 : i32 to index
      %get3A_1128 = arith.constant 48 : index
      %get3A_1129 = tpu.vector_load %arg7[%get3A_1127, %get3A_1128] {strides = array<i32>} : memref<16x128xf32, #tpu.memory_space<vmem>>, vector<1x16xf32>,
      %get3A_1130 = vector.shape_cast %get3A_1129 : vector<1x16xf32> to vector<16xf32>
      %max3A_1131 = arith.maximumf %max3A_1083, %get3A_1130 : vector<16xf32>
      %get3A_1132 = arith.constant 14 : i32
      %get3A_1133 = arith.index_cast %get3A_1132 : i32 to index
      %get3A_1134 = arith.constant 64 : index
      %get3A_1135 = tpu.vector_load %arg7[%get3A_1133, %get3A_1134] {strides = array<i32>} : memref<16x128xf32, #tpu.memory_space<vmem>>, vector<1x16xf32>,
      %get3A_1136 = vector.shape_cast %get3A_1135 : vector<1x16xf32> to vector<16xf32>
      %max3A_1137 = arith.maximumf %max3A_1089, %get3A_1136 : vector<16xf32>
      %get3A_1138 = arith.constant 14 : i32
      %get3A_1139 = arith.index_cast %get3A_1138 : i32 to index
      %get3A_1140 = arith.constant 80 : index
      %get3A_1141 = tpu.vector_load %arg7[%get3A_1139, %get3A_1140] {strides = array<i32>} : memref<16x128xf32, #tpu.memory_space<vmem>>, vector<1x16xf32>,
      %get3A_1142 = vector.shape_cast %get3A_1141 : vector<1x16xf32> to vector<16xf32>
      %max3A_1143 = arith.maximumf %max3A_1095, %get3A_1142 : vector<16xf32>
      %get3A_1144 = arith.constant 14 : i32
      %get3A_1145 = arith.index_cast %get3A_1144 : i32 to index
      %get3A_1146 = arith.constant 96 : index
      %get3A_1147 = tpu.vector_load %arg7[%get3A_1145, %get3A_1146] {strides = array<i32>} : memref<16x128xf32, #tpu.memory_space<vmem>>, vector<1x16xf32>,
      %get3A_1148 = vector.shape_cast %get3A_1147 : vector<1x16xf32> to vector<16xf32>
      %max3A_1149 = arith.maximumf %max3A_1101, %get3A_1148 : vector<16xf32>
      %get3A_1150 = arith.constant 14 : i32
      %get3A_1151 = arith.index_cast %get3A_1150 : i32 to index
      %get3A_1152 = arith.constant 112 : index
      %get3A_1153 = tpu.vector_load %arg7[%get3A_1151, %get3A_1152] {strides = array<i32>} : memref<16x128xf32, #tpu.memory_space<vmem>>, vector<1x16xf32>,
      %get3A_1154 = vector.shape_cast %get3A_1153 : vector<1x16xf32> to vector<16xf32>
      %max3A_1155 = arith.maximumf %max3A_1107, %get3A_1154 : vector<16xf32>
      %get3A_1156 = arith.constant 15 : i32
      %get3A_1157 = arith.index_cast %get3A_1156 : i32 to index
      %get3A_1158 = arith.constant 0 : index
      %get3A_1159 = tpu.vector_load %arg7[%get3A_1157, %get3A_1158] {strides = array<i32>} : memref<16x128xf32, #tpu.memory_space<vmem>>, vector<1x16xf32>,
      %get3A_1160 = vector.shape_cast %get3A_1159 : vector<1x16xf32> to vector<16xf32>
      %max3A_1161 = arith.maximumf %max3A_1113, %get3A_1160 : vector<16xf32>
      %get3A_1162 = arith.constant 15 : i32
      %get3A_1163 = arith.index_cast %get3A_1162 : i32 to index
      %get3A_1164 = arith.constant 16 : index
      %get3A_1165 = tpu.vector_load %arg7[%get3A_1163, %get3A_1164] {strides = array<i32>} : memref<16x128xf32, #tpu.memory_space<vmem>>, vector<1x16xf32>,
      %get3A_1166 = vector.shape_cast %get3A_1165 : vector<1x16xf32> to vector<16xf32>
      %max3A_1167 = arith.maximumf %max3A_1119, %get3A_1166 : vector<16xf32>
      %get3A_1168 = arith.constant 15 : i32
      %get3A_1169 = arith.index_cast %get3A_1168 : i32 to index
      %get3A_1170 = arith.constant 32 : index
      %get3A_1171 = tpu.vector_load %arg7[%get3A_1169, %get3A_1170] {strides = array<i32>} : memref<16x128xf32, #tpu.memory_space<vmem>>, vector<1x16xf32>,
      %get3A_1172 = vector.shape_cast %get3A_1171 : vector<1x16xf32> to vector<16xf32>
      %max3A_1173 = arith.maximumf %max3A_1125, %get3A_1172 : vector<16xf32>
      %get3A_1174 = arith.constant 15 : i32
      %get3A_1175 = arith.index_cast %get3A_1174 : i32 to index
      %get3A_1176 = arith.constant 48 : index
      %get3A_1177 = tpu.vector_load %arg7[%get3A_1175, %get3A_1176] {strides = array<i32>} : memref<16x128xf32, #tpu.memory_space<vmem>>, vector<1x16xf32>,
      %get3A_1178 = vector.shape_cast %get3A_1177 : vector<1x16xf32> to vector<16xf32>
      %max3A_1179 = arith.maximumf %max3A_1131, %get3A_1178 : vector<16xf32>
      %get3A_1180 = arith.constant 15 : i32
      %get3A_1181 = arith.index_cast %get3A_1180 : i32 to index
      %get3A_1182 = arith.constant 64 : index
      %get3A_1183 = tpu.vector_load %arg7[%get3A_1181, %get3A_1182] {strides = array<i32>} : memref<16x128xf32, #tpu.memory_space<vmem>>, vector<1x16xf32>,
      %get3A_1184 = vector.shape_cast %get3A_1183 : vector<1x16xf32> to vector<16xf32>
      %max3A_1185 = arith.maximumf %max3A_1137, %get3A_1184 : vector<16xf32>
      %get3A_1186 = arith.constant 15 : i32
      %get3A_1187 = arith.index_cast %get3A_1186 : i32 to index
      %get3A_1188 = arith.constant 80 : index
      %get3A_1189 = tpu.vector_load %arg7[%get3A_1187, %get3A_1188] {strides = array<i32>} : memref<16x128xf32, #tpu.memory_space<vmem>>, vector<1x16xf32>,
      %get3A_1190 = vector.shape_cast %get3A_1189 : vector<1x16xf32> to vector<16xf32>
      %max3A_1191 = arith.maximumf %max3A_1143, %get3A_1190 : vector<16xf32>
      %get3A_1192 = arith.constant 15 : i32
      %get3A_1193 = arith.index_cast %get3A_1192 : i32 to index
      %get3A_1194 = arith.constant 96 : index
      %get3A_1195 = tpu.vector_load %arg7[%get3A_1193, %get3A_1194] {strides = array<i32>} : memref<16x128xf32, #tpu.memory_space<vmem>>, vector<1x16xf32>,
      %get3A_1196 = vector.shape_cast %get3A_1195 : vector<1x16xf32> to vector<16xf32>
      %max3A_1197 = arith.maximumf %max3A_1149, %get3A_1196 : vector<16xf32>
      %get3A_1198 = arith.constant 15 : i32
      %get3A_1199 = arith.index_cast %get3A_1198 : i32 to index
      %get3A_1200 = arith.constant 112 : index
      %get3A_1201 = tpu.vector_load %arg7[%get3A_1199, %get3A_1200] {strides = array<i32>} : memref<16x128xf32, #tpu.memory_space<vmem>>, vector<1x16xf32>,
      %get3A_1202 = vector.shape_cast %get3A_1201 : vector<1x16xf32> to vector<16xf32>
      %max3A_1203 = arith.maximumf %max3A_1155, %get3A_1202 : vector<16xf32>
      %swap3A_1204 = arith.constant 0 : index
      %swap3A_1205 = tpu.vector_load %arg6[%swap3A_1204] {strides = array<i32>} : memref<128xf32, #tpu.memory_space<vmem>>, vector<16xf32>,
      %swap3A_1206 = vector.shape_cast %swap3A_1205 : vector<16xf32> to vector<16xf32>
      %swap3A_1207 = vector.shape_cast %max3A_1161 : vector<16xf32> to vector<16xf32>
      tpu.vector_store %arg6[%swap3A_1204], %swap3A_1207 {strides = array<i32>} : memref<128xf32, #tpu.memory_space<vmem>>, vector<16xf32>,
      %swap3A_1208 = arith.constant 16 : index
      %swap3A_1209 = tpu.vector_load %arg6[%swap3A_1208] {strides = array<i32>} : memref<128xf32, #tpu.memory_space<vmem>>, vector<16xf32>,
      %swap3A_1210 = vector.shape_cast %swap3A_1209 : vector<16xf32> to vector<16xf32>
      %swap3A_1211 = vector.shape_cast %max3A_1167 : vector<16xf32> to vector<16xf32>
      tpu.vector_store %arg6[%swap3A_1208], %swap3A_1211 {strides = array<i32>} : memref<128xf32, #tpu.memory_space<vmem>>, vector<16xf32>,
      %swap3A_1212 = arith.constant 32 : index
      %swap3A_1213 = tpu.vector_load %arg6[%swap3A_1212] {strides = array<i32>} : memref<128xf32, #tpu.memory_space<vmem>>, vector<16xf32>,
      %swap3A_1214 = vector.shape_cast %swap3A_1213 : vector<16xf32> to vector<16xf32>
      %swap3A_1215 = vector.shape_cast %max3A_1173 : vector<16xf32> to vector<16xf32>
      tpu.vector_store %arg6[%swap3A_1212], %swap3A_1215 {strides = array<i32>} : memref<128xf32, #tpu.memory_space<vmem>>, vector<16xf32>,
      %swap3A_1216 = arith.constant 48 : index
      %swap3A_1217 = tpu.vector_load %arg6[%swap3A_1216] {strides = array<i32>} : memref<128xf32, #tpu.memory_space<vmem>>, vector<16xf32>,
      %swap3A_1218 = vector.shape_cast %swap3A_1217 : vector<16xf32> to vector<16xf32>
      %swap3A_1219 = vector.shape_cast %max3A_1179 : vector<16xf32> to vector<16xf32>
      tpu.vector_store %arg6[%swap3A_1216], %swap3A_1219 {strides = array<i32>} : memref<128xf32, #tpu.memory_space<vmem>>, vector<16xf32>,
      %swap3A_1220 = arith.constant 64 : index
      %swap3A_1221 = tpu.vector_load %arg6[%swap3A_1220] {strides = array<i32>} : memref<128xf32, #tpu.memory_space<vmem>>, vector<16xf32>,
      %swap3A_1222 = vector.shape_cast %swap3A_1221 : vector<16xf32> to vector<16xf32>
      %swap3A_1223 = vector.shape_cast %max3A_1185 : vector<16xf32> to vector<16xf32>
      tpu.vector_store %arg6[%swap3A_1220], %swap3A_1223 {strides = array<i32>} : memref<128xf32, #tpu.memory_space<vmem>>, vector<16xf32>,
      %swap3A_1224 = arith.constant 80 : index
      %swap3A_1225 = tpu.vector_load %arg6[%swap3A_1224] {strides = array<i32>} : memref<128xf32, #tpu.memory_space<vmem>>, vector<16xf32>,
      %swap3A_1226 = vector.shape_cast %swap3A_1225 : vector<16xf32> to vector<16xf32>
      %swap3A_1227 = vector.shape_cast %max3A_1191 : vector<16xf32> to vector<16xf32>
      tpu.vector_store %arg6[%swap3A_1224], %swap3A_1227 {strides = array<i32>} : memref<128xf32, #tpu.memory_space<vmem>>, vector<16xf32>,
      %swap3A_1228 = arith.constant 96 : index
      %swap3A_1229 = tpu.vector_load %arg6[%swap3A_1228] {strides = array<i32>} : memref<128xf32, #tpu.memory_space<vmem>>, vector<16xf32>,
      %swap3A_1230 = vector.shape_cast %swap3A_1229 : vector<16xf32> to vector<16xf32>
      %swap3A_1231 = vector.shape_cast %max3A_1197 : vector<16xf32> to vector<16xf32>
      tpu.vector_store %arg6[%swap3A_1228], %swap3A_1231 {strides = array<i32>} : memref<128xf32, #tpu.memory_space<vmem>>, vector<16xf32>,
      %swap3A_1232 = arith.constant 112 : index
      %swap3A_1233 = tpu.vector_load %arg6[%swap3A_1232] {strides = array<i32>} : memref<128xf32, #tpu.memory_space<vmem>>, vector<16xf32>,
      %swap3A_1234 = vector.shape_cast %swap3A_1233 : vector<16xf32> to vector<16xf32>
      %swap3A_1235 = vector.shape_cast %max3A_1203 : vector<16xf32> to vector<16xf32>
      tpu.vector_store %arg6[%swap3A_1232], %swap3A_1235 {strides = array<i32>} : memref<128xf32, #tpu.memory_space<vmem>>, vector<16xf32>,
      "tpu.region"() ({
        %run_scoped3A = tpu.sem_alloc : memref<!tpu.dma_semaphore, #tpu.memory_space<semaphore_mem>>
        %dma_start3A_1236 = arith.constant 0 : i32
        %dma_start3A_1237 = tpu.memref_slice %arg3[%arg0, %dma_start3A_1236] : memref<2x128xf32, #tpu.memory_space<hbm>> -> memref<1x128xf32, #tpu.memory_space<hbm>>
        %dma_start3A_1238 = tpu.memref_squeeze %dma_start3A_1237 : memref<1x128xf32, #tpu.memory_space<hbm>> -> memref<128xf32, #tpu.memory_space<hbm>>
        %dma_start3A_1239 = arith.constant 0 : i32
        %dma_start3A_1240 = tpu.memref_slice %arg3[%arg0, %dma_start3A_1239] : memref<2x128xf32, #tpu.memory_space<hbm>> -> memref<1x128xf32, #tpu.memory_space<hbm>>
        %dma_start3A_1241 = tpu.memref_squeeze %dma_start3A_1240 : memref<1x128xf32, #tpu.memory_space<hbm>> -> memref<128xf32, #tpu.memory_space<hbm>>
        tpu.enqueue_dma source(%arg6 : memref<128xf32, #tpu.memory_space<vmem>>) target(%dma_start3A_1241 : memref<128xf32, #tpu.memory_space<hbm>>) target_semaphore(%run_scoped3A : memref<!tpu.dma_semaphore, #tpu.memory_space<semaphore_mem>>)
        %dma_wait3A_1242 = arith.constant 0 : i32
        %dma_wait3A_1243 = tpu.memref_slice %arg3[%arg0, %dma_wait3A_1242] : memref<2x128xf32, #tpu.memory_space<hbm>> -> memref<1x128xf32, #tpu.memory_space<hbm>>
        %dma_wait3A_1244 = tpu.memref_squeeze %dma_wait3A_1243 : memref<1x128xf32, #tpu.memory_space<hbm>> -> memref<128xf32, #tpu.memory_space<hbm>>
        %dma_wait3A_1245 = arith.constant 0 : i32
        %dma_wait3A_1246 = tpu.memref_slice %arg3[%arg0, %dma_wait3A_1245] : memref<2x128xf32, #tpu.memory_space<hbm>> -> memref<1x128xf32, #tpu.memory_space<hbm>>
        %dma_wait3A_1247 = tpu.memref_squeeze %dma_wait3A_1246 : memref<1x128xf32, #tpu.memory_space<hbm>> -> memref<128xf32, #tpu.memory_space<hbm>>
        tpu.wait_dma2 semaphore(%run_scoped3A : memref<!tpu.dma_semaphore, #tpu.memory_space<semaphore_mem>>) src(%arg6 : memref<128xf32, #tpu.memory_space<vmem>>) dst(%dma_wait3A_1247 : memref<128xf32, #tpu.memory_space<hbm>>)
        tpu.yield
      }) : () -> ()
    } else {
    }
    return
  }
}

module attributes {stable_mosaic.version = 14 : i64} {
  func.func @_combine_body(%arg0: memref<2x128xf32, #tpu.memory_space<vmem>>, %arg1: memref<1x128xf32, #tpu.memory_space<vmem>>) attributes {dimension_semantics = [], scalar_prefetch = 0 : i64, scratch_operands = 0 : i64, tpu.core_type = #tpu.core_type<tc>} {
    %get3A = arith.constant 0 : index
    %get3A_0 = arith.constant 0 : index
    %get3A_1 = vector.load %arg0[%get3A, %get3A_0] : memref<2x128xf32, #tpu.memory_space<vmem>>, vector<2x128xf32>
    %reduce_max3A = arith.constant dense<0xFF800000> : vector<128xf32>
    %reduce_max3A_2 = vector.multi_reduction <maximumf>, %get3A_1, %reduce_max3A [0] : vector<2x128xf32> to vector<128xf32>
    %broadcast_in_dim3A = vector.shape_cast %reduce_max3A_2 : vector<128xf32> to vector<1x128xf32>
    %swap3A = arith.constant 0 : index
    %swap3A_3 = arith.constant 0 : index
    %swap3A_4 = vector.load %arg1[%swap3A, %swap3A_3] : memref<1x128xf32, #tpu.memory_space<vmem>>, vector<1x128xf32>
    tpu.vector_store %arg1[%swap3A, %swap3A_3], %broadcast_in_dim3A {strides = array<i32>} : memref<1x128xf32, #tpu.memory_space<vmem>>, vector<1x128xf32>,
    return
  }
}

</mosaic_0001>

<sc_bundles>
// kernel: kernel.4.cloned.1.call-start
scs
__scs_entry_jumppad:
0x0: {  	(pc) =	sbr.rel $0x88, $3  }
0x1: {  	(tag) =	ssettag $0x0;
	lr =	simm.s32 $0x1  }
0x2: {  	[smem:$0x3FA0] =	sst lr;
	_ =	strace $0xD0000000  }
0x3: {  	_ = 	snop  }
0x4: {  	_ = 	snop  }
0x5: {  	_ = 	snop  }
0x6: {  	_ = 	snop  }
0x7: {  	_ = 	snop  }
__scs_overlays_trampoline_lowered:
0x8: {  	[smem:$0x3FAF] =	sst s0  }
0x9: {  	[smem:$0x3FB0] =	sst s1  }
0xa: {  	[smem:$0x3FB1] =	sst s2  }
0xb: {  	[smem:$0x3FB2] =	sst s3  }
0xc: {  	[smem:$0x3FB3] =	sst s4  }
0xd: {  	[smem:$0x3FB4] =	sst s5  }
0xe: {  	[smem:$0x3FB5] =	sst s6  }
0xf: {  	[smem:$0x3FB6] =	sst s7  }
0x10: {  	[smem:$0x3FB7] =	sst s8  }
0x11: {  	[smem:$0x3FB8] =	sst s9;
	s0 =	simm.s32 @!p0 $0x0  }
0x12: {  	s1 =	sld [smem:$0x3F9E];
	s0 =	simm.s32 @p0 $0x1  }
0x13: {  	[smem:$0x3FB9] =	sst s0;
	s0 =	simm.s32 @!p1 $0x0  }
0x14: {  	s2 =	sld [smem:$0x3F9D];
	s0 =	simm.s32 @p1 $0x1  }
0x15: {  	[smem:$0x3FBA] =	sst s0;
	s0 =	simm.s32 @!p2 $0x0  }
0x16: {  	s3 =	sld [smem:$0x3FDB];
	s0 =	simm.s32 @p2 $0x1  }
0x17: {  	s4 =	simm.s32 $0x1BF5;
	[smem:$0x3FBC] =	sst s0  }
0x18: {  	s0 =	sld [smem:$0x3F9F];
	_ =	swait.ge [sflag:s4], $0x0  }
0x19: {  	s7 =	sld [smem:$0x3FA0]  }
0x1a: {  	s8 =	sadd.s32 $0xFFFFE003, lr  }
0x1b: {  	s9 =	sadd.s32 $0xFFFFFEF7, lr;
	s5 =	simm.s32 $0xFFFFFFFF;
	p2 =	slt.u32 s8, $0xFFFFF086  }
0x1c: {  	p1 =	slt.u32 s9, $0xF7A;
	s5 =	simm.s32 @!p2 $0x0  }
0x1d: {  	s5 =	simm.s32 @p1 $0x1;
	p0 =	seq.s32 s7, s2  }
0x1e: {  	s7 =	smul.u32 @!p0 $0xF7A, s2;
	p2 =	seq.s32 @!p0 s5, $0x0  }
0x1f: {  	s9 =	smul.u32 $0xF7A, s1;
	s8 =	simm.s32 @!p0 $0x1BF5;
	p2 =	por !p2, p0  }
0x20: {  	[sflag:s8] =	ssyncset.s32 @!p0 $0xFFFFF086;
	s6 =	sadd.s32 @!p0 s3, s7;
	s7 =	simm.s32 @!p0 $0x108  }
0x21: {  	s3 =	sadd.s32 s3, s9;
	s6 =	sadd.s32 @!p0 $0x88, s6;
	s7 =	simm.s32 @p2 $0x1082  }
0x22: {  	[simem:s7], [sflag:s8] =	dma.local @!p0 [hbm:s6], $0xF7A  }
0x23: {  	s9 =	sor.u32 $0xD0000000, s2;
	s6 =	simm.s32 $0x108;
	_ =	swait.ge @!p0 [sflag:s8], $0x0  }
0x24: {  	s3 =	sadd.s32 $0x88, s3;
	s6 =	simm.s32 @!p1 $0x1082;
	[sflag:s4] =	ssyncset.s32 $0xFFFFF086  }
0x25: {  	[simem:s6], [sflag:s4] =	dma.local [hbm:s3], $0xF7A  }
0x26: {  	[smem:$0x3FA0] =	sst s1;
	(tag) =	ssettag s2;
	_ =	strace s9  }
0x27: {  	s1 =	sld [smem:$0x3FB0]  }
0x28: {  	s2 =	sld [smem:$0x3FB1]  }
0x29: {  	s4 =	sld [smem:$0x3FB3]  }
0x2a: {  	p0 =	seq.s32 s5, $0x0;
	s5 =	sld [smem:$0x3FB4]  }
0x2b: {  	s6 =	sld [smem:$0x3FB5]  }
0x2c: {  	s7 =	sld [smem:$0x3FB6]  }
0x2d: {  	s3 =	simm.s32 $0x108;
	s8 =	sld [smem:$0x3FB7]  }
0x2e: {  	s3 =	simm.s32 @!p0 $0x1082;
	s9 =	sld [smem:$0x3FB8]  }
0x2f: {  	lr =	sadd.s32 s0, s3;
	s0 =	sld [smem:$0x3FAF]  }
0x30: {  	s3 =	sld [smem:$0x3FB2]  }
0x31: {  	[smem:$0x3FBB] =	sst s10  }
0x32: {  	s10 =	sld [smem:$0x3FB9];
	_ =	sdelay $0x3  }
0x33: {  	p0 =	seq.s32 s10, $0x1;
	s10 =	sld [smem:$0x3FBB];
	_ =	sdelay $0x3  }
0x34: {  	[smem:$0x3FBB] =	sst s10  }
0x35: {  	s10 =	sld [smem:$0x3FBA];
	_ =	sdelay $0x3  }
0x36: {  	p1 =	seq.s32 s10, $0x1;
	s10 =	sld [smem:$0x3FBB];
	_ =	sdelay $0x3  }
0x37: {  	[smem:$0x3FBB] =	sst s10  }
0x38: {  	s10 =	sld [smem:$0x3FBC]  }
0x39: {  	_ = 	snop;
	(pc) =	sbr.ind lr, $3  }
0x3a: {  	_ = 	snop  }
0x3b: {  	_ = 	snop  }
0x3c: {  	p2 =	seq.s32 s10, $0x1;
	s10 =	sld [smem:$0x3FBB]  }
0x3d: {  	_ =	shalt  }
0x3e: {  	_ =	shalt  }
0x3f: {  	_ =	shalt  }
0x40: {  	_ =	shalt  }
0x41: {  	_ =	shalt  }
0x42: {  	_ =	shalt  }
0x43: {  	_ =	shalt  }
0x44: {  	_ =	shalt  }
0x45: {  	_ =	shalt  }
0x46: {  	_ =	shalt  }
0x47: {  	_ =	shalt  }
0x48: {  	_ =	shalt  }
0x49: {  	_ =	shalt  }
0x4a: {  	_ =	shalt  }
0x4b: {  	_ =	shalt  }
0x4c: {  	_ =	shalt  }
0x4d: {  	_ =	shalt  }
0x4e: {  	_ =	shalt  }
0x4f: {  	_ =	shalt  }
0x50: {  	_ =	shalt  }
0x51: {  	_ =	shalt  }
0x52: {  	_ =	shalt  }
0x53: {  	_ =	shalt  }
0x54: {  	_ =	shalt  }
0x55: {  	_ =	shalt  }
0x56: {  	_ =	shalt  }
0x57: {  	_ =	shalt  }
0x58: {  	_ =	shalt  }
0x59: {  	_ =	shalt  }
0x5a: {  	_ =	shalt  }
0x5b: {  	_ =	shalt  }
0x5c: {  	_ =	shalt  }
0x5d: {  	_ =	shalt  }
0x5e: {  	_ =	shalt  }
0x5f: {  	_ =	shalt  }
0x60: {  	_ =	shalt  }
0x61: {  	_ =	shalt  }
0x62: {  	_ =	shalt  }
0x63: {  	_ =	shalt  }
0x64: {  	_ =	shalt  }
0x65: {  	_ =	shalt  }
0x66: {  	_ =	shalt  }
0x67: {  	_ =	shalt  }
0x68: {  	_ =	shalt  }
0x69: {  	_ =	shalt  }
0x6a: {  	_ =	shalt  }
0x6b: {  	_ =	shalt  }
0x6c: {  	_ =	shalt  }
0x6d: {  	_ =	shalt  }
0x6e: {  	_ =	shalt  }
0x6f: {  	_ =	shalt  }
0x70: {  	_ =	shalt  }
0x71: {  	_ =	shalt  }
0x72: {  	_ =	shalt  }
0x73: {  	_ =	shalt  }
0x74: {  	_ =	shalt  }
0x75: {  	_ =	shalt  }
0x76: {  	_ =	shalt  }
0x77: {  	_ =	shalt  }
0x78: {  	_ =	shalt  }
0x79: {  	_ =	shalt  }
0x7a: {  	_ =	shalt  }
0x7b: {  	_ =	shalt  }
0x7c: {  	_ =	shalt  }
0x7d: {  	_ =	shalt  }
0x7e: {  	_ =	shalt  }
0x7f: {  	_ =	shalt  }
0x80: {  	_ =	shalt  }
0x81: {  	_ =	shalt  }
0x82: {  	_ =	shalt  }
0x83: {  	_ =	shalt  }
0x84: {  	_ =	shalt  }
0x85: {  	_ =	shalt  }
0x86: {  	_ =	shalt  }
0x87: {  	_ =	shalt  }
.Lfunc_end0:
.L_simem_size_0:
called_computation_lowered:
.L_overlay_start_0:
0x88: {  	s2 =	sld [smem:$0x3FD9]  }
0x89: {  	s3 =	sld [smem:$0x3FFE];
	_ =	sdelay $0x1  }
0x8a: {  	s1 =	srdreg.scid  }
0x8b: {  	s0 =	sand.u32 $0x1, s1  }
0x8c: {  	s17 =	sshll.u32 s0, $0xA;
	s2 =	sadd.s32 s3, s2  }
0x8d: {  	s2 =	sadd.s32 s2, s17  }
0x8e: {  	[smem:$0x3FC7] =	sst s2  }
0x8f: {  	_ = 	snop  }
0x90: {  	s2 =	sld [smem:$0x3FC9];
	(tm) =	ssettm $0x1  }
0x91: {  	s18 =	sld [smem:$0x3FFB];
	_ =	sdelay $0x3  }
0x92: {  	_ =	strace s18  }
0x93: {  	s3 =	sld [smem:$0x3FFC];
	_ =	sdelay $0x3  }
0x94: {  	_ =	strace s3  }
0x95: {  	s3 =	sld [smem:$0x3FFD];
	_ =	sdelay $0x3  }
0x96: {  	_ =	strace s3  }
0x97: {  	_ =	strace $0x8FFFFFFF  }
0x98: {  	s19 =	sld [smem:$0x3FDB];
	_ =	sdelay $0x1  }
0x99: {  	s4 =	simm.s32 $_scs_section_size  }
0x9a: {  	s5 =	simm.s32 $_size__tile_overlayer_lowered;
	s6 =	simm.s32 $_tile_overlayer_lowered  }
0x9b: {  	s22 =	simm.s32 $0x1BFF;
	s21 =	sshll.u32 s6, $0x1;
	s3 =	sadd.s32 s4, s19  }
0x9c: {  	s7 =	simm.s32 $0x0;
	s20 =	sshll.u32 s5, $0x1;
	s5 =	sadd.s32 s21, s3  }
0x9d: {  	[timem:s7], [sflag:s22] =	dma.local [hbm:s5], s20  }
0x9e: {  	_ =	swait.ge [sflag:s22], s20  }
0x9f: {  	s4 =	ssub.s32 $0x0, s20;
	[sflag:s22] =	ssyncset.done $0x0  }
0xa0: {  	[sflag:s22] =	ssyncadd.s32 s4;
	_ =	sdelay $0x1  }
0xa1: {  	s23 =	simm.s32 $0x1B8B  }
0xa2: {  	_ =	swait.ge [sflag:s23], $0x1  }
0xa3: {  	[sflag:s23] =	ssyncset.done $0x0  }
0xa4: {  	s25 =	simm.s32 $0x1B8E;
	s24 =	sld [smem:$0x3FFE];
	[sflag:s23] =	ssyncadd.s32 $0xFFFFFFFF  }
0xa5: {  	s26 =	simm.s32 $execute0_lowered;
	[smem:$0x3FD2] =	sst s25  }
0xa6: {  	s5 =	sshll.u32 s26, $0x1;
	_ =	strace $0x80000046;
	[dreg:$0x1] =	wrdreg $0xFFFFFFFF  }
0xa7: {  	s28 =	simm.s32 $_size_execute0_lowered;
	s3 =	sadd.s32 s3, s5;
	[dreg:$0x0] =	wrdreg $0x0  }
0xa8: {  	s5 =	sshll.u32 s28, $0x1;
	[dreg:$0x2] =	wrdreg s3  }
0xa9: {  	[dreg:$0x3] =	wrdreg s5  }
0xaa: {  	[dreg:$0x4] =	wrdreg $0xC0  }
0xab: {  	_ =	task [dreg:s7], $0x5FFFF  }
0xac: {  	[dreg:$0x1] =	wrdreg $0xFFFFFFFF  }
0xad: {  	[dreg:$0x0] =	wrdreg $0x60  }
0xae: {  	[dreg:$0x2] =	wrdreg s2  }
0xaf: {  	[dreg:$0x3] =	wrdreg s24  }
0xb0: {  	[dreg:$0x4] =	wrdreg $0x198800  }
0xb1: {  	[dreg:$0x5] =	wrdreg $0x9  }
0xb2: {  	_ =	task.clear_ibuf [dreg:s7], $0x6FFFF;
	_ =	strace $0x90000046  }
0xb3: {  	s29 =	simm.s32 $0x9;
	_ =	strace $0x80000048  }
0xb4: {  	_ =	swait.ge [sflag:s29], $0x1  }
0xb5: {  	[sflag:s29] =	ssyncadd.s32 $0xFFFFFFFF  }
0xb6: {  	_ =	strace $0x90000048  }
0xb7: {  	_ =	sfence  }
0xb8: {  	s30 =	sld [smem:$0x0];
	_ =	sdelay $0x2  }
0xb9: {  	s31 =	sshll.u32 s1, $0xD;
	s1 =	sshrl.u32 s1, $0x2  }
0xba: {  	s3 =	sand.u32 $0x4000, s31;
	s1 =	sadd.s32 s1, s30  }
0xbb: {  	s0 =	sor.u32 s3, s0;
	s1 =	sshll.u32 s1, $0x11  }
0xbc: {  	s0 =	sor.u32 s1, s0  }
0xbd: {  	s0 =	sadd.s32 $0x8F2B, s0  }
0xbe: {  	[sflag:s0] =	ssyncadd.remote.s32 $0x1  }
0xbf: {  	_ =	sfence.sel $0xFFFF  }
0xc0: {  	[dreg:$0x0] =	wrdreg $0xFFFFFFFF;
	(pc) =	sbr.abs _section_cstart, $3  }
0xc1: {  	[dreg:$0x1] =	wrdreg $0xFFFFFFFF  }
0xc2: {  	_ =	task.clear_ibuf [dreg:s7], $0x2FFFF;
	_ =	strace $0x9FFFFFFF  }
0xc3: {  	(tm) =	ssettm $0x7FFFFFFF  }
tec
execute0_lowered:
.L_overlay_start_1:
0x0: {  	(tag) =	ssettag $0x1  }
0x1: {  	s0 =	rddreg [dreg:$0x0]  }
0x2: {  	s1 =	rddreg [dreg:$0x1]  }
0x3: {  	s29 =	rddreg [dreg:$0x2]  }
0x4: {  	s3 =	srdreg.scid;
	s4 =	stileid.u32  }
0x5: {  	s2 =	simm.s32 $0x0;
	s30 =	simm.s32 $0x2;
	s3 =	sand.u32 $0x1, s3  }
0x6: {  	s5 =	sshll.u32 s4, $0x1;
	[smem:$0x7FF] =	sst s2;
	p0 =	sne.s32 s4, $0x0  }
0x7: {  	s4 =	sshll.u32 s4, $0x7;
	s5 =	sor.u32 s3, s5;
	_ =	strace $0x80000047  }
0x8: {  	s7 =	sshll.u32 s3, $0x4;
	s3 =	ssub.s32 $0x2, s3;
	s29 =	sadd.s32 s4, s29  }
0x9: {  	s4 =	simm.s32 $0x0;
	s6 =	smul.u32 $0x138800, s5;
	s23 =	sshrl.u32 s3, $0x1  }
0xa: {  	s5 =	smul.u32 $0x27100, s5;
	s1 =	sadd.s32 s7, s1;
	s3 =	ssub.s32 s3, s23  }
0xb: {  	s7 =	sadd.s32 $0x600, s1;
	s1 =	simm.s32 $0x1;
	s6 =	sshrl.u32 s6, $0x3  }
0xc: {  	s5 =	sadd.s32 s0, s5;
	[dreg:$0x9] =	wrdreg s7;
	s31 =	smax.u32 s3, $0x1  }
0xd: {  	s3 =	simm.s32 $0x3;
	[dreg:$0x4] =	wrdreg s5;
	s0 =	sadd.s32 s0, s6  }
0xe: {  	s24 =	sadd.s32 $0x1900, s0;
	s25 =	sadd.s32 $0x3200, s0;
	s26 =	sadd.s32 $0x4B00, s0  }
0xf: {  	s6 =	sadd.s32 $0x6400, s0;
	s8 =	sadd.s32 $0x7D00, s0;
	s9 =	sadd.s32 $0x9600, s0  }
0x10: {  	s10 =	sadd.s32 $0xAF00, s0;
	s11 =	sadd.s32 $0xC800, s0;
	s12 =	sadd.s32 $0xE100, s0  }
0x11: {  	s13 =	sadd.s32 $0xFA00, s0;
	s14 =	sadd.s32 $0x11300, s0;
	s15 =	sadd.s32 $0x12C00, s0  }
0x12: {  	s16 =	sadd.s32 $0x14500, s0;
	s17 =	sadd.s32 $0x15E00, s0;
	s18 =	sadd.s32 $0x17700, s0  }
.Ltmp0:
0x13: {  	s19 =	sadd.s32 $0x19000, s0;
	[dreg:$0x5] =	wrdreg s24;
	(pc) =	sbr.rel .LBB2_1-.Ltmp0, $4  }
0x14: {  	s20 =	sadd.s32 $0x1A900, s0;
	s21 =	sadd.s32 $0x1C200, s0;
	[dreg:$0x6] =	wrdreg s25  }
0x15: {  	s22 =	sadd.s32 $0x1DB00, s0;
	s23 =	sadd.s32 $0x1F400, s0;
	[dreg:$0x7] =	wrdreg s26  }
0x16: {  	s28 =	sadd.s32 $0x25800, s0;
	[dreg:$0x8] =	wrdreg s6;
	s24 =	sadd.s32 $0x20D00, s0  }
0x17: {  	s25 =	sadd.s32 $0x22600, s0;
	s26 =	sadd.s32 $0x23F00, s0;
	s0 =	simm.s32 $0xC800  }
.LBB2_53:
0x18: {  	s4 =	sadd.s32 $0x1, s4  }
0x19: {  	p1 =	sne.s32 s4, s31  }
.Ltmp1:
0x1a: {  	_ = 	snop;
	(pc) =	sbr.rel @!p1 .LBB2_54-.Ltmp1, $1  }
0x1b: {  	_ =	sdelay $0x3  }
.LBB2_1:
0x1c: {  	s5 =	rddreg [dreg:$0x4]  }
0x1d: {  	[tilespmem:s2], [sflag:$0x1] =	stream.linear.gather [hbm4b:s5+s2], $0xC800, $0x38;
	[tilespmem:$0x19900] =	vst v63  }
0x1e: {  	s7 =	rddreg [dreg:$0x5]  }
0x1f: {  	[tilespmem:s0], [sflag:$0x2] =	stream.linear.gather [hbm4b:s7+s2], $0xC800, $0x38;
	[tilespmem:$0x19900] =	vst v63  }
0x20: {  	_ =	swait.ge [sflag:s1], $0xC800  }
0x21: {  	[sflag:s1] =	ssyncset.done $0x0  }
0x22: {  	s7 =	simm.s32 $0x0;
	[sflag:s1] =	ssyncadd.s32 $0xFFFF3800  }
0x23: {  	v0 =	vld [tilespmem:s7+$0x70]  }
0x24: {  	v1 =	vld [tilespmem:s7+$0x0]  }
0x25: {  	v2 =	vld [tilespmem:s7+$0x10]  }
0x26: {  	v5 =	vld [tilespmem:s7+$0x20]  }
0x27: {  	v6 =	vld [tilespmem:s7+$0x30]  }
0x28: {  	v3 =	vimm.f32 $-Inf;
	v4 =	vimm.f32 $-Inf;
	v7 =	vld [tilespmem:s7+$0x40]  }
0x29: {  	v8 =	vimm.f32 $-Inf;
	v10 =	vimm.f32 $-Inf;
	v9 =	vimm.f32 $-Inf;
	v11 =	vld [tilespmem:s7+$0x50]  }
0x2a: {  	s6 =	simm.s32 $0x400;
	s5 =	simm.s32 $0x80;
	v12 =	vld [tilespmem:s7+$0x60];
	v0 =	vmax.f32 v3, v0;
	v1 =	vmax.f32 v3, v1;
	v2 =	vmax.f32 v3, v2  }
.LBB2_2:
0x2b: {  	p1 =	sne.s32 s6, $0x31E00;
	v13 =	vld [tilespmem:s5+$0x70];
	v3 =	vmax.f32 v3, v5  }
0x2c: {  	v14 =	vld [tilespmem:s5+$0x0];
	v4 =	vmax.f32 v4, v6  }
0x2d: {  	v15 =	vld [tilespmem:s5+$0x10];
	v8 =	vmax.f32 v8, v7  }
.Ltmp2:
0x2e: {  	v5 =	vld [tilespmem:s5+$0x20];
	v10 =	vmax.f32 v10, v11;
	(pc) =	sbr.rel @p1 .LBB2_2-.Ltmp2, $4  }
0x2f: {  	v6 =	vld [tilespmem:s5+$0x30];
	v9 =	vmax.f32 v9, v12  }
0x30: {  	v7 =	vld [tilespmem:s5+$0x40];
	v0 =	vmax.f32 v0, v13  }
0x31: {  	v1 =	vmax.f32 v1, v14;
	v11 =	vld [tilespmem:s5+$0x50]  }
0x32: {  	v2 =	vmax.f32 v2, v15;
	v12 =	vld [tilespmem:s5+$0x60];
	s5 =	sshra.s32 s6, $0x2;
	s6 =	sadd.s32 $0x200, s6  }
0x33: {  	v13 =	vld [tilespmem:s5+$0x70]  }
0x34: {  	v14 =	vld [tilespmem:s5+$0x0]  }
0x35: {  	v15 =	vld [tilespmem:s5+$0x10]  }
0x36: {  	v16 =	vld [tilespmem:s5+$0x20]  }
0x37: {  	v17 =	vld [tilespmem:s5+$0x30]  }
0x38: {  	v18 =	vld [tilespmem:s5+$0x40]  }
0x39: {  	v19 =	vld [tilespmem:s5+$0x50];
	s7 =	simm.s32 $0x0;
	s6 =	rddreg [dreg:$0x6]  }
0x3a: {  	v20 =	vld [tilespmem:s5+$0x60];
	[tilespmem:s7], [sflag:$0x1] =	stream.linear.gather [hbm4b:s6+s7], $0xC800, $0x38  }
0x3b: {  	_ =	swait.ge [sflag:s30], $0xC800  }
0x3c: {  	[sflag:s30] =	ssyncset.done $0x0  }
0x3d: {  	s7 =	simm.s32 $0x0;
	[sflag:s30] =	ssyncadd.s32 $0xFFFF3800  }
0x3e: {  	v21 =	vld [tilespmem:s7+$0xC870]  }
0x3f: {  	v22 =	vld [tilespmem:s7+$0xC800]  }
0x40: {  	v3 =	vmax.f32 v3, v5;
	v23 =	vld [tilespmem:s7+$0xC810]  }
0x41: {  	v4 =	vmax.f32 v4, v6;
	v5 =	vmax.f32 v8, v7;
	v6 =	vmax.f32 v10, v11;
	v8 =	vld [tilespmem:s7+$0xC820]  }
0x42: {  	v7 =	vmax.f32 v9, v12;
	v12 =	vmax.f32 v0, v13;
	v13 =	vmax.f32 v1, v14;
	v9 =	vld [tilespmem:s7+$0xC830]  }
0x43: {  	v14 =	vmax.f32 v2, v15;
	v2 =	vmax.f32 v3, v16;
	v0 =	vmax.f32 v4, v17;
	v10 =	vld [tilespmem:s7+$0xC840]  }
0x44: {  	v3 =	vmax.f32 v5, v18;
	v4 =	vmax.f32 v6, v19;
	v1 =	vmax.f32 v7, v20;
	v11 =	vld [tilespmem:s7+$0xC850]  }
0x45: {  	s5 =	simm.s32 $0x80;
	s6 =	simm.s32 $0x400;
	v5 =	vmax.f32 v12, v21;
	v6 =	vmax.f32 v13, v22;
	v7 =	vmax.f32 v14, v23;
	v12 =	vld [tilespmem:s7+$0xC860]  }
.LBB2_4:
0x46: {  	p1 =	sne.s32 s6, $0x31E00;
	v13 =	vld [tilespmem:s5+$0xC870];
	v2 =	vmax.f32 v2, v8  }
0x47: {  	v14 =	vld [tilespmem:s5+$0xC800];
	v0 =	vmax.f32 v0, v9  }
0x48: {  	v15 =	vld [tilespmem:s5+$0xC810];
	v3 =	vmax.f32 v3, v10  }
.Ltmp3:
0x49: {  	v8 =	vld [tilespmem:s5+$0xC820];
	v4 =	vmax.f32 v4, v11;
	(pc) =	sbr.rel @p1 .LBB2_4-.Ltmp3, $4  }
0x4a: {  	v9 =	vld [tilespmem:s5+$0xC830];
	v1 =	vmax.f32 v1, v12  }
0x4b: {  	v10 =	vld [tilespmem:s5+$0xC840];
	v5 =	vmax.f32 v5, v13  }
0x4c: {  	v6 =	vmax.f32 v6, v14;
	v11 =	vld [tilespmem:s5+$0xC850]  }
0x4d: {  	v7 =	vmax.f32 v7, v15;
	v12 =	vld [tilespmem:s5+$0xC860];
	s5 =	sshra.s32 s6, $0x2;
	s6 =	sadd.s32 $0x200, s6  }
0x4e: {  	v13 =	vld [tilespmem:s5+$0xC870]  }
0x4f: {  	v14 =	vld [tilespmem:s5+$0xC800]  }
0x50: {  	v15 =	vld [tilespmem:s5+$0xC810]  }
0x51: {  	v16 =	vld [tilespmem:s5+$0xC820]  }
0x52: {  	v17 =	vld [tilespmem:s5+$0xC830]  }
0x53: {  	v18 =	vld [tilespmem:s5+$0xC840]  }
0x54: {  	v19 =	vld [tilespmem:s5+$0xC850];
	s7 =	simm.s32 $0x0;
	s6 =	rddreg [dreg:$0x7]  }
0x55: {  	v20 =	vld [tilespmem:s5+$0xC860];
	[tilespmem:s0], [sflag:$0x2] =	stream.linear.gather [hbm4b:s6+s7], $0xC800, $0x38  }
0x56: {  	_ =	swait.ge [sflag:s1], $0xC800  }
0x57: {  	[sflag:s1] =	ssyncset.done $0x0  }
0x58: {  	s7 =	simm.s32 $0x0;
	[sflag:s1] =	ssyncadd.s32 $0xFFFF3800  }
0x59: {  	v21 =	vld [tilespmem:s7+$0x70]  }
0x5a: {  	v22 =	vld [tilespmem:s7+$0x0]  }
0x5b: {  	v2 =	vmax.f32 v2, v8;
	v23 =	vld [tilespmem:s7+$0x10]  }
0x5c: {  	v0 =	vmax.f32 v0, v9;
	v3 =	vmax.f32 v3, v10;
	v4 =	vmax.f32 v4, v11;
	v8 =	vld [tilespmem:s7+$0x20]  }
0x5d: {  	v1 =	vmax.f32 v1, v12;
	v5 =	vmax.f32 v5, v13;
	v6 =	vmax.f32 v6, v14;
	v9 =	vld [tilespmem:s7+$0x30]  }
0x5e: {  	v7 =	vmax.f32 v7, v15;
	v2 =	vmax.f32 v2, v16;
	v0 =	vmax.f32 v0, v17;
	v10 =	vld [tilespmem:s7+$0x40]  }
0x5f: {  	v3 =	vmax.f32 v3, v18;
	v4 =	vmax.f32 v4, v19;
	v1 =	vmax.f32 v1, v20;
	v11 =	vld [tilespmem:s7+$0x50]  }
0x60: {  	s5 =	simm.s32 $0x80;
	s6 =	simm.s32 $0x400;
	v12 =	vld [tilespmem:s7+$0x60];
	v5 =	vmax.f32 v5, v21;
	v6 =	vmax.f32 v6, v22;
	v7 =	vmax.f32 v7, v23  }
.LBB2_6:
0x61: {  	p1 =	sne.s32 s6, $0x31E00;
	v13 =	vld [tilespmem:s5+$0x70];
	v2 =	vmax.f32 v2, v8  }
0x62: {  	v14 =	vld [tilespmem:s5+$0x0];
	v0 =	vmax.f32 v0, v9  }
0x63: {  	v15 =	vld [tilespmem:s5+$0x10];
	v3 =	vmax.f32 v3, v10  }
.Ltmp4:
0x64: {  	v8 =	vld [tilespmem:s5+$0x20];
	v4 =	vmax.f32 v4, v11;
	(pc) =	sbr.rel @p1 .LBB2_6-.Ltmp4, $4  }
0x65: {  	v9 =	vld [tilespmem:s5+$0x30];
	v1 =	vmax.f32 v1, v12  }
0x66: {  	v10 =	vld [tilespmem:s5+$0x40];
	v5 =	vmax.f32 v5, v13  }
0x67: {  	v6 =	vmax.f32 v6, v14;
	v11 =	vld [tilespmem:s5+$0x50]  }
0x68: {  	v7 =	vmax.f32 v7, v15;
	v12 =	vld [tilespmem:s5+$0x60];
	s5 =	sshra.s32 s6, $0x2;
	s6 =	sadd.s32 $0x200, s6  }
0x69: {  	v13 =	vld [tilespmem:s5+$0x70]  }
0x6a: {  	v14 =	vld [tilespmem:s5+$0x0]  }
0x6b: {  	v15 =	vld [tilespmem:s5+$0x10]  }
0x6c: {  	v16 =	vld [tilespmem:s5+$0x20]  }
0x6d: {  	v17 =	vld [tilespmem:s5+$0x30]  }
0x6e: {  	v18 =	vld [tilespmem:s5+$0x40]  }
0x6f: {  	v19 =	vld [tilespmem:s5+$0x50];
	s7 =	simm.s32 $0x0;
	s6 =	rddreg [dreg:$0x8]  }
0x70: {  	v20 =	vld [tilespmem:s5+$0x60];
	[tilespmem:s7], [sflag:$0x1] =	stream.linear.gather [hbm4b:s6+s7], $0xC800, $0x38  }
0x71: {  	_ =	swait.ge [sflag:s30], $0xC800  }
0x72: {  	[sflag:s30] =	ssyncset.done $0x0  }
0x73: {  	s7 =	simm.s32 $0x0;
	[sflag:s30] =	ssyncadd.s32 $0xFFFF3800  }
0x74: {  	v21 =	vld [tilespmem:s7+$0xC870]  }
0x75: {  	v22 =	vld [tilespmem:s7+$0xC800]  }
0x76: {  	v2 =	vmax.f32 v2, v8;
	v23 =	vld [tilespmem:s7+$0xC810]  }
0x77: {  	v0 =	vmax.f32 v0, v9;
	v3 =	vmax.f32 v3, v10;
	v4 =	vmax.f32 v4, v11;
	v8 =	vld [tilespmem:s7+$0xC820]  }
0x78: {  	v1 =	vmax.f32 v1, v12;
	v5 =	vmax.f32 v5, v13;
	v6 =	vmax.f32 v6, v14;
	v9 =	vld [tilespmem:s7+$0xC830]  }
0x79: {  	v7 =	vmax.f32 v7, v15;
	v2 =	vmax.f32 v2, v16;
	v0 =	vmax.f32 v0, v17;
	v10 =	vld [tilespmem:s7+$0xC840]  }
0x7a: {  	v3 =	vmax.f32 v3, v18;
	v4 =	vmax.f32 v4, v19;
	v1 =	vmax.f32 v1, v20;
	v11 =	vld [tilespmem:s7+$0xC850]  }
0x7b: {  	s5 =	simm.s32 $0x80;
	s6 =	simm.s32 $0x400;
	v12 =	vld [tilespmem:s7+$0xC860];
	v5 =	vmax.f32 v5, v21;
	v6 =	vmax.f32 v6, v22;
	v7 =	vmax.f32 v7, v23  }
.LBB2_8:
0x7c: {  	p1 =	sne.s32 s6, $0x31E00;
	v13 =	vld [tilespmem:s5+$0xC870];
	v2 =	vmax.f32 v2, v8  }
0x7d: {  	v14 =	vld [tilespmem:s5+$0xC800];
	v0 =	vmax.f32 v0, v9  }
0x7e: {  	v15 =	vld [tilespmem:s5+$0xC810];
	v3 =	vmax.f32 v3, v10  }
.Ltmp5:
0x7f: {  	v8 =	vld [tilespmem:s5+$0xC820];
	v4 =	vmax.f32 v4, v11;
	(pc) =	sbr.rel @p1 .LBB2_8-.Ltmp5, $4  }
0x80: {  	v9 =	vld [tilespmem:s5+$0xC830];
	v1 =	vmax.f32 v1, v12  }
0x81: {  	v10 =	vld [tilespmem:s5+$0xC840];
	v5 =	vmax.f32 v5, v13  }
0x82: {  	v6 =	vmax.f32 v6, v14;
	v11 =	vld [tilespmem:s5+$0xC850]  }
0x83: {  	v7 =	vmax.f32 v7, v15;
	v12 =	vld [tilespmem:s5+$0xC860];
	s5 =	sshra.s32 s6, $0x2;
	s6 =	sadd.s32 $0x200, s6  }
0x84: {  	v13 =	vld [tilespmem:s5+$0xC870]  }
0x85: {  	v14 =	vld [tilespmem:s5+$0xC800]  }
0x86: {  	v15 =	vld [tilespmem:s5+$0xC810]  }
0x87: {  	v16 =	vld [tilespmem:s5+$0xC820]  }
0x88: {  	v17 =	vld [tilespmem:s5+$0xC830]  }
0x89: {  	v18 =	vld [tilespmem:s5+$0xC840]  }
0x8a: {  	v19 =	vld [tilespmem:s5+$0xC850];
	s7 =	simm.s32 $0x0  }
0x8b: {  	v20 =	vld [tilespmem:s5+$0xC860];
	[tilespmem:s0], [sflag:$0x2] =	stream.linear.gather [hbm4b:s8+s7], $0xC800, $0x38  }
0x8c: {  	_ =	swait.ge [sflag:s1], $0xC800  }
0x8d: {  	[sflag:s1] =	ssyncset.done $0x0  }
0x8e: {  	s7 =	simm.s32 $0x0;
	[sflag:s1] =	ssyncadd.s32 $0xFFFF3800  }
0x8f: {  	v21 =	vld [tilespmem:s7+$0x70]  }
0x90: {  	v22 =	vld [tilespmem:s7+$0x0]  }
0x91: {  	v2 =	vmax.f32 v2, v8;
	v23 =	vld [tilespmem:s7+$0x10]  }
0x92: {  	v0 =	vmax.f32 v0, v9;
	v3 =	vmax.f32 v3, v10;
	v4 =	vmax.f32 v4, v11;
	v8 =	vld [tilespmem:s7+$0x20]  }
0x93: {  	v1 =	vmax.f32 v1, v12;
	v5 =	vmax.f32 v5, v13;
	v6 =	vmax.f32 v6, v14;
	v9 =	vld [tilespmem:s7+$0x30]  }
0x94: {  	v7 =	vmax.f32 v7, v15;
	v2 =	vmax.f32 v2, v16;
	v0 =	vmax.f32 v0, v17;
	v10 =	vld [tilespmem:s7+$0x40]  }
0x95: {  	v3 =	vmax.f32 v3, v18;
	v4 =	vmax.f32 v4, v19;
	v1 =	vmax.f32 v1, v20;
	v11 =	vld [tilespmem:s7+$0x50]  }
0x96: {  	s5 =	simm.s32 $0x80;
	s6 =	simm.s32 $0x400;
	v12 =	vld [tilespmem:s7+$0x60];
	v5 =	vmax.f32 v5, v21;
	v6 =	vmax.f32 v6, v22;
	v7 =	vmax.f32 v7, v23  }
.LBB2_10:
0x97: {  	p1 =	sne.s32 s6, $0x31E00;
	v13 =	vld [tilespmem:s5+$0x70];
	v2 =	vmax.f32 v2, v8  }
0x98: {  	v14 =	vld [tilespmem:s5+$0x0];
	v0 =	vmax.f32 v0, v9  }
0x99: {  	v15 =	vld [tilespmem:s5+$0x10];
	v3 =	vmax.f32 v3, v10  }
.Ltmp6:
0x9a: {  	v8 =	vld [tilespmem:s5+$0x20];
	v4 =	vmax.f32 v4, v11;
	(pc) =	sbr.rel @p1 .LBB2_10-.Ltmp6, $4  }
0x9b: {  	v9 =	vld [tilespmem:s5+$0x30];
	v1 =	vmax.f32 v1, v12  }
0x9c: {  	v10 =	vld [tilespmem:s5+$0x40];
	v5 =	vmax.f32 v5, v13  }
0x9d: {  	v6 =	vmax.f32 v6, v14;
	v11 =	vld [tilespmem:s5+$0x50]  }
0x9e: {  	v7 =	vmax.f32 v7, v15;
	v12 =	vld [tilespmem:s5+$0x60];
	s5 =	sshra.s32 s6, $0x2;
	s6 =	sadd.s32 $0x200, s6  }
0x9f: {  	v13 =	vld [tilespmem:s5+$0x70]  }
0xa0: {  	v14 =	vld [tilespmem:s5+$0x0]  }
0xa1: {  	v15 =	vld [tilespmem:s5+$0x10]  }
0xa2: {  	v16 =	vld [tilespmem:s5+$0x20]  }
0xa3: {  	v17 =	vld [tilespmem:s5+$0x30]  }
0xa4: {  	v18 =	vld [tilespmem:s5+$0x40]  }
0xa5: {  	v19 =	vld [tilespmem:s5+$0x50];
	s7 =	simm.s32 $0x0  }
0xa6: {  	v20 =	vld [tilespmem:s5+$0x60];
	[tilespmem:s7], [sflag:$0x1] =	stream.linear.gather [hbm4b:s9+s7], $0xC800, $0x38  }
0xa7: {  	_ =	swait.ge [sflag:s30], $0xC800  }
0xa8: {  	[sflag:s30] =	ssyncset.done $0x0  }
0xa9: {  	s7 =	simm.s32 $0x0;
	[sflag:s30] =	ssyncadd.s32 $0xFFFF3800  }
0xaa: {  	v21 =	vld [tilespmem:s7+$0xC870]  }
0xab: {  	v22 =	vld [tilespmem:s7+$0xC800]  }
0xac: {  	v2 =	vmax.f32 v2, v8;
	v23 =	vld [tilespmem:s7+$0xC810]  }
0xad: {  	v0 =	vmax.f32 v0, v9;
	v3 =	vmax.f32 v3, v10;
	v4 =	vmax.f32 v4, v11;
	v8 =	vld [tilespmem:s7+$0xC820]  }
0xae: {  	v1 =	vmax.f32 v1, v12;
	v5 =	vmax.f32 v5, v13;
	v6 =	vmax.f32 v6, v14;
	v9 =	vld [tilespmem:s7+$0xC830]  }
0xaf: {  	v7 =	vmax.f32 v7, v15;
	v2 =	vmax.f32 v2, v16;
	v0 =	vmax.f32 v0, v17;
	v10 =	vld [tilespmem:s7+$0xC840]  }
0xb0: {  	v3 =	vmax.f32 v3, v18;
	v4 =	vmax.f32 v4, v19;
	v1 =	vmax.f32 v1, v20;
	v11 =	vld [tilespmem:s7+$0xC850]  }
0xb1: {  	s5 =	simm.s32 $0x80;
	s6 =	simm.s32 $0x400;
	v12 =	vld [tilespmem:s7+$0xC860];
	v5 =	vmax.f32 v5, v21;
	v6 =	vmax.f32 v6, v22;
	v7 =	vmax.f32 v7, v23  }
.LBB2_12:
0xb2: {  	p1 =	sne.s32 s6, $0x31E00;
	v13 =	vld [tilespmem:s5+$0xC870];
	v2 =	vmax.f32 v2, v8  }
0xb3: {  	v14 =	vld [tilespmem:s5+$0xC800];
	v0 =	vmax.f32 v0, v9  }
0xb4: {  	v15 =	vld [tilespmem:s5+$0xC810];
	v3 =	vmax.f32 v3, v10  }
.Ltmp7:
0xb5: {  	v8 =	vld [tilespmem:s5+$0xC820];
	v4 =	vmax.f32 v4, v11;
	(pc) =	sbr.rel @p1 .LBB2_12-.Ltmp7, $4  }
0xb6: {  	v9 =	vld [tilespmem:s5+$0xC830];
	v1 =	vmax.f32 v1, v12  }
0xb7: {  	v10 =	vld [tilespmem:s5+$0xC840];
	v5 =	vmax.f32 v5, v13  }
0xb8: {  	v6 =	vmax.f32 v6, v14;
	v11 =	vld [tilespmem:s5+$0xC850]  }
0xb9: {  	v7 =	vmax.f32 v7, v15;
	v12 =	vld [tilespmem:s5+$0xC860];
	s5 =	sshra.s32 s6, $0x2;
	s6 =	sadd.s32 $0x200, s6  }
0xba: {  	v13 =	vld [tilespmem:s5+$0xC870]  }
0xbb: {  	v14 =	vld [tilespmem:s5+$0xC800]  }
0xbc: {  	v15 =	vld [tilespmem:s5+$0xC810]  }
0xbd: {  	v16 =	vld [tilespmem:s5+$0xC820]  }
0xbe: {  	v17 =	vld [tilespmem:s5+$0xC830]  }
0xbf: {  	v18 =	vld [tilespmem:s5+$0xC840]  }
0xc0: {  	v19 =	vld [tilespmem:s5+$0xC850];
	s7 =	simm.s32 $0x0  }
0xc1: {  	v20 =	vld [tilespmem:s5+$0xC860];
	[tilespmem:s0], [sflag:$0x2] =	stream.linear.gather [hbm4b:s10+s7], $0xC800, $0x38  }
0xc2: {  	_ =	swait.ge [sflag:s1], $0xC800  }
0xc3: {  	[sflag:s1] =	ssyncset.done $0x0  }
0xc4: {  	s7 =	simm.s32 $0x0;
	[sflag:s1] =	ssyncadd.s32 $0xFFFF3800  }
0xc5: {  	v21 =	vld [tilespmem:s7+$0x70]  }
0xc6: {  	v22 =	vld [tilespmem:s7+$0x0]  }
0xc7: {  	v2 =	vmax.f32 v2, v8;
	v23 =	vld [tilespmem:s7+$0x10]  }
0xc8: {  	v0 =	vmax.f32 v0, v9;
	v3 =	vmax.f32 v3, v10;
	v4 =	vmax.f32 v4, v11;
	v8 =	vld [tilespmem:s7+$0x20]  }
0xc9: {  	v1 =	vmax.f32 v1, v12;
	v5 =	vmax.f32 v5, v13;
	v6 =	vmax.f32 v6, v14;
	v9 =	vld [tilespmem:s7+$0x30]  }
0xca: {  	v7 =	vmax.f32 v7, v15;
	v2 =	vmax.f32 v2, v16;
	v0 =	vmax.f32 v0, v17;
	v10 =	vld [tilespmem:s7+$0x40]  }
0xcb: {  	v3 =	vmax.f32 v3, v18;
	v4 =	vmax.f32 v4, v19;
	v1 =	vmax.f32 v1, v20;
	v11 =	vld [tilespmem:s7+$0x50]  }
0xcc: {  	s5 =	simm.s32 $0x80;
	s6 =	simm.s32 $0x400;
	v12 =	vld [tilespmem:s7+$0x60];
	v5 =	vmax.f32 v5, v21;
	v6 =	vmax.f32 v6, v22;
	v7 =	vmax.f32 v7, v23  }
.LBB2_14:
0xcd: {  	p1 =	sne.s32 s6, $0x31E00;
	v13 =	vld [tilespmem:s5+$0x70];
	v2 =	vmax.f32 v2, v8  }
0xce: {  	v14 =	vld [tilespmem:s5+$0x0];
	v0 =	vmax.f32 v0, v9  }
0xcf: {  	v15 =	vld [tilespmem:s5+$0x10];
	v3 =	vmax.f32 v3, v10  }
.Ltmp8:
0xd0: {  	v8 =	vld [tilespmem:s5+$0x20];
	v4 =	vmax.f32 v4, v11;
	(pc) =	sbr.rel @p1 .LBB2_14-.Ltmp8, $4  }
0xd1: {  	v9 =	vld [tilespmem:s5+$0x30];
	v1 =	vmax.f32 v1, v12  }
0xd2: {  	v10 =	vld [tilespmem:s5+$0x40];
	v5 =	vmax.f32 v5, v13  }
0xd3: {  	v6 =	vmax.f32 v6, v14;
	v11 =	vld [tilespmem:s5+$0x50]  }
0xd4: {  	v7 =	vmax.f32 v7, v15;
	v12 =	vld [tilespmem:s5+$0x60];
	s5 =	sshra.s32 s6, $0x2;
	s6 =	sadd.s32 $0x200, s6  }
0xd5: {  	v13 =	vld [tilespmem:s5+$0x70]  }
0xd6: {  	v14 =	vld [tilespmem:s5+$0x0]  }
0xd7: {  	v15 =	vld [tilespmem:s5+$0x10]  }
0xd8: {  	v16 =	vld [tilespmem:s5+$0x20]  }
0xd9: {  	v17 =	vld [tilespmem:s5+$0x30]  }
0xda: {  	v18 =	vld [tilespmem:s5+$0x40]  }
0xdb: {  	v19 =	vld [tilespmem:s5+$0x50];
	s7 =	simm.s32 $0x0  }
0xdc: {  	v20 =	vld [tilespmem:s5+$0x60];
	[tilespmem:s7], [sflag:$0x1] =	stream.linear.gather [hbm4b:s11+s7], $0xC800, $0x38  }
0xdd: {  	_ =	swait.ge [sflag:s30], $0xC800  }
0xde: {  	[sflag:s30] =	ssyncset.done $0x0  }
0xdf: {  	s7 =	simm.s32 $0x0;
	[sflag:s30] =	ssyncadd.s32 $0xFFFF3800  }
0xe0: {  	v21 =	vld [tilespmem:s7+$0xC870]  }
0xe1: {  	v22 =	vld [tilespmem:s7+$0xC800]  }
0xe2: {  	v2 =	vmax.f32 v2, v8;
	v23 =	vld [tilespmem:s7+$0xC810]  }
0xe3: {  	v0 =	vmax.f32 v0, v9;
	v3 =	vmax.f32 v3, v10;
	v4 =	vmax.f32 v4, v11;
	v8 =	vld [tilespmem:s7+$0xC820]  }
0xe4: {  	v1 =	vmax.f32 v1, v12;
	v5 =	vmax.f32 v5, v13;
	v6 =	vmax.f32 v6, v14;
	v9 =	vld [tilespmem:s7+$0xC830]  }
0xe5: {  	v7 =	vmax.f32 v7, v15;
	v2 =	vmax.f32 v2, v16;
	v0 =	vmax.f32 v0, v17;
	v10 =	vld [tilespmem:s7+$0xC840]  }
0xe6: {  	v3 =	vmax.f32 v3, v18;
	v4 =	vmax.f32 v4, v19;
	v1 =	vmax.f32 v1, v20;
	v11 =	vld [tilespmem:s7+$0xC850]  }
0xe7: {  	s5 =	simm.s32 $0x80;
	s6 =	simm.s32 $0x400;
	v12 =	vld [tilespmem:s7+$0xC860];
	v5 =	vmax.f32 v5, v21;
	v6 =	vmax.f32 v6, v22;
	v7 =	vmax.f32 v7, v23  }
.LBB2_16:
0xe8: {  	p1 =	sne.s32 s6, $0x31E00;
	v13 =	vld [tilespmem:s5+$0xC870];
	v2 =	vmax.f32 v2, v8  }
0xe9: {  	v14 =	vld [tilespmem:s5+$0xC800];
	v0 =	vmax.f32 v0, v9  }
0xea: {  	v15 =	vld [tilespmem:s5+$0xC810];
	v3 =	vmax.f32 v3, v10  }
.Ltmp9:
0xeb: {  	v8 =	vld [tilespmem:s5+$0xC820];
	v4 =	vmax.f32 v4, v11;
	(pc) =	sbr.rel @p1 .LBB2_16-.Ltmp9, $4  }
0xec: {  	v9 =	vld [tilespmem:s5+$0xC830];
	v1 =	vmax.f32 v1, v12  }
0xed: {  	v10 =	vld [tilespmem:s5+$0xC840];
	v5 =	vmax.f32 v5, v13  }
0xee: {  	v6 =	vmax.f32 v6, v14;
	v11 =	vld [tilespmem:s5+$0xC850]  }
0xef: {  	v7 =	vmax.f32 v7, v15;
	v12 =	vld [tilespmem:s5+$0xC860];
	s5 =	sshra.s32 s6, $0x2;
	s6 =	sadd.s32 $0x200, s6  }
0xf0: {  	v13 =	vld [tilespmem:s5+$0xC870]  }
0xf1: {  	v14 =	vld [tilespmem:s5+$0xC800]  }
0xf2: {  	v15 =	vld [tilespmem:s5+$0xC810]  }
0xf3: {  	v16 =	vld [tilespmem:s5+$0xC820]  }
0xf4: {  	v17 =	vld [tilespmem:s5+$0xC830]  }
0xf5: {  	v18 =	vld [tilespmem:s5+$0xC840]  }
0xf6: {  	v19 =	vld [tilespmem:s5+$0xC850];
	s7 =	simm.s32 $0x0  }
0xf7: {  	v20 =	vld [tilespmem:s5+$0xC860];
	[tilespmem:s0], [sflag:$0x2] =	stream.linear.gather [hbm4b:s12+s7], $0xC800, $0x38  }
0xf8: {  	_ =	swait.ge [sflag:s1], $0xC800  }
0xf9: {  	[sflag:s1] =	ssyncset.done $0x0  }
0xfa: {  	s7 =	simm.s32 $0x0;
	[sflag:s1] =	ssyncadd.s32 $0xFFFF3800  }
0xfb: {  	v21 =	vld [tilespmem:s7+$0x70]  }
0xfc: {  	v22 =	vld [tilespmem:s7+$0x0]  }
0xfd: {  	v2 =	vmax.f32 v2, v8;
	v23 =	vld [tilespmem:s7+$0x10]  }
0xfe: {  	v0 =	vmax.f32 v0, v9;
	v3 =	vmax.f32 v3, v10;
	v4 =	vmax.f32 v4, v11;
	v8 =	vld [tilespmem:s7+$0x20]  }
0xff: {  	v1 =	vmax.f32 v1, v12;
	v5 =	vmax.f32 v5, v13;
	v6 =	vmax.f32 v6, v14;
	v9 =	vld [tilespmem:s7+$0x30]  }
0x100: {  	v7 =	vmax.f32 v7, v15;
	v2 =	vmax.f32 v2, v16;
	v0 =	vmax.f32 v0, v17;
	v10 =	vld [tilespmem:s7+$0x40]  }
0x101: {  	v3 =	vmax.f32 v3, v18;
	v4 =	vmax.f32 v4, v19;
	v1 =	vmax.f32 v1, v20;
	v11 =	vld [tilespmem:s7+$0x50]  }
0x102: {  	s5 =	simm.s32 $0x80;
	s6 =	simm.s32 $0x400;
	v12 =	vld [tilespmem:s7+$0x60];
	v5 =	vmax.f32 v5, v21;
	v6 =	vmax.f32 v6, v22;
	v7 =	vmax.f32 v7, v23  }
.LBB2_18:
0x103: {  	p1 =	sne.s32 s6, $0x31E00;
	v13 =	vld [tilespmem:s5+$0x70];
	v2 =	vmax.f32 v2, v8  }
0x104: {  	v14 =	vld [tilespmem:s5+$0x0];
	v0 =	vmax.f32 v0, v9  }
0x105: {  	v15 =	vld [tilespmem:s5+$0x10];
	v3 =	vmax.f32 v3, v10  }
.Ltmp10:
0x106: {  	v8 =	vld [tilespmem:s5+$0x20];
	v4 =	vmax.f32 v4, v11;
	(pc) =	sbr.rel @p1 .LBB2_18-.Ltmp10, $4  }
0x107: {  	v9 =	vld [tilespmem:s5+$0x30];
	v1 =	vmax.f32 v1, v12  }
0x108: {  	v10 =	vld [tilespmem:s5+$0x40];
	v5 =	vmax.f32 v5, v13  }
0x109: {  	v6 =	vmax.f32 v6, v14;
	v11 =	vld [tilespmem:s5+$0x50]  }
0x10a: {  	v7 =	vmax.f32 v7, v15;
	v12 =	vld [tilespmem:s5+$0x60];
	s5 =	sshra.s32 s6, $0x2;
	s6 =	sadd.s32 $0x200, s6  }
0x10b: {  	v13 =	vld [tilespmem:s5+$0x70]  }
0x10c: {  	v14 =	vld [tilespmem:s5+$0x0]  }
0x10d: {  	v15 =	vld [tilespmem:s5+$0x10]  }
0x10e: {  	v16 =	vld [tilespmem:s5+$0x20]  }
0x10f: {  	v17 =	vld [tilespmem:s5+$0x30]  }
0x110: {  	v18 =	vld [tilespmem:s5+$0x40]  }
0x111: {  	v19 =	vld [tilespmem:s5+$0x50];
	s7 =	simm.s32 $0x0  }
0x112: {  	v20 =	vld [tilespmem:s5+$0x60];
	[tilespmem:s7], [sflag:$0x1] =	stream.linear.gather [hbm4b:s13+s7], $0xC800, $0x38  }
0x113: {  	_ =	swait.ge [sflag:s30], $0xC800  }
0x114: {  	[sflag:s30] =	ssyncset.done $0x0  }
0x115: {  	s7 =	simm.s32 $0x0;
	[sflag:s30] =	ssyncadd.s32 $0xFFFF3800  }
0x116: {  	v21 =	vld [tilespmem:s7+$0xC870]  }
0x117: {  	v22 =	vld [tilespmem:s7+$0xC800]  }
0x118: {  	v2 =	vmax.f32 v2, v8;
	v23 =	vld [tilespmem:s7+$0xC810]  }
0x119: {  	v0 =	vmax.f32 v0, v9;
	v3 =	vmax.f32 v3, v10;
	v4 =	vmax.f32 v4, v11;
	v8 =	vld [tilespmem:s7+$0xC820]  }
0x11a: {  	v1 =	vmax.f32 v1, v12;
	v5 =	vmax.f32 v5, v13;
	v6 =	vmax.f32 v6, v14;
	v9 =	vld [tilespmem:s7+$0xC830]  }
0x11b: {  	v7 =	vmax.f32 v7, v15;
	v2 =	vmax.f32 v2, v16;
	v0 =	vmax.f32 v0, v17;
	v10 =	vld [tilespmem:s7+$0xC840]  }
0x11c: {  	v3 =	vmax.f32 v3, v18;
	v4 =	vmax.f32 v4, v19;
	v1 =	vmax.f32 v1, v20;
	v11 =	vld [tilespmem:s7+$0xC850]  }
0x11d: {  	s5 =	simm.s32 $0x80;
	s6 =	simm.s32 $0x400;
	v12 =	vld [tilespmem:s7+$0xC860];
	v5 =	vmax.f32 v5, v21;
	v6 =	vmax.f32 v6, v22;
	v7 =	vmax.f32 v7, v23  }
.LBB2_20:
0x11e: {  	p1 =	sne.s32 s6, $0x31E00;
	v13 =	vld [tilespmem:s5+$0xC870];
	v2 =	vmax.f32 v2, v8  }
0x11f: {  	v14 =	vld [tilespmem:s5+$0xC800];
	v0 =	vmax.f32 v0, v9  }
0x120: {  	v15 =	vld [tilespmem:s5+$0xC810];
	v3 =	vmax.f32 v3, v10  }
.Ltmp11:
0x121: {  	v8 =	vld [tilespmem:s5+$0xC820];
	v4 =	vmax.f32 v4, v11;
	(pc) =	sbr.rel @p1 .LBB2_20-.Ltmp11, $4  }
0x122: {  	v9 =	vld [tilespmem:s5+$0xC830];
	v1 =	vmax.f32 v1, v12  }
0x123: {  	v10 =	vld [tilespmem:s5+$0xC840];
	v5 =	vmax.f32 v5, v13  }
0x124: {  	v6 =	vmax.f32 v6, v14;
	v11 =	vld [tilespmem:s5+$0xC850]  }
0x125: {  	v7 =	vmax.f32 v7, v15;
	v12 =	vld [tilespmem:s5+$0xC860];
	s5 =	sshra.s32 s6, $0x2;
	s6 =	sadd.s32 $0x200, s6  }
0x126: {  	v13 =	vld [tilespmem:s5+$0xC870]  }
0x127: {  	v14 =	vld [tilespmem:s5+$0xC800]  }
0x128: {  	v15 =	vld [tilespmem:s5+$0xC810]  }
0x129: {  	v16 =	vld [tilespmem:s5+$0xC820]  }
0x12a: {  	v17 =	vld [tilespmem:s5+$0xC830]  }
0x12b: {  	v18 =	vld [tilespmem:s5+$0xC840]  }
0x12c: {  	v19 =	vld [tilespmem:s5+$0xC850];
	s7 =	simm.s32 $0x0  }
0x12d: {  	v20 =	vld [tilespmem:s5+$0xC860];
	[tilespmem:s0], [sflag:$0x2] =	stream.linear.gather [hbm4b:s14+s7], $0xC800, $0x38  }
0x12e: {  	_ =	swait.ge [sflag:s1], $0xC800  }
0x12f: {  	[sflag:s1] =	ssyncset.done $0x0  }
0x130: {  	s7 =	simm.s32 $0x0;
	[sflag:s1] =	ssyncadd.s32 $0xFFFF3800  }
0x131: {  	v21 =	vld [tilespmem:s7+$0x70]  }
0x132: {  	v22 =	vld [tilespmem:s7+$0x0]  }
0x133: {  	v2 =	vmax.f32 v2, v8;
	v23 =	vld [tilespmem:s7+$0x10]  }
0x134: {  	v0 =	vmax.f32 v0, v9;
	v3 =	vmax.f32 v3, v10;
	v4 =	vmax.f32 v4, v11;
	v8 =	vld [tilespmem:s7+$0x20]  }
0x135: {  	v1 =	vmax.f32 v1, v12;
	v5 =	vmax.f32 v5, v13;
	v6 =	vmax.f32 v6, v14;
	v9 =	vld [tilespmem:s7+$0x30]  }
0x136: {  	v7 =	vmax.f32 v7, v15;
	v2 =	vmax.f32 v2, v16;
	v0 =	vmax.f32 v0, v17;
	v10 =	vld [tilespmem:s7+$0x40]  }
0x137: {  	v3 =	vmax.f32 v3, v18;
	v4 =	vmax.f32 v4, v19;
	v1 =	vmax.f32 v1, v20;
	v11 =	vld [tilespmem:s7+$0x50]  }
0x138: {  	s5 =	simm.s32 $0x80;
	s6 =	simm.s32 $0x400;
	v12 =	vld [tilespmem:s7+$0x60];
	v5 =	vmax.f32 v5, v21;
	v6 =	vmax.f32 v6, v22;
	v7 =	vmax.f32 v7, v23  }
.LBB2_22:
0x139: {  	p1 =	sne.s32 s6, $0x31E00;
	v13 =	vld [tilespmem:s5+$0x70];
	v2 =	vmax.f32 v2, v8  }
0x13a: {  	v14 =	vld [tilespmem:s5+$0x0];
	v0 =	vmax.f32 v0, v9  }
0x13b: {  	v15 =	vld [tilespmem:s5+$0x10];
	v3 =	vmax.f32 v3, v10  }
.Ltmp12:
0x13c: {  	v8 =	vld [tilespmem:s5+$0x20];
	v4 =	vmax.f32 v4, v11;
	(pc) =	sbr.rel @p1 .LBB2_22-.Ltmp12, $4  }
0x13d: {  	v9 =	vld [tilespmem:s5+$0x30];
	v1 =	vmax.f32 v1, v12  }
0x13e: {  	v10 =	vld [tilespmem:s5+$0x40];
	v5 =	vmax.f32 v5, v13  }
0x13f: {  	v6 =	vmax.f32 v6, v14;
	v11 =	vld [tilespmem:s5+$0x50]  }
0x140: {  	v7 =	vmax.f32 v7, v15;
	v12 =	vld [tilespmem:s5+$0x60];
	s5 =	sshra.s32 s6, $0x2;
	s6 =	sadd.s32 $0x200, s6  }
0x141: {  	v13 =	vld [tilespmem:s5+$0x70]  }
0x142: {  	v14 =	vld [tilespmem:s5+$0x0]  }
0x143: {  	v15 =	vld [tilespmem:s5+$0x10]  }
0x144: {  	v16 =	vld [tilespmem:s5+$0x20]  }
0x145: {  	v17 =	vld [tilespmem:s5+$0x30]  }
0x146: {  	v18 =	vld [tilespmem:s5+$0x40]  }
0x147: {  	v19 =	vld [tilespmem:s5+$0x50];
	s7 =	simm.s32 $0x0  }
0x148: {  	v20 =	vld [tilespmem:s5+$0x60];
	[tilespmem:s7], [sflag:$0x1] =	stream.linear.gather [hbm4b:s15+s7], $0xC800, $0x38  }
0x149: {  	_ =	swait.ge [sflag:s30], $0xC800  }
0x14a: {  	[sflag:s30] =	ssyncset.done $0x0  }
0x14b: {  	s7 =	simm.s32 $0x0;
	[sflag:s30] =	ssyncadd.s32 $0xFFFF3800  }
0x14c: {  	v21 =	vld [tilespmem:s7+$0xC870]  }
0x14d: {  	v22 =	vld [tilespmem:s7+$0xC800]  }
0x14e: {  	v2 =	vmax.f32 v2, v8;
	v23 =	vld [tilespmem:s7+$0xC810]  }
0x14f: {  	v0 =	vmax.f32 v0, v9;
	v3 =	vmax.f32 v3, v10;
	v4 =	vmax.f32 v4, v11;
	v8 =	vld [tilespmem:s7+$0xC820]  }
0x150: {  	v1 =	vmax.f32 v1, v12;
	v5 =	vmax.f32 v5, v13;
	v6 =	vmax.f32 v6, v14;
	v9 =	vld [tilespmem:s7+$0xC830]  }
0x151: {  	v7 =	vmax.f32 v7, v15;
	v2 =	vmax.f32 v2, v16;
	v0 =	vmax.f32 v0, v17;
	v10 =	vld [tilespmem:s7+$0xC840]  }
0x152: {  	v3 =	vmax.f32 v3, v18;
	v4 =	vmax.f32 v4, v19;
	v1 =	vmax.f32 v1, v20;
	v11 =	vld [tilespmem:s7+$0xC850]  }
0x153: {  	s5 =	simm.s32 $0x80;
	s6 =	simm.s32 $0x400;
	v12 =	vld [tilespmem:s7+$0xC860];
	v5 =	vmax.f32 v5, v21;
	v6 =	vmax.f32 v6, v22;
	v7 =	vmax.f32 v7, v23  }
.LBB2_24:
0x154: {  	p1 =	sne.s32 s6, $0x31E00;
	v13 =	vld [tilespmem:s5+$0xC870];
	v2 =	vmax.f32 v2, v8  }
0x155: {  	v14 =	vld [tilespmem:s5+$0xC800];
	v0 =	vmax.f32 v0, v9  }
0x156: {  	v15 =	vld [tilespmem:s5+$0xC810];
	v3 =	vmax.f32 v3, v10  }
.Ltmp13:
0x157: {  	v8 =	vld [tilespmem:s5+$0xC820];
	v4 =	vmax.f32 v4, v11;
	(pc) =	sbr.rel @p1 .LBB2_24-.Ltmp13, $4  }
0x158: {  	v9 =	vld [tilespmem:s5+$0xC830];
	v1 =	vmax.f32 v1, v12  }
0x159: {  	v10 =	vld [tilespmem:s5+$0xC840];
	v5 =	vmax.f32 v5, v13  }
0x15a: {  	v6 =	vmax.f32 v6, v14;
	v11 =	vld [tilespmem:s5+$0xC850]  }
0x15b: {  	v7 =	vmax.f32 v7, v15;
	v12 =	vld [tilespmem:s5+$0xC860];
	s5 =	sshra.s32 s6, $0x2;
	s6 =	sadd.s32 $0x200, s6  }
0x15c: {  	v13 =	vld [tilespmem:s5+$0xC870]  }
0x15d: {  	v14 =	vld [tilespmem:s5+$0xC800]  }
0x15e: {  	v15 =	vld [tilespmem:s5+$0xC810]  }
0x15f: {  	v16 =	vld [tilespmem:s5+$0xC820]  }
0x160: {  	v17 =	vld [tilespmem:s5+$0xC830]  }
0x161: {  	v18 =	vld [tilespmem:s5+$0xC840]  }
0x162: {  	v19 =	vld [tilespmem:s5+$0xC850];
	s7 =	simm.s32 $0x0  }
0x163: {  	v20 =	vld [tilespmem:s5+$0xC860];
	[tilespmem:s0], [sflag:$0x2] =	stream.linear.gather [hbm4b:s16+s7], $0xC800, $0x38  }
0x164: {  	_ =	swait.ge [sflag:s1], $0xC800  }
0x165: {  	[sflag:s1] =	ssyncset.done $0x0  }
0x166: {  	s7 =	simm.s32 $0x0;
	[sflag:s1] =	ssyncadd.s32 $0xFFFF3800  }
0x167: {  	v21 =	vld [tilespmem:s7+$0x70]  }
0x168: {  	v22 =	vld [tilespmem:s7+$0x0]  }
0x169: {  	v2 =	vmax.f32 v2, v8;
	v23 =	vld [tilespmem:s7+$0x10]  }
0x16a: {  	v0 =	vmax.f32 v0, v9;
	v3 =	vmax.f32 v3, v10;
	v4 =	vmax.f32 v4, v11;
	v8 =	vld [tilespmem:s7+$0x20]  }
0x16b: {  	v1 =	vmax.f32 v1, v12;
	v5 =	vmax.f32 v5, v13;
	v6 =	vmax.f32 v6, v14;
	v9 =	vld [tilespmem:s7+$0x30]  }
0x16c: {  	v7 =	vmax.f32 v7, v15;
	v2 =	vmax.f32 v2, v16;
	v0 =	vmax.f32 v0, v17;
	v10 =	vld [tilespmem:s7+$0x40]  }
0x16d: {  	v3 =	vmax.f32 v3, v18;
	v4 =	vmax.f32 v4, v19;
	v1 =	vmax.f32 v1, v20;
	v11 =	vld [tilespmem:s7+$0x50]  }
0x16e: {  	s5 =	simm.s32 $0x80;
	s6 =	simm.s32 $0x400;
	v12 =	vld [tilespmem:s7+$0x60];
	v5 =	vmax.f32 v5, v21;
	v6 =	vmax.f32 v6, v22;
	v7 =	vmax.f32 v7, v23  }
.LBB2_26:
0x16f: {  	p1 =	sne.s32 s6, $0x31E00;
	v13 =	vld [tilespmem:s5+$0x70];
	v2 =	vmax.f32 v2, v8  }
0x170: {  	v14 =	vld [tilespmem:s5+$0x0];
	v0 =	vmax.f32 v0, v9  }
0x171: {  	v15 =	vld [tilespmem:s5+$0x10];
	v3 =	vmax.f32 v3, v10  }
.Ltmp14:
0x172: {  	v8 =	vld [tilespmem:s5+$0x20];
	v4 =	vmax.f32 v4, v11;
	(pc) =	sbr.rel @p1 .LBB2_26-.Ltmp14, $4  }
0x173: {  	v9 =	vld [tilespmem:s5+$0x30];
	v1 =	vmax.f32 v1, v12  }
0x174: {  	v10 =	vld [tilespmem:s5+$0x40];
	v5 =	vmax.f32 v5, v13  }
0x175: {  	v6 =	vmax.f32 v6, v14;
	v11 =	vld [tilespmem:s5+$0x50]  }
0x176: {  	v7 =	vmax.f32 v7, v15;
	v12 =	vld [tilespmem:s5+$0x60];
	s5 =	sshra.s32 s6, $0x2;
	s6 =	sadd.s32 $0x200, s6  }
0x177: {  	v13 =	vld [tilespmem:s5+$0x70]  }
0x178: {  	v14 =	vld [tilespmem:s5+$0x0]  }
0x179: {  	v15 =	vld [tilespmem:s5+$0x10]  }
0x17a: {  	v16 =	vld [tilespmem:s5+$0x20]  }
0x17b: {  	v17 =	vld [tilespmem:s5+$0x30]  }
0x17c: {  	v18 =	vld [tilespmem:s5+$0x40]  }
0x17d: {  	v19 =	vld [tilespmem:s5+$0x50];
	s7 =	simm.s32 $0x0  }
0x17e: {  	v20 =	vld [tilespmem:s5+$0x60];
	[tilespmem:s7], [sflag:$0x1] =	stream.linear.gather [hbm4b:s17+s7], $0xC800, $0x38  }
0x17f: {  	_ =	swait.ge [sflag:s30], $0xC800  }
0x180: {  	[sflag:s30] =	ssyncset.done $0x0  }
0x181: {  	s7 =	simm.s32 $0x0;
	[sflag:s30] =	ssyncadd.s32 $0xFFFF3800  }
0x182: {  	v21 =	vld [tilespmem:s7+$0xC870]  }
0x183: {  	v22 =	vld [tilespmem:s7+$0xC800]  }
0x184: {  	v2 =	vmax.f32 v2, v8;
	v23 =	vld [tilespmem:s7+$0xC810]  }
0x185: {  	v0 =	vmax.f32 v0, v9;
	v3 =	vmax.f32 v3, v10;
	v4 =	vmax.f32 v4, v11;
	v8 =	vld [tilespmem:s7+$0xC820]  }
0x186: {  	v1 =	vmax.f32 v1, v12;
	v5 =	vmax.f32 v5, v13;
	v6 =	vmax.f32 v6, v14;
	v9 =	vld [tilespmem:s7+$0xC830]  }
0x187: {  	v7 =	vmax.f32 v7, v15;
	v2 =	vmax.f32 v2, v16;
	v0 =	vmax.f32 v0, v17;
	v10 =	vld [tilespmem:s7+$0xC840]  }
0x188: {  	v3 =	vmax.f32 v3, v18;
	v4 =	vmax.f32 v4, v19;
	v1 =	vmax.f32 v1, v20;
	v11 =	vld [tilespmem:s7+$0xC850]  }
0x189: {  	s5 =	simm.s32 $0x80;
	s6 =	simm.s32 $0x400;
	v12 =	vld [tilespmem:s7+$0xC860];
	v5 =	vmax.f32 v5, v21;
	v6 =	vmax.f32 v6, v22;
	v7 =	vmax.f32 v7, v23  }
.LBB2_28:
0x18a: {  	p1 =	sne.s32 s6, $0x31E00;
	v13 =	vld [tilespmem:s5+$0xC870];
	v2 =	vmax.f32 v2, v8  }
0x18b: {  	v14 =	vld [tilespmem:s5+$0xC800];
	v0 =	vmax.f32 v0, v9  }
0x18c: {  	v15 =	vld [tilespmem:s5+$0xC810];
	v3 =	vmax.f32 v3, v10  }
.Ltmp15:
0x18d: {  	v8 =	vld [tilespmem:s5+$0xC820];
	v4 =	vmax.f32 v4, v11;
	(pc) =	sbr.rel @p1 .LBB2_28-.Ltmp15, $4  }
0x18e: {  	v9 =	vld [tilespmem:s5+$0xC830];
	v1 =	vmax.f32 v1, v12  }
0x18f: {  	v10 =	vld [tilespmem:s5+$0xC840];
	v5 =	vmax.f32 v5, v13  }
0x190: {  	v6 =	vmax.f32 v6, v14;
	v11 =	vld [tilespmem:s5+$0xC850]  }
0x191: {  	v7 =	vmax.f32 v7, v15;
	v12 =	vld [tilespmem:s5+$0xC860];
	s5 =	sshra.s32 s6, $0x2;
	s6 =	sadd.s32 $0x200, s6  }
0x192: {  	v13 =	vld [tilespmem:s5+$0xC870]  }
0x193: {  	v14 =	vld [tilespmem:s5+$0xC800]  }
0x194: {  	v15 =	vld [tilespmem:s5+$0xC810]  }
0x195: {  	v16 =	vld [tilespmem:s5+$0xC820]  }
0x196: {  	v17 =	vld [tilespmem:s5+$0xC830]  }
0x197: {  	v18 =	vld [tilespmem:s5+$0xC840]  }
0x198: {  	v19 =	vld [tilespmem:s5+$0xC850];
	s7 =	simm.s32 $0x0  }
0x199: {  	v20 =	vld [tilespmem:s5+$0xC860];
	[tilespmem:s0], [sflag:$0x2] =	stream.linear.gather [hbm4b:s18+s7], $0xC800, $0x38  }
0x19a: {  	_ =	swait.ge [sflag:s1], $0xC800  }
0x19b: {  	[sflag:s1] =	ssyncset.done $0x0  }
0x19c: {  	s7 =	simm.s32 $0x0;
	[sflag:s1] =	ssyncadd.s32 $0xFFFF3800  }
0x19d: {  	v21 =	vld [tilespmem:s7+$0x70]  }
0x19e: {  	v22 =	vld [tilespmem:s7+$0x0]  }
0x19f: {  	v2 =	vmax.f32 v2, v8;
	v23 =	vld [tilespmem:s7+$0x10]  }
0x1a0: {  	v0 =	vmax.f32 v0, v9;
	v3 =	vmax.f32 v3, v10;
	v4 =	vmax.f32 v4, v11;
	v8 =	vld [tilespmem:s7+$0x20]  }
0x1a1: {  	v1 =	vmax.f32 v1, v12;
	v5 =	vmax.f32 v5, v13;
	v6 =	vmax.f32 v6, v14;
	v9 =	vld [tilespmem:s7+$0x30]  }
0x1a2: {  	v7 =	vmax.f32 v7, v15;
	v2 =	vmax.f32 v2, v16;
	v0 =	vmax.f32 v0, v17;
	v10 =	vld [tilespmem:s7+$0x40]  }
0x1a3: {  	v3 =	vmax.f32 v3, v18;
	v4 =	vmax.f32 v4, v19;
	v1 =	vmax.f32 v1, v20;
	v11 =	vld [tilespmem:s7+$0x50]  }
0x1a4: {  	s5 =	simm.s32 $0x80;
	s6 =	simm.s32 $0x400;
	v12 =	vld [tilespmem:s7+$0x60];
	v5 =	vmax.f32 v5, v21;
	v6 =	vmax.f32 v6, v22;
	v7 =	vmax.f32 v7, v23  }
.LBB2_30:
0x1a5: {  	p1 =	sne.s32 s6, $0x31E00;
	v13 =	vld [tilespmem:s5+$0x70];
	v2 =	vmax.f32 v2, v8  }
0x1a6: {  	v14 =	vld [tilespmem:s5+$0x0];
	v0 =	vmax.f32 v0, v9  }
0x1a7: {  	v15 =	vld [tilespmem:s5+$0x10];
	v3 =	vmax.f32 v3, v10  }
.Ltmp16:
0x1a8: {  	v8 =	vld [tilespmem:s5+$0x20];
	v4 =	vmax.f32 v4, v11;
	(pc) =	sbr.rel @p1 .LBB2_30-.Ltmp16, $4  }
0x1a9: {  	v9 =	vld [tilespmem:s5+$0x30];
	v1 =	vmax.f32 v1, v12  }
0x1aa: {  	v10 =	vld [tilespmem:s5+$0x40];
	v5 =	vmax.f32 v5, v13  }
0x1ab: {  	v6 =	vmax.f32 v6, v14;
	v11 =	vld [tilespmem:s5+$0x50]  }
0x1ac: {  	v7 =	vmax.f32 v7, v15;
	v12 =	vld [tilespmem:s5+$0x60];
	s5 =	sshra.s32 s6, $0x2;
	s6 =	sadd.s32 $0x200, s6  }
0x1ad: {  	v13 =	vld [tilespmem:s5+$0x70]  }
0x1ae: {  	v14 =	vld [tilespmem:s5+$0x0]  }
0x1af: {  	v15 =	vld [tilespmem:s5+$0x10]  }
0x1b0: {  	v16 =	vld [tilespmem:s5+$0x20]  }
0x1b1: {  	v17 =	vld [tilespmem:s5+$0x30]  }
0x1b2: {  	v18 =	vld [tilespmem:s5+$0x40]  }
0x1b3: {  	v19 =	vld [tilespmem:s5+$0x50];
	s7 =	simm.s32 $0x0  }
0x1b4: {  	v20 =	vld [tilespmem:s5+$0x60];
	[tilespmem:s7], [sflag:$0x1] =	stream.linear.gather [hbm4b:s19+s7], $0xC800, $0x38  }
0x1b5: {  	_ =	swait.ge [sflag:s30], $0xC800  }
0x1b6: {  	[sflag:s30] =	ssyncset.done $0x0  }
0x1b7: {  	s7 =	simm.s32 $0x0;
	[sflag:s30] =	ssyncadd.s32 $0xFFFF3800  }
0x1b8: {  	v21 =	vld [tilespmem:s7+$0xC870]  }
0x1b9: {  	v22 =	vld [tilespmem:s7+$0xC800]  }
0x1ba: {  	v2 =	vmax.f32 v2, v8;
	v23 =	vld [tilespmem:s7+$0xC810]  }
0x1bb: {  	v0 =	vmax.f32 v0, v9;
	v3 =	vmax.f32 v3, v10;
	v4 =	vmax.f32 v4, v11;
	v8 =	vld [tilespmem:s7+$0xC820]  }
0x1bc: {  	v1 =	vmax.f32 v1, v12;
	v5 =	vmax.f32 v5, v13;
	v6 =	vmax.f32 v6, v14;
	v9 =	vld [tilespmem:s7+$0xC830]  }
0x1bd: {  	v7 =	vmax.f32 v7, v15;
	v2 =	vmax.f32 v2, v16;
	v0 =	vmax.f32 v0, v17;
	v10 =	vld [tilespmem:s7+$0xC840]  }
0x1be: {  	v3 =	vmax.f32 v3, v18;
	v4 =	vmax.f32 v4, v19;
	v1 =	vmax.f32 v1, v20;
	v11 =	vld [tilespmem:s7+$0xC850]  }
0x1bf: {  	s5 =	simm.s32 $0x80;
	s6 =	simm.s32 $0x400;
	v12 =	vld [tilespmem:s7+$0xC860];
	v5 =	vmax.f32 v5, v21;
	v6 =	vmax.f32 v6, v22;
	v7 =	vmax.f32 v7, v23  }
.LBB2_32:
0x1c0: {  	p1 =	sne.s32 s6, $0x31E00;
	v13 =	vld [tilespmem:s5+$0xC870];
	v2 =	vmax.f32 v2, v8  }
0x1c1: {  	v14 =	vld [tilespmem:s5+$0xC800];
	v0 =	vmax.f32 v0, v9  }
0x1c2: {  	v15 =	vld [tilespmem:s5+$0xC810];
	v3 =	vmax.f32 v3, v10  }
.Ltmp17:
0x1c3: {  	v8 =	vld [tilespmem:s5+$0xC820];
	v4 =	vmax.f32 v4, v11;
	(pc) =	sbr.rel @p1 .LBB2_32-.Ltmp17, $4  }
0x1c4: {  	v9 =	vld [tilespmem:s5+$0xC830];
	v1 =	vmax.f32 v1, v12  }
0x1c5: {  	v10 =	vld [tilespmem:s5+$0xC840];
	v5 =	vmax.f32 v5, v13  }
0x1c6: {  	v6 =	vmax.f32 v6, v14;
	v11 =	vld [tilespmem:s5+$0xC850]  }
0x1c7: {  	v7 =	vmax.f32 v7, v15;
	v12 =	vld [tilespmem:s5+$0xC860];
	s5 =	sshra.s32 s6, $0x2;
	s6 =	sadd.s32 $0x200, s6  }
0x1c8: {  	v13 =	vld [tilespmem:s5+$0xC870]  }
0x1c9: {  	v14 =	vld [tilespmem:s5+$0xC800]  }
0x1ca: {  	v15 =	vld [tilespmem:s5+$0xC810]  }
0x1cb: {  	v16 =	vld [tilespmem:s5+$0xC820]  }
0x1cc: {  	v17 =	vld [tilespmem:s5+$0xC830]  }
0x1cd: {  	v18 =	vld [tilespmem:s5+$0xC840]  }
0x1ce: {  	v19 =	vld [tilespmem:s5+$0xC850];
	s7 =	simm.s32 $0x0  }
0x1cf: {  	v20 =	vld [tilespmem:s5+$0xC860];
	[tilespmem:s0], [sflag:$0x2] =	stream.linear.gather [hbm4b:s20+s7], $0xC800, $0x38  }
0x1d0: {  	_ =	swait.ge [sflag:s1], $0xC800  }
0x1d1: {  	[sflag:s1] =	ssyncset.done $0x0  }
0x1d2: {  	s7 =	simm.s32 $0x0;
	[sflag:s1] =	ssyncadd.s32 $0xFFFF3800  }
0x1d3: {  	v21 =	vld [tilespmem:s7+$0x70]  }
0x1d4: {  	v22 =	vld [tilespmem:s7+$0x0]  }
0x1d5: {  	v2 =	vmax.f32 v2, v8;
	v23 =	vld [tilespmem:s7+$0x10]  }
0x1d6: {  	v0 =	vmax.f32 v0, v9;
	v3 =	vmax.f32 v3, v10;
	v4 =	vmax.f32 v4, v11;
	v8 =	vld [tilespmem:s7+$0x20]  }
0x1d7: {  	v1 =	vmax.f32 v1, v12;
	v5 =	vmax.f32 v5, v13;
	v6 =	vmax.f32 v6, v14;
	v9 =	vld [tilespmem:s7+$0x30]  }
0x1d8: {  	v7 =	vmax.f32 v7, v15;
	v2 =	vmax.f32 v2, v16;
	v0 =	vmax.f32 v0, v17;
	v10 =	vld [tilespmem:s7+$0x40]  }
0x1d9: {  	v3 =	vmax.f32 v3, v18;
	v4 =	vmax.f32 v4, v19;
	v1 =	vmax.f32 v1, v20;
	v11 =	vld [tilespmem:s7+$0x50]  }
0x1da: {  	s5 =	simm.s32 $0x80;
	s6 =	simm.s32 $0x400;
	v12 =	vld [tilespmem:s7+$0x60];
	v5 =	vmax.f32 v5, v21;
	v6 =	vmax.f32 v6, v22;
	v7 =	vmax.f32 v7, v23  }
.LBB2_34:
0x1db: {  	p1 =	sne.s32 s6, $0x31E00;
	v13 =	vld [tilespmem:s5+$0x70];
	v2 =	vmax.f32 v2, v8  }
0x1dc: {  	v14 =	vld [tilespmem:s5+$0x0];
	v0 =	vmax.f32 v0, v9  }
0x1dd: {  	v15 =	vld [tilespmem:s5+$0x10];
	v3 =	vmax.f32 v3, v10  }
.Ltmp18:
0x1de: {  	v8 =	vld [tilespmem:s5+$0x20];
	v4 =	vmax.f32 v4, v11;
	(pc) =	sbr.rel @p1 .LBB2_34-.Ltmp18, $4  }
0x1df: {  	v9 =	vld [tilespmem:s5+$0x30];
	v1 =	vmax.f32 v1, v12  }
0x1e0: {  	v10 =	vld [tilespmem:s5+$0x40];
	v5 =	vmax.f32 v5, v13  }
0x1e1: {  	v6 =	vmax.f32 v6, v14;
	v11 =	vld [tilespmem:s5+$0x50]  }
0x1e2: {  	v7 =	vmax.f32 v7, v15;
	v12 =	vld [tilespmem:s5+$0x60];
	s5 =	sshra.s32 s6, $0x2;
	s6 =	sadd.s32 $0x200, s6  }
0x1e3: {  	v13 =	vld [tilespmem:s5+$0x70]  }
0x1e4: {  	v14 =	vld [tilespmem:s5+$0x0]  }
0x1e5: {  	v15 =	vld [tilespmem:s5+$0x10]  }
0x1e6: {  	v16 =	vld [tilespmem:s5+$0x20]  }
0x1e7: {  	v17 =	vld [tilespmem:s5+$0x30]  }
0x1e8: {  	v18 =	vld [tilespmem:s5+$0x40]  }
0x1e9: {  	v19 =	vld [tilespmem:s5+$0x50];
	s7 =	simm.s32 $0x0  }
0x1ea: {  	v20 =	vld [tilespmem:s5+$0x60];
	[tilespmem:s7], [sflag:$0x1] =	stream.linear.gather [hbm4b:s21+s7], $0xC800, $0x38  }
0x1eb: {  	_ =	swait.ge [sflag:s30], $0xC800  }
0x1ec: {  	[sflag:s30] =	ssyncset.done $0x0  }
0x1ed: {  	s7 =	simm.s32 $0x0;
	[sflag:s30] =	ssyncadd.s32 $0xFFFF3800  }
0x1ee: {  	v21 =	vld [tilespmem:s7+$0xC870]  }
0x1ef: {  	v22 =	vld [tilespmem:s7+$0xC800]  }
0x1f0: {  	v2 =	vmax.f32 v2, v8;
	v23 =	vld [tilespmem:s7+$0xC810]  }
0x1f1: {  	v0 =	vmax.f32 v0, v9;
	v3 =	vmax.f32 v3, v10;
	v4 =	vmax.f32 v4, v11;
	v8 =	vld [tilespmem:s7+$0xC820]  }
0x1f2: {  	v1 =	vmax.f32 v1, v12;
	v5 =	vmax.f32 v5, v13;
	v6 =	vmax.f32 v6, v14;
	v9 =	vld [tilespmem:s7+$0xC830]  }
0x1f3: {  	v7 =	vmax.f32 v7, v15;
	v2 =	vmax.f32 v2, v16;
	v0 =	vmax.f32 v0, v17;
	v10 =	vld [tilespmem:s7+$0xC840]  }
0x1f4: {  	v3 =	vmax.f32 v3, v18;
	v4 =	vmax.f32 v4, v19;
	v1 =	vmax.f32 v1, v20;
	v11 =	vld [tilespmem:s7+$0xC850]  }
0x1f5: {  	s5 =	simm.s32 $0x80;
	s6 =	simm.s32 $0x400;
	v12 =	vld [tilespmem:s7+$0xC860];
	v5 =	vmax.f32 v5, v21;
	v6 =	vmax.f32 v6, v22;
	v7 =	vmax.f32 v7, v23  }
.LBB2_36:
0x1f6: {  	p1 =	sne.s32 s6, $0x31E00;
	v13 =	vld [tilespmem:s5+$0xC870];
	v2 =	vmax.f32 v2, v8  }
0x1f7: {  	v14 =	vld [tilespmem:s5+$0xC800];
	v0 =	vmax.f32 v0, v9  }
0x1f8: {  	v15 =	vld [tilespmem:s5+$0xC810];
	v3 =	vmax.f32 v3, v10  }
.Ltmp19:
0x1f9: {  	v8 =	vld [tilespmem:s5+$0xC820];
	v4 =	vmax.f32 v4, v11;
	(pc) =	sbr.rel @p1 .LBB2_36-.Ltmp19, $4  }
0x1fa: {  	v9 =	vld [tilespmem:s5+$0xC830];
	v1 =	vmax.f32 v1, v12  }
0x1fb: {  	v10 =	vld [tilespmem:s5+$0xC840];
	v5 =	vmax.f32 v5, v13  }
0x1fc: {  	v6 =	vmax.f32 v6, v14;
	v11 =	vld [tilespmem:s5+$0xC850]  }
0x1fd: {  	v7 =	vmax.f32 v7, v15;
	v12 =	vld [tilespmem:s5+$0xC860];
	s5 =	sshra.s32 s6, $0x2;
	s6 =	sadd.s32 $0x200, s6  }
0x1fe: {  	v13 =	vld [tilespmem:s5+$0xC870]  }
0x1ff: {  	v14 =	vld [tilespmem:s5+$0xC800]  }
0x200: {  	v15 =	vld [tilespmem:s5+$0xC810]  }
0x201: {  	v16 =	vld [tilespmem:s5+$0xC820]  }
0x202: {  	v17 =	vld [tilespmem:s5+$0xC830]  }
0x203: {  	v18 =	vld [tilespmem:s5+$0xC840]  }
0x204: {  	v19 =	vld [tilespmem:s5+$0xC850];
	s7 =	simm.s32 $0x0  }
0x205: {  	v20 =	vld [tilespmem:s5+$0xC860];
	[tilespmem:s0], [sflag:$0x2] =	stream.linear.gather [hbm4b:s22+s7], $0xC800, $0x38  }
0x206: {  	_ =	swait.ge [sflag:s1], $0xC800  }
0x207: {  	[sflag:s1] =	ssyncset.done $0x0  }
0x208: {  	s7 =	simm.s32 $0x0;
	[sflag:s1] =	ssyncadd.s32 $0xFFFF3800  }
0x209: {  	v21 =	vld [tilespmem:s7+$0x70]  }
0x20a: {  	v22 =	vld [tilespmem:s7+$0x0]  }
0x20b: {  	v2 =	vmax.f32 v2, v8;
	v23 =	vld [tilespmem:s7+$0x10]  }
0x20c: {  	v0 =	vmax.f32 v0, v9;
	v3 =	vmax.f32 v3, v10;
	v4 =	vmax.f32 v4, v11;
	v8 =	vld [tilespmem:s7+$0x20]  }
0x20d: {  	v1 =	vmax.f32 v1, v12;
	v5 =	vmax.f32 v5, v13;
	v6 =	vmax.f32 v6, v14;
	v9 =	vld [tilespmem:s7+$0x30]  }
0x20e: {  	v7 =	vmax.f32 v7, v15;
	v2 =	vmax.f32 v2, v16;
	v0 =	vmax.f32 v0, v17;
	v10 =	vld [tilespmem:s7+$0x40]  }
0x20f: {  	v3 =	vmax.f32 v3, v18;
	v4 =	vmax.f32 v4, v19;
	v1 =	vmax.f32 v1, v20;
	v11 =	vld [tilespmem:s7+$0x50]  }
0x210: {  	s5 =	simm.s32 $0x80;
	s6 =	simm.s32 $0x400;
	v12 =	vld [tilespmem:s7+$0x60];
	v5 =	vmax.f32 v5, v21;
	v6 =	vmax.f32 v6, v22;
	v7 =	vmax.f32 v7, v23  }
.LBB2_38:
0x211: {  	p1 =	sne.s32 s6, $0x31E00;
	v13 =	vld [tilespmem:s5+$0x70];
	v2 =	vmax.f32 v2, v8  }
0x212: {  	v14 =	vld [tilespmem:s5+$0x0];
	v0 =	vmax.f32 v0, v9  }
0x213: {  	v15 =	vld [tilespmem:s5+$0x10];
	v3 =	vmax.f32 v3, v10  }
.Ltmp20:
0x214: {  	v8 =	vld [tilespmem:s5+$0x20];
	v4 =	vmax.f32 v4, v11;
	(pc) =	sbr.rel @p1 .LBB2_38-.Ltmp20, $4  }
0x215: {  	v9 =	vld [tilespmem:s5+$0x30];
	v1 =	vmax.f32 v1, v12  }
0x216: {  	v10 =	vld [tilespmem:s5+$0x40];
	v5 =	vmax.f32 v5, v13  }
0x217: {  	v6 =	vmax.f32 v6, v14;
	v11 =	vld [tilespmem:s5+$0x50]  }
0x218: {  	v7 =	vmax.f32 v7, v15;
	v12 =	vld [tilespmem:s5+$0x60];
	s5 =	sshra.s32 s6, $0x2;
	s6 =	sadd.s32 $0x200, s6  }
0x219: {  	v13 =	vld [tilespmem:s5+$0x70]  }
0x21a: {  	v14 =	vld [tilespmem:s5+$0x0]  }
0x21b: {  	v15 =	vld [tilespmem:s5+$0x10]  }
0x21c: {  	v16 =	vld [tilespmem:s5+$0x20]  }
0x21d: {  	v17 =	vld [tilespmem:s5+$0x30]  }
0x21e: {  	v18 =	vld [tilespmem:s5+$0x40]  }
0x21f: {  	v19 =	vld [tilespmem:s5+$0x50];
	s7 =	simm.s32 $0x0  }
0x220: {  	v20 =	vld [tilespmem:s5+$0x60];
	[tilespmem:s7], [sflag:$0x1] =	stream.linear.gather [hbm4b:s23+s7], $0xC800, $0x38  }
0x221: {  	_ =	swait.ge [sflag:s30], $0xC800  }
0x222: {  	[sflag:s30] =	ssyncset.done $0x0  }
0x223: {  	s7 =	simm.s32 $0x0;
	[sflag:s30] =	ssyncadd.s32 $0xFFFF3800  }
0x224: {  	v21 =	vld [tilespmem:s7+$0xC870]  }
0x225: {  	v22 =	vld [tilespmem:s7+$0xC800]  }
0x226: {  	v2 =	vmax.f32 v2, v8;
	v23 =	vld [tilespmem:s7+$0xC810]  }
0x227: {  	v0 =	vmax.f32 v0, v9;
	v3 =	vmax.f32 v3, v10;
	v4 =	vmax.f32 v4, v11;
	v8 =	vld [tilespmem:s7+$0xC820]  }
0x228: {  	v1 =	vmax.f32 v1, v12;
	v5 =	vmax.f32 v5, v13;
	v6 =	vmax.f32 v6, v14;
	v9 =	vld [tilespmem:s7+$0xC830]  }
0x229: {  	v7 =	vmax.f32 v7, v15;
	v2 =	vmax.f32 v2, v16;
	v0 =	vmax.f32 v0, v17;
	v10 =	vld [tilespmem:s7+$0xC840]  }
0x22a: {  	v3 =	vmax.f32 v3, v18;
	v4 =	vmax.f32 v4, v19;
	v1 =	vmax.f32 v1, v20;
	v11 =	vld [tilespmem:s7+$0xC850]  }
0x22b: {  	s5 =	simm.s32 $0x80;
	s6 =	simm.s32 $0x400;
	v12 =	vld [tilespmem:s7+$0xC860];
	v5 =	vmax.f32 v5, v21;
	v6 =	vmax.f32 v6, v22;
	v7 =	vmax.f32 v7, v23  }
.LBB2_40:
0x22c: {  	p1 =	sne.s32 s6, $0x31E00;
	v13 =	vld [tilespmem:s5+$0xC870];
	v2 =	vmax.f32 v2, v8  }
0x22d: {  	v14 =	vld [tilespmem:s5+$0xC800];
	v0 =	vmax.f32 v0, v9  }
0x22e: {  	v15 =	vld [tilespmem:s5+$0xC810];
	v3 =	vmax.f32 v3, v10  }
.Ltmp21:
0x22f: {  	v8 =	vld [tilespmem:s5+$0xC820];
	v4 =	vmax.f32 v4, v11;
	(pc) =	sbr.rel @p1 .LBB2_40-.Ltmp21, $4  }
0x230: {  	v9 =	vld [tilespmem:s5+$0xC830];
	v1 =	vmax.f32 v1, v12  }
0x231: {  	v10 =	vld [tilespmem:s5+$0xC840];
	v5 =	vmax.f32 v5, v13  }
0x232: {  	v6 =	vmax.f32 v6, v14;
	v11 =	vld [tilespmem:s5+$0xC850]  }
0x233: {  	v7 =	vmax.f32 v7, v15;
	v12 =	vld [tilespmem:s5+$0xC860];
	s5 =	sshra.s32 s6, $0x2;
	s6 =	sadd.s32 $0x200, s6  }
0x234: {  	v13 =	vld [tilespmem:s5+$0xC870]  }
0x235: {  	v14 =	vld [tilespmem:s5+$0xC800]  }
0x236: {  	v15 =	vld [tilespmem:s5+$0xC810]  }
0x237: {  	v16 =	vld [tilespmem:s5+$0xC820]  }
0x238: {  	v17 =	vld [tilespmem:s5+$0xC830]  }
0x239: {  	v18 =	vld [tilespmem:s5+$0xC840]  }
0x23a: {  	v19 =	vld [tilespmem:s5+$0xC850];
	s7 =	simm.s32 $0x0  }
0x23b: {  	v20 =	vld [tilespmem:s5+$0xC860];
	[tilespmem:s0], [sflag:$0x2] =	stream.linear.gather [hbm4b:s24+s7], $0xC800, $0x38  }
0x23c: {  	_ =	swait.ge [sflag:s1], $0xC800  }
0x23d: {  	[sflag:s1] =	ssyncset.done $0x0  }
0x23e: {  	s7 =	simm.s32 $0x0;
	[sflag:s1] =	ssyncadd.s32 $0xFFFF3800  }
0x23f: {  	v21 =	vld [tilespmem:s7+$0x70]  }
0x240: {  	v22 =	vld [tilespmem:s7+$0x0]  }
0x241: {  	v2 =	vmax.f32 v2, v8;
	v23 =	vld [tilespmem:s7+$0x10]  }
0x242: {  	v0 =	vmax.f32 v0, v9;
	v3 =	vmax.f32 v3, v10;
	v4 =	vmax.f32 v4, v11;
	v8 =	vld [tilespmem:s7+$0x20]  }
0x243: {  	v1 =	vmax.f32 v1, v12;
	v5 =	vmax.f32 v5, v13;
	v6 =	vmax.f32 v6, v14;
	v9 =	vld [tilespmem:s7+$0x30]  }
0x244: {  	v7 =	vmax.f32 v7, v15;
	v2 =	vmax.f32 v2, v16;
	v0 =	vmax.f32 v0, v17;
	v10 =	vld [tilespmem:s7+$0x40]  }
0x245: {  	v3 =	vmax.f32 v3, v18;
	v4 =	vmax.f32 v4, v19;
	v1 =	vmax.f32 v1, v20;
	v11 =	vld [tilespmem:s7+$0x50]  }
0x246: {  	s5 =	simm.s32 $0x80;
	s6 =	simm.s32 $0x400;
	v12 =	vld [tilespmem:s7+$0x60];
	v5 =	vmax.f32 v5, v21;
	v6 =	vmax.f32 v6, v22;
	v7 =	vmax.f32 v7, v23  }
.LBB2_42:
0x247: {  	p1 =	sne.s32 s6, $0x31E00;
	v13 =	vld [tilespmem:s5+$0x70];
	v2 =	vmax.f32 v2, v8  }
0x248: {  	v14 =	vld [tilespmem:s5+$0x0];
	v0 =	vmax.f32 v0, v9  }
0x249: {  	v15 =	vld [tilespmem:s5+$0x10];
	v3 =	vmax.f32 v3, v10  }
.Ltmp22:
0x24a: {  	v8 =	vld [tilespmem:s5+$0x20];
	v4 =	vmax.f32 v4, v11;
	(pc) =	sbr.rel @p1 .LBB2_42-.Ltmp22, $4  }
0x24b: {  	v9 =	vld [tilespmem:s5+$0x30];
	v1 =	vmax.f32 v1, v12  }
0x24c: {  	v10 =	vld [tilespmem:s5+$0x40];
	v5 =	vmax.f32 v5, v13  }
0x24d: {  	v6 =	vmax.f32 v6, v14;
	v11 =	vld [tilespmem:s5+$0x50]  }
0x24e: {  	v7 =	vmax.f32 v7, v15;
	v12 =	vld [tilespmem:s5+$0x60];
	s5 =	sshra.s32 s6, $0x2;
	s6 =	sadd.s32 $0x200, s6  }
0x24f: {  	v13 =	vld [tilespmem:s5+$0x70]  }
0x250: {  	v14 =	vld [tilespmem:s5+$0x0]  }
0x251: {  	v15 =	vld [tilespmem:s5+$0x10]  }
0x252: {  	v16 =	vld [tilespmem:s5+$0x20]  }
0x253: {  	v17 =	vld [tilespmem:s5+$0x30]  }
0x254: {  	v18 =	vld [tilespmem:s5+$0x40]  }
0x255: {  	v19 =	vld [tilespmem:s5+$0x50];
	s7 =	simm.s32 $0x0  }
0x256: {  	v20 =	vld [tilespmem:s5+$0x60];
	[tilespmem:s7], [sflag:$0x1] =	stream.linear.gather [hbm4b:s25+s7], $0xC800, $0x38  }
0x257: {  	_ =	swait.ge [sflag:s30], $0xC800  }
0x258: {  	[sflag:s30] =	ssyncset.done $0x0  }
0x259: {  	s7 =	simm.s32 $0x0;
	[sflag:s30] =	ssyncadd.s32 $0xFFFF3800  }
0x25a: {  	v21 =	vld [tilespmem:s7+$0xC870]  }
0x25b: {  	v22 =	vld [tilespmem:s7+$0xC800]  }
0x25c: {  	v2 =	vmax.f32 v2, v8;
	v23 =	vld [tilespmem:s7+$0xC810]  }
0x25d: {  	v0 =	vmax.f32 v0, v9;
	v3 =	vmax.f32 v3, v10;
	v4 =	vmax.f32 v4, v11;
	v8 =	vld [tilespmem:s7+$0xC820]  }
0x25e: {  	v1 =	vmax.f32 v1, v12;
	v5 =	vmax.f32 v5, v13;
	v6 =	vmax.f32 v6, v14;
	v9 =	vld [tilespmem:s7+$0xC830]  }
0x25f: {  	v7 =	vmax.f32 v7, v15;
	v2 =	vmax.f32 v2, v16;
	v0 =	vmax.f32 v0, v17;
	v10 =	vld [tilespmem:s7+$0xC840]  }
0x260: {  	v3 =	vmax.f32 v3, v18;
	v4 =	vmax.f32 v4, v19;
	v1 =	vmax.f32 v1, v20;
	v11 =	vld [tilespmem:s7+$0xC850]  }
0x261: {  	s5 =	simm.s32 $0x80;
	s6 =	simm.s32 $0x400;
	v12 =	vld [tilespmem:s7+$0xC860];
	v5 =	vmax.f32 v5, v21;
	v6 =	vmax.f32 v6, v22;
	v7 =	vmax.f32 v7, v23  }
.LBB2_44:
0x262: {  	p1 =	sne.s32 s6, $0x31E00;
	v13 =	vld [tilespmem:s5+$0xC870];
	v2 =	vmax.f32 v2, v8  }
0x263: {  	v14 =	vld [tilespmem:s5+$0xC800];
	v0 =	vmax.f32 v0, v9  }
0x264: {  	v15 =	vld [tilespmem:s5+$0xC810];
	v3 =	vmax.f32 v3, v10  }
.Ltmp23:
0x265: {  	v8 =	vld [tilespmem:s5+$0xC820];
	v4 =	vmax.f32 v4, v11;
	(pc) =	sbr.rel @p1 .LBB2_44-.Ltmp23, $4  }
0x266: {  	v9 =	vld [tilespmem:s5+$0xC830];
	v1 =	vmax.f32 v1, v12  }
0x267: {  	v10 =	vld [tilespmem:s5+$0xC840];
	v5 =	vmax.f32 v5, v13  }
0x268: {  	v6 =	vmax.f32 v6, v14;
	v11 =	vld [tilespmem:s5+$0xC850]  }
0x269: {  	v7 =	vmax.f32 v7, v15;
	v12 =	vld [tilespmem:s5+$0xC860];
	s5 =	sshra.s32 s6, $0x2;
	s6 =	sadd.s32 $0x200, s6  }
0x26a: {  	v13 =	vld [tilespmem:s5+$0xC870]  }
0x26b: {  	v14 =	vld [tilespmem:s5+$0xC800]  }
0x26c: {  	v15 =	vld [tilespmem:s5+$0xC810]  }
0x26d: {  	v16 =	vld [tilespmem:s5+$0xC820]  }
0x26e: {  	v17 =	vld [tilespmem:s5+$0xC830]  }
0x26f: {  	v18 =	vld [tilespmem:s5+$0xC840]  }
0x270: {  	v19 =	vld [tilespmem:s5+$0xC850];
	s7 =	simm.s32 $0x0  }
0x271: {  	v20 =	vld [tilespmem:s5+$0xC860];
	[tilespmem:s0], [sflag:$0x2] =	stream.linear.gather [hbm4b:s26+s7], $0xC800, $0x38  }
0x272: {  	_ =	swait.ge [sflag:s1], $0xC800  }
0x273: {  	[sflag:s1] =	ssyncset.done $0x0  }
0x274: {  	s7 =	simm.s32 $0x0;
	[sflag:s1] =	ssyncadd.s32 $0xFFFF3800  }
0x275: {  	v21 =	vld [tilespmem:s7+$0x70]  }
0x276: {  	v22 =	vld [tilespmem:s7+$0x0]  }
0x277: {  	v2 =	vmax.f32 v2, v8;
	v23 =	vld [tilespmem:s7+$0x10]  }
0x278: {  	v0 =	vmax.f32 v0, v9;
	v3 =	vmax.f32 v3, v10;
	v4 =	vmax.f32 v4, v11;
	v8 =	vld [tilespmem:s7+$0x20]  }
0x279: {  	v1 =	vmax.f32 v1, v12;
	v5 =	vmax.f32 v5, v13;
	v6 =	vmax.f32 v6, v14;
	v9 =	vld [tilespmem:s7+$0x30]  }
0x27a: {  	v7 =	vmax.f32 v7, v15;
	v2 =	vmax.f32 v2, v16;
	v0 =	vmax.f32 v0, v17;
	v10 =	vld [tilespmem:s7+$0x40]  }
0x27b: {  	v3 =	vmax.f32 v3, v18;
	v4 =	vmax.f32 v4, v19;
	v1 =	vmax.f32 v1, v20;
	v11 =	vld [tilespmem:s7+$0x50]  }
0x27c: {  	s5 =	simm.s32 $0x80;
	s6 =	simm.s32 $0x400;
	v12 =	vld [tilespmem:s7+$0x60];
	v5 =	vmax.f32 v5, v21;
	v6 =	vmax.f32 v6, v22;
	v7 =	vmax.f32 v7, v23  }
.LBB2_46:
0x27d: {  	p1 =	sne.s32 s6, $0x31E00;
	v13 =	vld [tilespmem:s5+$0x70];
	v2 =	vmax.f32 v2, v8  }
0x27e: {  	v14 =	vld [tilespmem:s5+$0x0];
	v0 =	vmax.f32 v0, v9  }
0x27f: {  	v15 =	vld [tilespmem:s5+$0x10];
	v3 =	vmax.f32 v3, v10  }
.Ltmp24:
0x280: {  	v8 =	vld [tilespmem:s5+$0x20];
	v4 =	vmax.f32 v4, v11;
	(pc) =	sbr.rel @p1 .LBB2_46-.Ltmp24, $4  }
0x281: {  	v9 =	vld [tilespmem:s5+$0x30];
	v1 =	vmax.f32 v1, v12  }
0x282: {  	v10 =	vld [tilespmem:s5+$0x40];
	v5 =	vmax.f32 v5, v13  }
0x283: {  	v6 =	vmax.f32 v6, v14;
	v11 =	vld [tilespmem:s5+$0x50]  }
0x284: {  	v7 =	vmax.f32 v7, v15;
	v12 =	vld [tilespmem:s5+$0x60];
	s5 =	sshra.s32 s6, $0x2;
	s6 =	sadd.s32 $0x200, s6  }
0x285: {  	v13 =	vld [tilespmem:s5+$0x70]  }
0x286: {  	v14 =	vld [tilespmem:s5+$0x0]  }
0x287: {  	v15 =	vld [tilespmem:s5+$0x10]  }
0x288: {  	v16 =	vld [tilespmem:s5+$0x20]  }
0x289: {  	v17 =	vld [tilespmem:s5+$0x30]  }
0x28a: {  	v18 =	vld [tilespmem:s5+$0x40]  }
0x28b: {  	v19 =	vld [tilespmem:s5+$0x50];
	s7 =	simm.s32 $0x0  }
0x28c: {  	v20 =	vld [tilespmem:s5+$0x60];
	[tilespmem:s7], [sflag:$0x1] =	stream.linear.gather [hbm4b:s28+s7], $0xC800, $0x38  }
0x28d: {  	_ =	swait.ge [sflag:s30], $0xC800  }
0x28e: {  	[sflag:s30] =	ssyncset.done $0x0  }
0x28f: {  	s7 =	simm.s32 $0x0;
	[sflag:s30] =	ssyncadd.s32 $0xFFFF3800  }
0x290: {  	v21 =	vld [tilespmem:s7+$0xC870]  }
0x291: {  	v22 =	vld [tilespmem:s7+$0xC800]  }
0x292: {  	v2 =	vmax.f32 v2, v8;
	v23 =	vld [tilespmem:s7+$0xC810]  }
0x293: {  	v0 =	vmax.f32 v0, v9;
	v3 =	vmax.f32 v3, v10;
	v4 =	vmax.f32 v4, v11;
	v8 =	vld [tilespmem:s7+$0xC820]  }
0x294: {  	v1 =	vmax.f32 v1, v12;
	v5 =	vmax.f32 v5, v13;
	v6 =	vmax.f32 v6, v14;
	v9 =	vld [tilespmem:s7+$0xC830]  }
0x295: {  	v7 =	vmax.f32 v7, v15;
	v2 =	vmax.f32 v2, v16;
	v0 =	vmax.f32 v0, v17;
	v10 =	vld [tilespmem:s7+$0xC840]  }
0x296: {  	v3 =	vmax.f32 v3, v18;
	v4 =	vmax.f32 v4, v19;
	v1 =	vmax.f32 v1, v20;
	v11 =	vld [tilespmem:s7+$0xC850]  }
0x297: {  	s5 =	simm.s32 $0x80;
	s6 =	simm.s32 $0x400;
	v12 =	vld [tilespmem:s7+$0xC860];
	v5 =	vmax.f32 v5, v21;
	v6 =	vmax.f32 v6, v22;
	v7 =	vmax.f32 v7, v23  }
.LBB2_48:
0x298: {  	p1 =	sne.s32 s6, $0x31E00;
	v13 =	vld [tilespmem:s5+$0xC870];
	v2 =	vmax.f32 v2, v8  }
0x299: {  	v14 =	vld [tilespmem:s5+$0xC800];
	v0 =	vmax.f32 v0, v9  }
0x29a: {  	v15 =	vld [tilespmem:s5+$0xC810];
	v3 =	vmax.f32 v3, v10  }
.Ltmp25:
0x29b: {  	v8 =	vld [tilespmem:s5+$0xC820];
	v4 =	vmax.f32 v4, v11;
	(pc) =	sbr.rel @p1 .LBB2_48-.Ltmp25, $4  }
0x29c: {  	v9 =	vld [tilespmem:s5+$0xC830];
	v1 =	vmax.f32 v1, v12  }
0x29d: {  	v10 =	vld [tilespmem:s5+$0xC840];
	v5 =	vmax.f32 v5, v13  }
0x29e: {  	v6 =	vmax.f32 v6, v14;
	v11 =	vld [tilespmem:s5+$0xC850]  }
0x29f: {  	v7 =	vmax.f32 v7, v15;
	v12 =	vld [tilespmem:s5+$0xC860];
	s5 =	sshra.s32 s6, $0x2;
	s6 =	sadd.s32 $0x200, s6  }
0x2a0: {  	v13 =	vld [tilespmem:s5+$0xC870]  }
0x2a1: {  	v14 =	vld [tilespmem:s5+$0xC800]  }
0x2a2: {  	v15 =	vld [tilespmem:s5+$0xC810]  }
0x2a3: {  	v16 =	vld [tilespmem:s5+$0xC820]  }
0x2a4: {  	v17 =	vld [tilespmem:s5+$0xC830]  }
0x2a5: {  	v18 =	vld [tilespmem:s5+$0xC840]  }
0x2a6: {  	v19 =	vld [tilespmem:s5+$0xC850]  }
0x2a7: {  	v20 =	vld [tilespmem:s5+$0xC860];
	_ =	swait.ge [sflag:s1], $0xC800  }
0x2a8: {  	[sflag:s1] =	ssyncset.done $0x0  }
0x2a9: {  	s7 =	simm.s32 $0x0;
	[sflag:s1] =	ssyncadd.s32 $0xFFFF3800  }
0x2aa: {  	v21 =	vld [tilespmem:s7+$0x70]  }
0x2ab: {  	v22 =	vld [tilespmem:s7+$0x0]  }
0x2ac: {  	v2 =	vmax.f32 v2, v8;
	v23 =	vld [tilespmem:s7+$0x10]  }
0x2ad: {  	v0 =	vmax.f32 v0, v9;
	v3 =	vmax.f32 v3, v10;
	v9 =	vmax.f32 v4, v11;
	v8 =	vld [tilespmem:s7+$0x20]  }
0x2ae: {  	v1 =	vmax.f32 v1, v12;
	v10 =	vmax.f32 v5, v13;
	v11 =	vmax.f32 v6, v14;
	v6 =	vld [tilespmem:s7+$0x30]  }
0x2af: {  	v12 =	vmax.f32 v7, v15;
	v5 =	vmax.f32 v2, v16;
	v4 =	vmax.f32 v0, v17;
	v7 =	vld [tilespmem:s7+$0x40]  }
0x2b0: {  	v3 =	vmax.f32 v3, v18;
	v2 =	vmax.f32 v9, v19;
	v1 =	vmax.f32 v1, v20;
	v9 =	vld [tilespmem:s7+$0x50]  }
0x2b1: {  	s5 =	simm.s32 $0x80;
	s6 =	simm.s32 $0x400;
	v0 =	vmax.f32 v10, v21;
	v11 =	vmax.f32 v11, v22;
	v12 =	vmax.f32 v12, v23;
	v10 =	vld [tilespmem:s7+$0x60]  }
.LBB2_50:
0x2b2: {  	p1 =	sne.s32 s6, $0x31E00;
	v13 =	vld [tilespmem:s5+$0x70];
	v5 =	vmax.f32 v5, v8  }
0x2b3: {  	v14 =	vld [tilespmem:s5+$0x0];
	v4 =	vmax.f32 v4, v6  }
0x2b4: {  	v15 =	vld [tilespmem:s5+$0x10];
	v3 =	vmax.f32 v3, v7  }
.Ltmp26:
0x2b5: {  	v8 =	vld [tilespmem:s5+$0x20];
	v2 =	vmax.f32 v2, v9;
	(pc) =	sbr.rel @p1 .LBB2_50-.Ltmp26, $4  }
0x2b6: {  	v6 =	vld [tilespmem:s5+$0x30];
	v1 =	vmax.f32 v1, v10  }
0x2b7: {  	v7 =	vld [tilespmem:s5+$0x40];
	v0 =	vmax.f32 v0, v13  }
0x2b8: {  	v11 =	vmax.f32 v11, v14;
	v9 =	vld [tilespmem:s5+$0x50]  }
0x2b9: {  	v12 =	vmax.f32 v12, v15;
	v10 =	vld [tilespmem:s5+$0x60];
	s5 =	sshra.s32 s6, $0x2;
	s6 =	sadd.s32 $0x200, s6  }
0x2ba: {  	v13 =	vld [tilespmem:s5+$0x70]  }
0x2bb: {  	v14 =	vld [tilespmem:s5+$0x0]  }
0x2bc: {  	v15 =	vld [tilespmem:s5+$0x10]  }
0x2bd: {  	v16 =	vld [tilespmem:s5+$0x20]  }
0x2be: {  	v17 =	vld [tilespmem:s5+$0x30]  }
0x2bf: {  	v18 =	vld [tilespmem:s5+$0x40]  }
0x2c0: {  	v19 =	vld [tilespmem:s5+$0x50];
	v11 =	vmax.f32 v11, v14  }
0x2c1: {  	v62 =	vld [tilespmem:s5+$0x60];
	v5 =	vmax.f32 v5, v8;
	v63 =	vmax.f32 v12, v15;
	[tilespmem:$0x19000] =	vst v11  }
0x2c2: {  	v4 =	vmax.f32 v4, v6;
	v5 =	vmax.f32 v5, v16;
	[tilespmem:$0x19010] =	vst v63  }
0x2c3: {  	v3 =	vmax.f32 v3, v7;
	v4 =	vmax.f32 v4, v17;
	[tilespmem:$0x19020] =	vst v5  }
0x2c4: {  	v2 =	vmax.f32 v2, v9;
	v3 =	vmax.f32 v3, v18;
	[tilespmem:$0x19030] =	vst v4  }
0x2c5: {  	v1 =	vmax.f32 v1, v10;
	v2 =	vmax.f32 v2, v19;
	[tilespmem:$0x19040] =	vst v3  }
0x2c6: {  	v1 =	vmax.f32 v1, v62;
	[tilespmem:$0x19050] =	vst v2  }
0x2c7: {  	v0 =	vmax.f32 v0, v13;
	[tilespmem:$0x19060] =	vst v1  }
0x2c8: {  	s7 =	simm.s32 $0x19000;
	[tilespmem:$0x19070] =	vst v0  }
0x2c9: {  	[spmem:s29] =	stream.linear.scatter [tilespmem:s7], [sflag:$0x3], $0x80, $0x38;
	[tilespmem:$0x19900] =	vst v63  }
.Ltmp27:
0x2ca: {  	_ =	swait.ge [sflag:s3], $0x80;
	(pc) =	sbr.rel @p0 .LBB2_53-.Ltmp27, $3  }
0x2cb: {  	[sflag:s3] =	ssyncset.done $0x0  }
0x2cc: {  	[sflag:s3] =	ssyncadd.s32 $0xFFFFFF80  }
0x2cd: {  	[bflag:$0x0] =	sbarrier.arrive $0xFFFF;
	_ =	sdelay $0x1  }
0x2ce: {  	s5 =	rddreg [dreg:$0x2];
	s6 =	simm.s32 $0x19080  }
0x2cf: {  	[tilespmem:s6], [sflag:$0x3] =	stream.linear.gather [spmem:s5], $0x800, $0x38;
	[tilespmem:$0x19900] =	vst v63  }
0x2d0: {  	_ =	swait.ge [sflag:s3], $0x800  }
0x2d1: {  	[sflag:s3] =	ssyncset.done $0x0  }
0x2d2: {  	[sflag:s3] =	ssyncadd.s32 $0xFFFFF800  }
0x2d3: {  	v0 =	vld [tilespmem:$0x19080]  }
0x2d4: {  	v1 =	vld [tilespmem:$0x19090]  }
0x2d5: {  	v2 =	vld [tilespmem:$0x190A0]  }
0x2d6: {  	v3 =	vld [tilespmem:$0x190B0]  }
0x2d7: {  	v62 =	vld [tilespmem:$0x19460]  }
0x2d8: {  	v4 =	vld [tilespmem:$0x190C0]  }
0x2d9: {  	v5 =	vld [tilespmem:$0x190D0]  }
0x2da: {  	v6 =	vld [tilespmem:$0x190E0]  }
0x2db: {  	v7 =	vld [tilespmem:$0x190F0]  }
0x2dc: {  	[tilespmem:$0x1FE30] =	vst v62;
	v62 =	vld [tilespmem:$0x19480]  }
0x2dd: {  	v8 =	vld [tilespmem:$0x19100]  }
0x2de: {  	v9 =	vld [tilespmem:$0x19110]  }
0x2df: {  	v10 =	vld [tilespmem:$0x19120]  }
0x2e0: {  	v11 =	vld [tilespmem:$0x19130]  }
0x2e1: {  	[tilespmem:$0x1FE40] =	vst v62;
	v62 =	vld [tilespmem:$0x19490]  }
0x2e2: {  	v12 =	vld [tilespmem:$0x19140]  }
0x2e3: {  	v13 =	vld [tilespmem:$0x19150]  }
0x2e4: {  	v14 =	vld [tilespmem:$0x19160]  }
0x2e5: {  	v15 =	vld [tilespmem:$0x19170]  }
0x2e6: {  	[tilespmem:$0x1FE50] =	vst v62;
	v62 =	vld [tilespmem:$0x194A0]  }
0x2e7: {  	v16 =	vld [tilespmem:$0x19180]  }
0x2e8: {  	v17 =	vld [tilespmem:$0x19190]  }
0x2e9: {  	v18 =	vld [tilespmem:$0x191A0]  }
0x2ea: {  	v19 =	vld [tilespmem:$0x191B0]  }
0x2eb: {  	[tilespmem:$0x1FE60] =	vst v62;
	v62 =	vld [tilespmem:$0x194B0]  }
0x2ec: {  	v20 =	vld [tilespmem:$0x191C0]  }
0x2ed: {  	v21 =	vld [tilespmem:$0x191D0]  }
0x2ee: {  	v22 =	vld [tilespmem:$0x191E0]  }
0x2ef: {  	v23 =	vld [tilespmem:$0x191F0]  }
0x2f0: {  	[tilespmem:$0x1FE70] =	vst v62;
	v62 =	vld [tilespmem:$0x194C0]  }
0x2f1: {  	v24 =	vld [tilespmem:$0x19200]  }
0x2f2: {  	v25 =	vld [tilespmem:$0x19210]  }
0x2f3: {  	v26 =	vld [tilespmem:$0x19220]  }
0x2f4: {  	v27 =	vld [tilespmem:$0x19230]  }
0x2f5: {  	[tilespmem:$0x1FE80] =	vst v62;
	v62 =	vld [tilespmem:$0x194D0]  }
0x2f6: {  	v28 =	vld [tilespmem:$0x19240]  }
0x2f7: {  	v29 =	vld [tilespmem:$0x19250]  }
0x2f8: {  	v30 =	vld [tilespmem:$0x19260]  }
0x2f9: {  	v31 =	vld [tilespmem:$0x19270]  }
0x2fa: {  	[tilespmem:$0x1FE90] =	vst v62;
	v62 =	vld [tilespmem:$0x194E0]  }
0x2fb: {  	v32 =	vld [tilespmem:$0x19280]  }
0x2fc: {  	v33 =	vld [tilespmem:$0x19290]  }
0x2fd: {  	v34 =	vld [tilespmem:$0x192A0]  }
0x2fe: {  	v35 =	vld [tilespmem:$0x192B0]  }
0x2ff: {  	[tilespmem:$0x1FEA0] =	vst v62;
	v62 =	vld [tilespmem:$0x194F0]  }
0x300: {  	v36 =	vld [tilespmem:$0x192C0]  }
0x301: {  	v37 =	vld [tilespmem:$0x192D0]  }
0x302: {  	v38 =	vld [tilespmem:$0x192E0]  }
0x303: {  	v39 =	vld [tilespmem:$0x192F0]  }
0x304: {  	[tilespmem:$0x1FEB0] =	vst v62;
	v62 =	vld [tilespmem:$0x19500]  }
0x305: {  	v40 =	vld [tilespmem:$0x19300]  }
0x306: {  	v41 =	vld [tilespmem:$0x19310]  }
0x307: {  	v42 =	vld [tilespmem:$0x19320]  }
0x308: {  	v43 =	vld [tilespmem:$0x19330]  }
0x309: {  	[tilespmem:$0x1FEC0] =	vst v62;
	v62 =	vld [tilespmem:$0x19510]  }
0x30a: {  	v44 =	vld [tilespmem:$0x19340]  }
0x30b: {  	v45 =	vld [tilespmem:$0x19350]  }
0x30c: {  	v46 =	vld [tilespmem:$0x19360]  }
0x30d: {  	v47 =	vld [tilespmem:$0x19370]  }
0x30e: {  	[tilespmem:$0x1FED0] =	vst v62;
	v62 =	vld [tilespmem:$0x19520]  }
0x30f: {  	v48 =	vld [tilespmem:$0x19380]  }
0x310: {  	v49 =	vld [tilespmem:$0x19390]  }
0x311: {  	v50 =	vld [tilespmem:$0x193A0]  }
0x312: {  	v51 =	vld [tilespmem:$0x193B0]  }
0x313: {  	[tilespmem:$0x1FEE0] =	vst v62;
	v62 =	vld [tilespmem:$0x19530]  }
0x314: {  	v52 =	vld [tilespmem:$0x193C0]  }
0x315: {  	v53 =	vld [tilespmem:$0x193D0]  }
0x316: {  	v54 =	vld [tilespmem:$0x193E0]  }
0x317: {  	v55 =	vld [tilespmem:$0x193F0]  }
0x318: {  	[tilespmem:$0x1FEF0] =	vst v62;
	v62 =	vld [tilespmem:$0x19540]  }
0x319: {  	v56 =	vld [tilespmem:$0x19400]  }
0x31a: {  	v57 =	vld [tilespmem:$0x19410]  }
0x31b: {  	v58 =	vld [tilespmem:$0x19420]  }
0x31c: {  	v59 =	vld [tilespmem:$0x19430]  }
0x31d: {  	[tilespmem:$0x1FF00] =	vst v62;
	v62 =	vld [tilespmem:$0x19550]  }
0x31e: {  	v60 =	vld [tilespmem:$0x19440]  }
0x31f: {  	v61 =	vld [tilespmem:$0x19450]  }
0x320: {  	v63 =	vld [tilespmem:$0x19470]  }
0x321: {  	v0 =	vmax.f32 v0, v8;
	v8 =	vld [tilespmem:$0x19640]  }
0x322: {  	[tilespmem:$0x1FF10] =	vst v62;
	v62 =	vld [tilespmem:$0x19560]  }
0x323: {  	v1 =	vmax.f32 v1, v9;
	v9 =	vld [tilespmem:$0x19650]  }
0x324: {  	v2 =	vmax.f32 v2, v10;
	v10 =	vld [tilespmem:$0x19660]  }
0x325: {  	v3 =	vmax.f32 v3, v11;
	v11 =	vld [tilespmem:$0x19670]  }
0x326: {  	v4 =	vmax.f32 v4, v12;
	v12 =	vld [tilespmem:$0x19680]  }
0x327: {  	[tilespmem:$0x1FF20] =	vst v62;
	v62 =	vld [tilespmem:$0x19570]  }
0x328: {  	v5 =	vmax.f32 v5, v13;
	v13 =	vld [tilespmem:$0x19690]  }
0x329: {  	v6 =	vmax.f32 v6, v14;
	v14 =	vld [tilespmem:$0x196A0]  }
0x32a: {  	v7 =	vmax.f32 v7, v15;
	v15 =	vld [tilespmem:$0x196B0]  }
0x32b: {  	v0 =	vmax.f32 v0, v16;
	v16 =	vld [tilespmem:$0x196C0]  }
0x32c: {  	[tilespmem:$0x1FF30] =	vst v62;
	v62 =	vld [tilespmem:$0x19580]  }
0x32d: {  	v1 =	vmax.f32 v1, v17;
	v17 =	vld [tilespmem:$0x196D0]  }
0x32e: {  	v2 =	vmax.f32 v2, v18;
	v18 =	vld [tilespmem:$0x196E0]  }
0x32f: {  	v3 =	vmax.f32 v3, v19;
	v19 =	vld [tilespmem:$0x196F0]  }
0x330: {  	v4 =	vmax.f32 v4, v20;
	v20 =	vld [tilespmem:$0x19700]  }
0x331: {  	[tilespmem:$0x1FF40] =	vst v62;
	v62 =	vld [tilespmem:$0x19590]  }
0x332: {  	v5 =	vmax.f32 v5, v21;
	v21 =	vld [tilespmem:$0x19710]  }
0x333: {  	v6 =	vmax.f32 v6, v22;
	v22 =	vld [tilespmem:$0x19720]  }
0x334: {  	v7 =	vmax.f32 v7, v23;
	v23 =	vld [tilespmem:$0x19730]  }
0x335: {  	v0 =	vmax.f32 v0, v24;
	v24 =	vld [tilespmem:$0x19740]  }
0x336: {  	[tilespmem:$0x1FF50] =	vst v62;
	v62 =	vld [tilespmem:$0x195A0]  }
0x337: {  	v1 =	vmax.f32 v1, v25;
	v25 =	vld [tilespmem:$0x19750]  }
0x338: {  	v2 =	vmax.f32 v2, v26;
	v26 =	vld [tilespmem:$0x19760]  }
0x339: {  	v3 =	vmax.f32 v3, v27;
	v27 =	vld [tilespmem:$0x19770]  }
0x33a: {  	v4 =	vmax.f32 v4, v28;
	v28 =	vld [tilespmem:$0x19780]  }
0x33b: {  	v5 =	vmax.f32 v5, v29;
	[tilespmem:$0x1FF60] =	vst v62;
	v62 =	vld [tilespmem:$0x195B0]  }
0x33c: {  	v1 =	vmax.f32 v1, v33;
	v5 =	vmax.f32 v5, v37;
	v37 =	vld [tilespmem:$0x197B0]  }
0x33d: {  	v0 =	vmax.f32 v0, v32;
	v1 =	vmax.f32 v1, v41;
	v41 =	vld [tilespmem:$0x197C0]  }
0x33e: {  	v0 =	vmax.f32 v0, v40;
	v5 =	vmax.f32 v5, v45;
	v45 =	vld [tilespmem:$0x197D0]  }
0x33f: {  	v7 =	vmax.f32 v7, v31;
	v3 =	vmax.f32 v3, v35;
	v0 =	vmax.f32 v0, v48;
	v48 =	vld [tilespmem:$0x1FE30]  }
0x340: {  	v7 =	vmax.f32 v7, v39;
	v3 =	vmax.f32 v3, v43;
	[tilespmem:$0x1FF70] =	vst v62;
	v62 =	vld [tilespmem:$0x195C0]  }
0x341: {  	v7 =	vmax.f32 v7, v47;
	v1 =	vmax.f32 v1, v49;
	v3 =	vmax.f32 v3, v51;
	v49 =	vld [tilespmem:$0x1FE40]  }
0x342: {  	v2 =	vmax.f32 v2, v34;
	v7 =	vmax.f32 v7, v55;
	v3 =	vmax.f32 v3, v59;
	v59 =	vld [tilespmem:$0x19790]  }
0x343: {  	v2 =	vmax.f32 v2, v42;
	v7 =	vmax.f32 v7, v63;
	v63 =	vld [tilespmem:$0x197A0]  }
0x344: {  	v2 =	vmax.f32 v2, v50;
	v50 =	vld [tilespmem:$0x1FE50]  }
0x345: {  	v6 =	vmax.f32 v6, v30;
	v4 =	vmax.f32 v4, v36;
	[tilespmem:$0x1FF80] =	vst v62;
	v62 =	vld [tilespmem:$0x195D0]  }
0x346: {  	v6 =	vmax.f32 v6, v38;
	v4 =	vmax.f32 v4, v44;
	v51 =	vld [tilespmem:$0x1FE60]  }
0x347: {  	v6 =	vmax.f32 v6, v46;
	v4 =	vmax.f32 v4, v52;
	v52 =	vld [tilespmem:$0x1FE70]  }
0x348: {  	v6 =	vmax.f32 v6, v54;
	v54 =	vld [tilespmem:$0x1FE90]  }
0x349: {  	v55 =	vld [tilespmem:$0x1FEA0]  }
0x34a: {  	[tilespmem:$0x1FF90] =	vst v62;
	v62 =	vld [tilespmem:$0x195E0]  }
0x34b: {  	v5 =	vmax.f32 v5, v53;
	v53 =	vld [tilespmem:$0x1FE80]  }
0x34c: {  	v0 =	vmax.f32 v0, v56;
	v5 =	vmax.f32 v5, v61;
	v56 =	vld [tilespmem:$0x1FEB0]  }
0x34d: {  	v6 =	vmax.f32 v6, v48;
	v5 =	vmax.f32 v5, v54;
	v54 =	vld [tilespmem:$0x19800]  }
0x34e: {  	v6 =	vmax.f32 v6, v55;
	v55 =	vld [tilespmem:$0x19810]  }
0x34f: {  	[tilespmem:$0x1FFA0] =	vst v62;
	v62 =	vld [tilespmem:$0x195F0]  }
0x350: {  	v1 =	vmax.f32 v1, v57;
	v57 =	vld [tilespmem:$0x1FEC0]  }
0x351: {  	v7 =	vmax.f32 v7, v56;
	v56 =	vld [tilespmem:$0x19820]  }
0x352: {  	v2 =	vmax.f32 v2, v58;
	v58 =	vld [tilespmem:$0x1FED0]  }
0x353: {  	v4 =	vmax.f32 v4, v60;
	v60 =	vld [tilespmem:$0x1FEE0]  }
0x354: {  	[tilespmem:$0x1FFB0] =	vst v62;
	v62 =	vld [tilespmem:$0x19600]  }
0x355: {  	v61 =	vld [tilespmem:$0x1FEF0]  }
0x356: {  	v34 =	vld [tilespmem:$0x1FF10]  }
0x357: {  	v35 =	vld [tilespmem:$0x1FF20]  }
0x358: {  	v36 =	vld [tilespmem:$0x1FF30]  }
0x359: {  	[tilespmem:$0x1FFC0] =	vst v62;
	v62 =	vld [tilespmem:$0x19610]  }
0x35a: {  	v38 =	vld [tilespmem:$0x1FF40]  }
0x35b: {  	v39 =	vld [tilespmem:$0x1FF50]  }
0x35c: {  	v40 =	vld [tilespmem:$0x1FF60]  }
0x35d: {  	v44 =	vld [tilespmem:$0x1FF90]  }
0x35e: {  	[tilespmem:$0x1FFD0] =	vst v62;
	v62 =	vld [tilespmem:$0x19620]  }
0x35f: {  	v1 =	vmax.f32 v1, v50;
	v50 =	vld [tilespmem:$0x1FFD0]  }
0x360: {  	v0 =	vmax.f32 v0, v49;
	v2 =	vmax.f32 v2, v51;
	v3 =	vmax.f32 v3, v52;
	v42 =	vld [tilespmem:$0x1FF70]  }
0x361: {  	v4 =	vmax.f32 v4, v53;
	v0 =	vmax.f32 v0, v57;
	v1 =	vmax.f32 v1, v58;
	v46 =	vld [tilespmem:$0x1FFA0]  }
0x362: {  	v2 =	vmax.f32 v2, v60;
	v3 =	vmax.f32 v3, v61;
	v5 =	vmax.f32 v5, v34;
	v48 =	vld [tilespmem:$0x1FFC0]  }
0x363: {  	v6 =	vmax.f32 v6, v35;
	v7 =	vmax.f32 v7, v36;
	v1 =	vmax.f32 v1, v39;
	[tilespmem:$0x1FFE0] =	vst v62;
	v62 =	vld [tilespmem:$0x19630]  }
0x364: {  	v0 =	vmax.f32 v0, v38;
	v5 =	vmax.f32 v5, v44;
	v47 =	vld [tilespmem:$0x1FFB0];
	v1 =	vmax.f32 v1, v50  }
0x365: {  	v2 =	vmax.f32 v2, v40;
	v5 =	vmax.f32 v5, v9;
	v51 =	vld [tilespmem:$0x1FFE0];
	v1 =	vmax.f32 v1, v13  }
0x366: {  	v3 =	vmax.f32 v3, v42;
	v43 =	vld [tilespmem:$0x1FF80];
	v5 =	vmax.f32 v5, v17;
	v1 =	vmax.f32 v1, v21  }
0x367: {  	v5 =	vmax.f32 v5, v25;
	v6 =	vmax.f32 v6, v46;
	v1 =	vmax.f32 v1, v59;
	v59 =	vld [tilespmem:$0x19850]  }
0x368: {  	v5 =	vmax.f32 v5, v45;
	v6 =	vmax.f32 v6, v10;
	v0 =	vmax.f32 v0, v48;
	[tilespmem:$0x1FFF0] =	vst v62;
	v62 =	vld [tilespmem:$0x1FF00]  }
0x369: {  	v6 =	vmax.f32 v6, v18;
	v7 =	vmax.f32 v7, v47;
	v0 =	vmax.f32 v0, v12;
	v52 =	vld [tilespmem:$0x1FFF0]  }
0x36a: {  	v49 =	vld [tilespmem:$0x197E0];
	v7 =	vmax.f32 v7, v11;
	v0 =	vmax.f32 v0, v20;
	v2 =	vmax.f32 v2, v51  }
0x36b: {  	v53 =	vld [tilespmem:$0x197F0];
	v7 =	vmax.f32 v7, v19;
	v0 =	vmax.f32 v0, v28;
	v2 =	vmax.f32 v2, v14  }
0x36c: {  	v60 =	vld [tilespmem:$0x19860];
	v0 =	vmax.f32 v0, v54;
	v1 =	vmax.f32 v1, v55;
	v2 =	vmax.f32 v2, v22  }
0x36d: {  	v57 =	vld [tilespmem:$0x19830];
	v2 =	vmax.f32 v2, v63;
	v5 =	vmax.f32 v5, v59;
	v4 =	vmax.f32 v4, v62  }
0x36e: {  	v58 =	vld [tilespmem:$0x19840];
	[tilespmem:$0x19000] =	vst v0;
	v2 =	vmax.f32 v2, v56;
	v4 =	vmax.f32 v4, v43;
	v3 =	vmax.f32 v3, v52  }
0x36f: {  	v61 =	vld [tilespmem:$0x19870];
	[tilespmem:$0x19010] =	vst v1;
	v62 =	vmax.f32 v6, v26;
	v4 =	vmax.f32 v4, v8;
	v3 =	vmax.f32 v3, v15  }
0x370: {  	[tilespmem:$0x19020] =	vst v2;
	v2 =	vmax.f32 v62, v49;
	v4 =	vmax.f32 v4, v16;
	v3 =	vmax.f32 v3, v23  }
0x371: {  	[tilespmem:$0x19050] =	vst v5;
	v0 =	vmax.f32 v2, v60;
	v4 =	vmax.f32 v4, v24;
	v3 =	vmax.f32 v3, v37  }
0x372: {  	v63 =	vmax.f32 v7, v27;
	[tilespmem:$0x19060] =	vst v0;
	v4 =	vmax.f32 v4, v41;
	v3 =	vmax.f32 v3, v57  }
0x373: {  	v4 =	vmax.f32 v4, v58;
	[tilespmem:$0x19030] =	vst v3;
	v3 =	vmax.f32 v63, v53  }
0x374: {  	[tilespmem:$0x19040] =	vst v4;
	v1 =	vmax.f32 v3, v61  }
.Ltmp28:
0x375: {  	s7 =	simm.s32 $0x19000;
	s6 =	rddreg [dreg:$0x9];
	[tilespmem:$0x19070] =	vst v1;
	(pc) =	sbr.rel .LBB2_53-.Ltmp28, $4  }
0x376: {  	[hbm4b:s6+s2] =	stream.linear.scatter [tilespmem:s7], [sflag:$0x3], $0x80, $0x38;
	[tilespmem:$0x19900] =	vst v63  }
0x377: {  	_ =	swait.ge [sflag:s3], $0x80  }
0x378: {  	[sflag:s3] =	ssyncset.done $0x0  }
0x379: {  	[sflag:s3] =	ssyncadd.s32 $0xFFFFFF80  }
.LBB2_54:
0x37a: {  	_ =	sfence.sel $0x180000  }
0x37b: {  	[bflag:$0x0] =	sbarrier.arrive $0xFFFF  }
0x37c: {  	_ =	strace $0x90000047  }
0x37d: {  	[bflag:$0x2] =	sbarrier.arrive $0xFFFF  }
0x37e: {  	s0 =	rddreg [dreg:$0x3]  }
0x37f: {  	s0 =	sadd.s32 @!p0 $0x100000, s0  }
0x380: {  	[sflag:s0] =	ssyncadd.tile.s32 @!p0 $0x1;
	_ =	shalt  }
.Lfunc_end2:
_tile_overlayer_lowered:
.L_overlay_start_2:
0x381: {  	(tag) =	ssettag $0x2  }
0x382: {  	s0 =	rddreg [dreg:$0x0];
	s2 =	stileid.u32  }
0x383: {  	s1 =	rddreg [dreg:$0x1];
	p0 =	sne.s32 s2, $0x0  }
0x384: {  	s3 =	rddreg [dreg:$0x2];
	[bflag:$0x3] =	sbarrier.arrive $0xFFFF;
	s2 =	simm.s32 @!p0 $0x1C03  }
0x385: {  	[timem:s3], [sflag:s2] =	dma.local @!p0 [hbm:s0], s1  }
0x386: {  	s0 =	simm.s32 @!p0 $0x3  }
0x387: {  	_ =	swait.ge @!p0 [sflag:s0], s1  }
0x388: {  	s1 =	ssub.s32 @!p0 $0x0, s1;
	[sflag:s0] =	ssyncset.done @!p0 $0x0  }
0x389: {  	[sflag:s0] =	ssyncadd.s32 @!p0 s1  }
0x38a: {  	[bflag:$0x3] =	sbarrier.arrive $0xFFFF  }
0x38b: {  	_ =	shalt  }

</sc_bundles>
